<compile_context>
chip_gen: v7x
topology: tpu7x:2x2x1
jax: 0.10.2.dev20260603
libtpu: 0.0.44.dev20260713+nightly
codegen_flags: <defaults>
</compile_context>

<pallas_src>
import functools

import jax
import jax.numpy as jnp
from jax import lax
from jax.experimental import pallas as pl
from jax.experimental.pallas import tpu as pltpu
from jax.experimental.pallas import tpu_sc as plsc

N = 10000
D = 128
E = 320000
ACTIVE = 64
CHANNEL = 16

NC = 2
NS = 16
DH = D // NC
K = 128
NBUF = 2
HCHUNKS = 80
CHUNKS = 2 * HCHUNKS
EPT = CHUNKS * K
E_PAD = NS * EPT
RPS = 632
N_PAD = 10016
RPS_LAST = N_PAD - (NS - 1) * RPS
TRS = 632
TRS_LAST = N - (NS - 1) * TRS

SROWS = 79
ROWS_BLK = 1000

def _segsum_body(h_hbm, eidx_hbm, zero_hbm, out_hbm, agg_sp, tab_sp, ebuf,
                 *bufs):
  c = lax.axis_index("c")
  s = lax.axis_index("s")
  rbufs = bufs[:NBUF]
  gsems = bufs[NBUF:2 * NBUF]
  ssems = bufs[2 * NBUF:]

  def gather_start(ch, rb, sem):
    pltpu.async_copy(tab_sp.at[ebuf.at[ch, 0]], rb, sem)

  def gather_wait(ch, rb, sem):
    pltpu.make_async_copy(tab_sp.at[ebuf.at[ch, 0]], rb, sem).wait()

  def scat_start(ch, rb, sem):
    pltpu.async_copy(rb, agg_sp.at[ebuf.at[ch, 1]], sem, add=True)

  def scat_wait(ch, rb, sem):
    pltpu.make_async_copy(rb, agg_sp.at[ebuf.at[ch, 1]], sem).wait()

  ebase = s * CHUNKS
  pltpu.sync_copy(eidx_hbm.at[pl.ds(ebase, HCHUNKS)], ebuf)

  @pl.when(s < NS - 1)
  def _():
    pltpu.sync_copy(h_hbm.at[pl.ds(c * N + s * TRS, TRS)],
                    tab_sp.at[pl.ds(s * TRS, TRS)])
    pltpu.sync_copy(zero_hbm, agg_sp.at[pl.ds(s * RPS, RPS)])

  @pl.when(s == NS - 1)
  def _():
    pltpu.sync_copy(h_hbm.at[pl.ds(c * N + (NS - 1) * TRS, TRS_LAST)],
                    tab_sp.at[pl.ds((NS - 1) * TRS, TRS_LAST)])
    pltpu.sync_copy(zero_hbm.at[pl.ds(0, RPS_LAST)],
                    agg_sp.at[pl.ds((NS - 1) * RPS, RPS_LAST)])

  plsc.subcore_barrier()

  def run_half():
    for i in range(NBUF):
      gather_start(i, rbufs[i], gsems[i])

    def body(j, carry):
      for i in range(NBUF):
        ch = j * NBUF + i
        gather_wait(ch, rbufs[i], gsems[i])
        scat_start(ch, rbufs[i], ssems[i])
      for i in range(NBUF):
        ch = j * NBUF + i
        scat_wait(ch, rbufs[i], ssems[i])
        gather_start(ch + NBUF, rbufs[i], gsems[i])
      return carry

    lax.fori_loop(0, HCHUNKS // NBUF - 1, body, 0)
    last = HCHUNKS - NBUF
    for i in range(NBUF):
      gather_wait(last + i, rbufs[i], gsems[i])
      scat_start(last + i, rbufs[i], ssems[i])
    for i in range(NBUF):
      scat_wait(last + i, rbufs[i], ssems[i])

  run_half()
  pltpu.sync_copy(eidx_hbm.at[pl.ds(ebase + HCHUNKS, HCHUNKS)], ebuf)
  run_half()
  plsc.subcore_barrier()

  @pl.when(s < NS - 1)
  def _():
    pltpu.sync_copy(agg_sp.at[pl.ds(s * RPS, RPS)],
                    out_hbm.at[pl.ds(c * N_PAD + s * RPS, RPS)])

  @pl.when(s == NS - 1)
  def _():
    pltpu.sync_copy(agg_sp.at[pl.ds((NS - 1) * RPS, RPS_LAST)],
                    out_hbm.at[pl.ds(c * N_PAD + (NS - 1) * RPS, RPS_LAST)])


@functools.lru_cache(maxsize=1)
def _make_segsum():
  mesh = plsc.VectorSubcoreMesh(
      core_axis_name="c", subcore_axis_name="s", num_cores=NC, num_subcores=NS)
  return pl.kernel(
      _segsum_body,
      out_type=jax.ShapeDtypeStruct((NC * N_PAD, DH), jnp.float32),
      mesh=mesh,
      scratch_types=(
          [pltpu.VMEM_SHARED((N_PAD, DH), jnp.float32),
           pltpu.VMEM_SHARED((N, DH), jnp.float32),
           pltpu.VMEM((HCHUNKS, 2, K), jnp.int32)]
          + [pltpu.VMEM((K, DH), jnp.float32)] * NBUF
          + [pltpu.SemaphoreType.DMA] * (2 * NBUF)
      ),
      compiler_params=pltpu.CompilerParams(use_tc_tiling_on_sc=False),
  )


def _segsum(h, eidx, zero_rows):
  return _make_segsum()(h, eidx, zero_rows)


def _gin_dense_body(scale_ref, ab_ref, h_ref, a_ref, w_ref, b_ref,
                    aw_ref, hout_ref, score_ref):
  t = (jnp.concatenate([h_ref[0], h_ref[1]], axis=1) * scale_ref[0]
       + jnp.concatenate([a_ref[0], a_ref[1]], axis=1))
  hh = jnp.dot(t, w_ref[...], preferred_element_type=jnp.float32) + b_ref[...]
  hh = jnp.maximum(hh, 0.0)
  hout_ref[0] = hh[:, :DH]
  hout_ref[1] = hh[:, DH:]
  sc = jnp.dot(hh, aw_ref[...], preferred_element_type=jnp.float32) + ab_ref[0]
  score_ref[...] = jax.nn.sigmoid(sc)


def _gin_dense(h2, agg2, W, b, scale, aw, ab):
  nblk = N // ROWS_BLK
  return pl.pallas_call(
      _gin_dense_body,
      grid=(nblk,),
      in_specs=[
          pl.BlockSpec(memory_space=pltpu.SMEM),
          pl.BlockSpec(memory_space=pltpu.SMEM),
          pl.BlockSpec((NC, ROWS_BLK, DH), lambda i: (0, i, 0)),
          pl.BlockSpec((NC, ROWS_BLK, DH), lambda i: (0, i, 0)),
          pl.BlockSpec((D, D), lambda i: (0, 0)),
          pl.BlockSpec((1, D), lambda i: (0, 0)),
          pl.BlockSpec((D, 1), lambda i: (0, 0)),
      ],
      out_specs=[
          pl.BlockSpec((NC, ROWS_BLK, DH), lambda i: (0, i, 0)),
          pl.BlockSpec((ROWS_BLK, 1), lambda i: (i, 0)),
      ],
      out_shape=[
          jax.ShapeDtypeStruct((NC, N, DH), jnp.float32),
          jax.ShapeDtypeStruct((N, 1), jnp.float32),
      ],
  )(scale, ab, h2, agg2.reshape(NC, N_PAD, DH), W, b.reshape(1, D), aw)


def _pool_head_body(h1_ref, h2_ref, h3_ref, s1_ref, s2_ref, s3_ref,
                    convw_ref, convb_ref, fc1w_ref, fc1b_ref, fc2w_ref,
                    fc2b_ref, out_ref, sbuf):
  lin = (lax.broadcasted_iota(jnp.int32, (SROWS, 128), 0) * 128 +
         lax.broadcasted_iota(jnp.int32, (SROWS, 128), 1))
  col_iota = lax.broadcasted_iota(jnp.int32, (ACTIVE, N), 1)
  t_iota = lax.broadcasted_iota(jnp.int32, (ACTIVE, 1), 0)

  sbuf[0] = s1_ref[...]
  sbuf[1] = s2_ref[...]
  sbuf[2] = s3_ref[...]

  def body(t, carry):
    new_carry = []
    for l in range(3):
      idx_vec, m_vec = carry[l]
      sv = sbuf[l]
      m = jnp.max(sv)
      idx = jnp.min(jnp.where(sv == m, lin, jnp.int32(1 << 30)))
      idx_vec = jnp.where(t_iota == t, idx, idx_vec)
      m_vec = jnp.where(t_iota == t, m, m_vec)
      sbuf[l] = jnp.where(lin == idx, -1.0, sv)
      new_carry.append((idx_vec, m_vec))
    return tuple(new_carry)

  init = tuple(
      (jnp.zeros((ACTIVE, 1), jnp.int32), jnp.zeros((ACTIVE, 1), jnp.float32))
      for _ in range(3))
  sel = lax.fori_loop(0, ACTIVE, body, init)

  conv = convb_ref[...]
  for l, h_ref in enumerate((h1_ref, h2_ref, h3_ref)):
    idx_vec, m_vec = sel[l]
    oh = jnp.where(col_iota == idx_vec, 1.0, 0.0)
    wrow = jnp.concatenate(
        [lax.dot_general(oh, h_ref[0], (((1,), (0,)), ((), ())),
                         preferred_element_type=jnp.float32),
         lax.dot_general(oh, h_ref[1], (((1,), (0,)), ((), ())),
                         preferred_element_type=jnp.float32)], axis=1) * m_vec
    cw = convw_ref[...][:, l * D:(l + 1) * D]
    conv = conv + lax.dot_general(cw, wrow, (((1,), (1,)), ((), ())),
                                  preferred_element_type=jnp.float32)
  conv = jnp.maximum(conv, 0.0)
  acc = jnp.zeros((1, 128), jnp.float32)
  for ch in range(CHANNEL):
    acc = acc + jnp.dot(conv[ch:ch + 1, :], fc1w_ref[ch],
                        preferred_element_type=jnp.float32)
  f1 = jnp.maximum(acc + fc1b_ref[...], 0.0)
  f2 = jnp.dot(f1, fc2w_ref[...], preferred_element_type=jnp.float32)
  out_ref[...] = jax.nn.sigmoid(f2 + fc2b_ref[...])


_pool_head = pl.pallas_call(
    _pool_head_body,
    out_shape=jax.ShapeDtypeStruct((1, 128), jnp.float32),
    scratch_shapes=[
        pltpu.VMEM((3, SROWS, 128), jnp.float32),
    ],
)


def _pad_scores(s):
  return jnp.concatenate(
      [s[:, 0], jnp.full((SROWS * 128 - N,), -1.0, jnp.float32)]
  ).reshape(SROWS, 128)


def kernel(x, edge_index, W1, b1, eps1, attw1, attb1, W2, b2, eps2, attw2,
           attb2, W3, b3, eps3, attw3, attb3, conv_w, conv_b, fc1_w, fc1_b,
           fc2_w, fc2_b):
  src = jnp.concatenate(
      [edge_index[0], jnp.zeros((E_PAD - E,), jnp.int32)])
  dst = jnp.concatenate(
      [edge_index[1], jnp.full((E_PAD - E,), N, jnp.int32)])
  srcw = src.reshape(NS, CHUNKS, K)
  dstw = dst.reshape(NS, CHUNKS, K)
  eidx = jnp.stack([srcw, dstw], axis=2).reshape(NS * CHUNKS, 2, K)
  zero_rows = jnp.zeros((RPS, DH), jnp.float32)

  h = jnp.concatenate([x[:, :DH], x[:, DH:]], axis=0).reshape(NC, N, DH)
  scores = []
  hs = []
  for W, b, eps, aw, ab in ((W1, b1, eps1, attw1, attb1),
                            (W2, b2, eps2, attw2, attb2),
                            (W3, b3, eps3, attw3, attb3)):
    agg2 = _segsum(h.reshape(NC * N, DH), eidx, zero_rows)
    h, s = _gin_dense(h, agg2, W, b,
                      (1.0 + eps).reshape(1), aw, ab.reshape(1))
    hs.append(h)
    scores.append(_pad_scores(s))

  fc2_w_pad = jnp.concatenate(
      [fc2_w, jnp.zeros((128, 126), jnp.float32)], axis=1)
  fc2_b_pad = jnp.concatenate(
      [fc2_b, jnp.zeros((126,), jnp.float32)]).reshape(1, 128)
  out = _pool_head(hs[0], hs[1], hs[2], scores[0], scores[1], scores[2],
                   conv_w, conv_b.reshape(CHANNEL, 1),
                   fc1_w.reshape(CHANNEL, ACTIVE, 128), fc1_b.reshape(1, 128),
                   fc2_w_pad, fc2_b_pad)
  return out[:, :2]

# --- scband reference (transcript-rebuilt; emitter-appended) ---
"""Pipeline reference for scband-wave-ginmodel-78546361909369 (READ-ONLY COPY).

The authoritative reference and input builder live on the scoring server;
editing this copy changes nothing except your own understanding.
"""

import jax, jax.numpy as jnp
import numpy as np

N = 10000
E = 320000
D = 128
HIDDEN = [128, 128, 128]
ACTIVE = 64
CHANNEL = 16
CONV_SIZE = sum(HIDDEN)


def setup_inputs(seed: int = 0) -> dict:
    key = jax.random.key(seed)
    ks = jax.random.split(key, 32)
    inp = {}
    inp["x"] = jax.random.normal(ks[0], (N, D), dtype=jnp.float32)
    inp["edge_index"] = jax.random.randint(ks[1], (2, E), 0, N, dtype=jnp.int32)
    dims = [D] + HIDDEN
    for i in range(3):
        inp[f"W{i+1}"] = jax.random.normal(ks[2 + 4 * i], (dims[i], dims[i + 1]), dtype=jnp.float32) / np.sqrt(dims[i])
        inp[f"b{i+1}"] = jnp.zeros((dims[i + 1],), dtype=jnp.float32)
        inp[f"eps{i+1}"] = jnp.array(0.0, dtype=jnp.float32)
        inp[f"attw{i+1}"] = jax.random.normal(ks[3 + 4 * i], (HIDDEN[i], 1), dtype=jnp.float32) / np.sqrt(HIDDEN[i])
        inp[f"attb{i+1}"] = jnp.zeros((1,), dtype=jnp.float32)
    inp["conv_w"] = jax.random.normal(ks[20], (CHANNEL, CONV_SIZE), dtype=jnp.float32) / np.sqrt(CONV_SIZE)
    inp["conv_b"] = jnp.zeros((CHANNEL,), dtype=jnp.float32)
    inp["fc1_w"] = jax.random.normal(ks[21], (CHANNEL * ACTIVE, 128), dtype=jnp.float32) / np.sqrt(CHANNEL * ACTIVE)
    inp["fc1_b"] = jnp.zeros((128,), dtype=jnp.float32)
    inp["fc2_w"] = jax.random.normal(ks[22], (128, 2), dtype=jnp.float32) / np.sqrt(128.0)
    inp["fc2_b"] = jnp.zeros((2,), dtype=jnp.float32)
    return inp


def reference(x, edge_index, W1, b1, eps1, attw1, attb1, W2, b2, eps2, attw2, attb2,
              W3, b3, eps3, attw3, attb3, conv_w, conv_b, fc1_w, fc1_b, fc2_w, fc2_b):
    src = edge_index[0]
    dst = edge_index[1]

    def gin(h, W, b, eps):
        # GIN with sum aggregator: h' = relu(((1+eps) * h + sum_{j in N(i)} h_j) @ W + b)
        agg = jax.ops.segment_sum(h[src], dst, num_segments=N)
        return jax.nn.relu(((1.0 + eps) * h + agg) @ W + b)

    h1 = gin(x, W1, b1, eps1)
    h2 = gin(h1, W2, b2, eps2)
    h3 = gin(h2, W3, b3, eps3)

    def soft_att_pool(h, aw, ab):
        # soft attention score per node, weight features, keep top `ACTIVE` nodes
        score = jax.nn.sigmoid(h @ aw + ab)  # [N, 1]
        weighted = h * score
        _, idx = jax.lax.top_k(score[:, 0], ACTIVE)
        return weighted[idx][None, :, :]  # [1, ACTIVE, d]

    readouts = [soft_att_pool(h1, attw1, attb1),
                soft_att_pool(h2, attw2, attb2),
                soft_att_pool(h3, attw3, attb3)]
    merged = jnp.concatenate(readouts, axis=2)  # [1, ACTIVE, CONV_SIZE]
    # Conv1d(1, CHANNEL, kernel=CONV_SIZE, stride=CONV_SIZE) over flattened merged
    conv = jnp.einsum("btk,ck->bct", merged, conv_w) + conv_b[None, :, None]  # [1, CHANNEL, ACTIVE]
    conv = jax.nn.relu(conv)
    flat = conv.reshape(1, -1)  # [1, CHANNEL*ACTIVE]
    f1 = jax.nn.relu(flat @ fc1_w + fc1_b)
    f2 = f1 @ fc2_w + fc2_b
    out = jax.nn.sigmoid(f2)
    return out

if __name__ == "__main__":
    import jax
    _d = setup_inputs()
    print(jax.jit(kernel)(*tuple(_d.values())))

</pallas_src>

<mosaic_0001>
#map = affine_map<(d0, d1) -> (0, 0)>
#map1 = affine_map<(d0, d1) -> (0, 0, 0)>
module attributes {stable_mosaic.version = 14 : i64} {
  func.func @_segsum_body(%arg0: i32, %arg1: i32, %arg2: memref<20000x64xf32, #tpu.memory_space<hbm>>, %arg3: memref<2560x2x128xi32, #tpu.memory_space<hbm>>, %arg4: memref<632x64xf32, #tpu.memory_space<hbm>>, %arg5: memref<20032x64xf32, #tpu.memory_space<hbm>>, %arg6: memref<10016x64xf32, #tpu.memory_space<vmem_shared>>, %arg7: memref<10000x64xf32, #tpu.memory_space<vmem_shared>>, %arg8: memref<80x2x128xi32, #tpu.memory_space<vmem>>, %arg9: memref<128x64xf32, #tpu.memory_space<vmem>>, %arg10: memref<128x64xf32, #tpu.memory_space<vmem>>, %arg11: memref<!tpu.dma_semaphore, #tpu.memory_space<semaphore_mem>>, %arg12: memref<!tpu.dma_semaphore, #tpu.memory_space<semaphore_mem>>, %arg13: memref<!tpu.dma_semaphore, #tpu.memory_space<semaphore_mem>>, %arg14: memref<!tpu.dma_semaphore, #tpu.memory_space<semaphore_mem>>) attributes {dimension_semantics = [#tpu.dimension_semantics<core_parallel>, #tpu.dimension_semantics<subcore_parallel>], iteration_bounds = array<i64: 2, 16>, scalar_prefetch = 0 : i64, scratch_operands = 9 : i64, tpu.core_type = #tpu.core_type<sc_vector_subcore>, window_params = [{transform_indices = #map}, {transform_indices = #map1}, {transform_indices = #map}, {transform_indices = #map}]} {
    %mul3A = arith.constant 160 : i32
    %mul3A_0 = arith.muli %arg1, %mul3A : i32
    "tpu.region"() ({
      %run_scoped3A = tpu.sem_alloc : memref<!tpu.dma_semaphore, #tpu.memory_space<semaphore_mem>>
      %dma_start3A_156 = arith.constant 0 : i32
      %dma_start3A_157 = arith.constant 0 : i32
      %dma_start3A_158 = tpu.memref_slice %arg3[%mul3A_0, %dma_start3A_156, %dma_start3A_157] : memref<2560x2x128xi32, #tpu.memory_space<hbm>> -> memref<80x2x128xi32, #tpu.memory_space<hbm>>
      %dma_start3A_159 = arith.constant 0 : i32
      %dma_start3A_160 = arith.constant 0 : i32
      %dma_start3A_161 = tpu.memref_slice %arg3[%mul3A_0, %dma_start3A_159, %dma_start3A_160] : memref<2560x2x128xi32, #tpu.memory_space<hbm>> -> memref<80x2x128xi32, #tpu.memory_space<hbm>>
      tpu.enqueue_dma source(%dma_start3A_161 : memref<80x2x128xi32, #tpu.memory_space<hbm>>) target(%arg8 : memref<80x2x128xi32, #tpu.memory_space<vmem>>) target_semaphore(%run_scoped3A : memref<!tpu.dma_semaphore, #tpu.memory_space<semaphore_mem>>)
      %dma_wait3A_162 = arith.constant 0 : i32
      %dma_wait3A_163 = arith.constant 0 : i32
      %dma_wait3A_164 = tpu.memref_slice %arg3[%mul3A_0, %dma_wait3A_162, %dma_wait3A_163] : memref<2560x2x128xi32, #tpu.memory_space<hbm>> -> memref<80x2x128xi32, #tpu.memory_space<hbm>>
      %dma_wait3A_165 = arith.constant 0 : i32
      %dma_wait3A_166 = arith.constant 0 : i32
      %dma_wait3A_167 = tpu.memref_slice %arg3[%mul3A_0, %dma_wait3A_165, %dma_wait3A_166] : memref<2560x2x128xi32, #tpu.memory_space<hbm>> -> memref<80x2x128xi32, #tpu.memory_space<hbm>>
      tpu.wait_dma2 semaphore(%run_scoped3A : memref<!tpu.dma_semaphore, #tpu.memory_space<semaphore_mem>>) src(%dma_wait3A_167 : memref<80x2x128xi32, #tpu.memory_space<hbm>>) dst(%arg8 : memref<80x2x128xi32, #tpu.memory_space<vmem>>)
      tpu.yield
    }) : () -> ()
    %lt3A = arith.constant 15 : i32
    %lt3A_1 = arith.cmpi slt, %arg1, %lt3A : i32
    %convert_element_type3A = arith.extui %lt3A_1 : i1 to i32
    %cond3A = arith.constant 0 : i32
    %cond3A_2 = arith.cmpi ne, %convert_element_type3A, %cond3A : i32
    scf.if %cond3A_2 {
      %mul3A_156 = arith.constant 10000 : i32
      %mul3A_157 = arith.muli %arg0, %mul3A_156 : i32
      %mul3A_158 = arith.constant 632 : i32
      %mul3A_159 = arith.muli %arg1, %mul3A_158 : i32
      %add3A_160 = arith.addi %mul3A_157, %mul3A_159 : i32
      %mul3A_161 = arith.constant 632 : i32
      %mul3A_162 = arith.muli %arg1, %mul3A_161 : i32
      "tpu.region"() ({
        %run_scoped3A = tpu.sem_alloc : memref<!tpu.dma_semaphore, #tpu.memory_space<semaphore_mem>>
        %dma_start3A_165 = arith.constant 0 : i32
        %dma_start3A_166 = tpu.memref_slice %arg7[%mul3A_162, %dma_start3A_165] : memref<10000x64xf32, #tpu.memory_space<vmem_shared>> -> memref<632x64xf32, #tpu.memory_space<vmem_shared>>
        %dma_start3A_167 = arith.constant 0 : i32
        %dma_start3A_168 = tpu.memref_slice %arg2[%add3A_160, %dma_start3A_167] : memref<20000x64xf32, #tpu.memory_space<hbm>> -> memref<632x64xf32, #tpu.memory_space<hbm>>
        tpu.enqueue_dma source(%dma_start3A_168 : memref<632x64xf32, #tpu.memory_space<hbm>>) target(%dma_start3A_166 : memref<632x64xf32, #tpu.memory_space<vmem_shared>>) target_semaphore(%run_scoped3A : memref<!tpu.dma_semaphore, #tpu.memory_space<semaphore_mem>>)
        %dma_wait3A_169 = arith.constant 0 : i32
        %dma_wait3A_170 = tpu.memref_slice %arg7[%mul3A_162, %dma_wait3A_169] : memref<10000x64xf32, #tpu.memory_space<vmem_shared>> -> memref<632x64xf32, #tpu.memory_space<vmem_shared>>
        %dma_wait3A_171 = arith.constant 0 : i32
        %dma_wait3A_172 = tpu.memref_slice %arg2[%add3A_160, %dma_wait3A_171] : memref<20000x64xf32, #tpu.memory_space<hbm>> -> memref<632x64xf32, #tpu.memory_space<hbm>>
        tpu.wait_dma2 semaphore(%run_scoped3A : memref<!tpu.dma_semaphore, #tpu.memory_space<semaphore_mem>>) src(%dma_wait3A_172 : memref<632x64xf32, #tpu.memory_space<hbm>>) dst(%dma_wait3A_170 : memref<632x64xf32, #tpu.memory_space<vmem_shared>>)
        tpu.yield
      }) : () -> ()
      %mul3A_163 = arith.constant 632 : i32
      %mul3A_164 = arith.muli %arg1, %mul3A_163 : i32
      "tpu.region"() ({
        %run_scoped3A = tpu.sem_alloc : memref<!tpu.dma_semaphore, #tpu.memory_space<semaphore_mem>>
        %dma_start3A_165 = arith.constant 0 : i32
        %dma_start3A_166 = tpu.memref_slice %arg6[%mul3A_164, %dma_start3A_165] : memref<10016x64xf32, #tpu.memory_space<vmem_shared>> -> memref<632x64xf32, #tpu.memory_space<vmem_shared>>
        tpu.enqueue_dma source(%arg4 : memref<632x64xf32, #tpu.memory_space<hbm>>) target(%dma_start3A_166 : memref<632x64xf32, #tpu.memory_space<vmem_shared>>) target_semaphore(%run_scoped3A : memref<!tpu.dma_semaphore, #tpu.memory_space<semaphore_mem>>)
        %dma_wait3A_167 = arith.constant 0 : i32
        %dma_wait3A_168 = tpu.memref_slice %arg6[%mul3A_164, %dma_wait3A_167] : memref<10016x64xf32, #tpu.memory_space<vmem_shared>> -> memref<632x64xf32, #tpu.memory_space<vmem_shared>>
        tpu.wait_dma2 semaphore(%run_scoped3A : memref<!tpu.dma_semaphore, #tpu.memory_space<semaphore_mem>>) src(%arg4 : memref<632x64xf32, #tpu.memory_space<hbm>>) dst(%dma_wait3A_168 : memref<632x64xf32, #tpu.memory_space<vmem_shared>>)
        tpu.yield
      }) : () -> ()
    } else {
    }
    %eq3A = arith.constant 15 : i32
    %eq3A_3 = arith.cmpi eq, %arg1, %eq3A : i32
    %convert_element_type3A_4 = arith.extui %eq3A_3 : i1 to i32
    %cond3A_5 = arith.constant 0 : i32
    %cond3A_6 = arith.cmpi ne, %convert_element_type3A_4, %cond3A_5 : i32
    scf.if %cond3A_6 {
      %mul3A_156 = arith.constant 10000 : i32
      %mul3A_157 = arith.muli %arg0, %mul3A_156 : i32
      %add3A_158 = arith.constant 9480 : i32
      %add3A_159 = arith.addi %mul3A_157, %add3A_158 : i32
      "tpu.region"() ({
        %run_scoped3A = tpu.sem_alloc : memref<!tpu.dma_semaphore, #tpu.memory_space<semaphore_mem>>
        %dma_start3A_160 = arith.constant 9480 : i32
        %dma_start3A_161 = arith.constant 0 : i32
        %dma_start3A_162 = tpu.memref_slice %arg7[%dma_start3A_160, %dma_start3A_161] : memref<10000x64xf32, #tpu.memory_space<vmem_shared>> -> memref<520x64xf32, #tpu.memory_space<vmem_shared>>
        %dma_start3A_163 = arith.constant 0 : i32
        %dma_start3A_164 = tpu.memref_slice %arg2[%add3A_159, %dma_start3A_163] : memref<20000x64xf32, #tpu.memory_space<hbm>> -> memref<520x64xf32, #tpu.memory_space<hbm>>
        tpu.enqueue_dma source(%dma_start3A_164 : memref<520x64xf32, #tpu.memory_space<hbm>>) target(%dma_start3A_162 : memref<520x64xf32, #tpu.memory_space<vmem_shared>>) target_semaphore(%run_scoped3A : memref<!tpu.dma_semaphore, #tpu.memory_space<semaphore_mem>>)
        %dma_wait3A_165 = arith.constant 9480 : i32
        %dma_wait3A_166 = arith.constant 0 : i32
        %dma_wait3A_167 = tpu.memref_slice %arg7[%dma_wait3A_165, %dma_wait3A_166] : memref<10000x64xf32, #tpu.memory_space<vmem_shared>> -> memref<520x64xf32, #tpu.memory_space<vmem_shared>>
        %dma_wait3A_168 = arith.constant 0 : i32
        %dma_wait3A_169 = tpu.memref_slice %arg2[%add3A_159, %dma_wait3A_168] : memref<20000x64xf32, #tpu.memory_space<hbm>> -> memref<520x64xf32, #tpu.memory_space<hbm>>
        tpu.wait_dma2 semaphore(%run_scoped3A : memref<!tpu.dma_semaphore, #tpu.memory_space<semaphore_mem>>) src(%dma_wait3A_169 : memref<520x64xf32, #tpu.memory_space<hbm>>) dst(%dma_wait3A_167 : memref<520x64xf32, #tpu.memory_space<vmem_shared>>)
        tpu.yield
      }) : () -> ()
      "tpu.region"() ({
        %run_scoped3A = tpu.sem_alloc : memref<!tpu.dma_semaphore, #tpu.memory_space<semaphore_mem>>
        %dma_start3A_160 = arith.constant 9480 : i32
        %dma_start3A_161 = arith.constant 0 : i32
        %dma_start3A_162 = tpu.memref_slice %arg6[%dma_start3A_160, %dma_start3A_161] : memref<10016x64xf32, #tpu.memory_space<vmem_shared>> -> memref<536x64xf32, #tpu.memory_space<vmem_shared>>
        %dma_start3A_163 = arith.constant 0 : i32
        %dma_start3A_164 = arith.constant 0 : i32
        %dma_start3A_165 = tpu.memref_slice %arg4[%dma_start3A_163, %dma_start3A_164] : memref<632x64xf32, #tpu.memory_space<hbm>> -> memref<536x64xf32, #tpu.memory_space<hbm>>
        tpu.enqueue_dma source(%dma_start3A_165 : memref<536x64xf32, #tpu.memory_space<hbm>>) target(%dma_start3A_162 : memref<536x64xf32, #tpu.memory_space<vmem_shared>>) target_semaphore(%run_scoped3A : memref<!tpu.dma_semaphore, #tpu.memory_space<semaphore_mem>>)
        %dma_wait3A_166 = arith.constant 9480 : i32
        %dma_wait3A_167 = arith.constant 0 : i32
        %dma_wait3A_168 = tpu.memref_slice %arg6[%dma_wait3A_166, %dma_wait3A_167] : memref<10016x64xf32, #tpu.memory_space<vmem_shared>> -> memref<536x64xf32, #tpu.memory_space<vmem_shared>>
        %dma_wait3A_169 = arith.constant 0 : i32
        %dma_wait3A_170 = arith.constant 0 : i32
        %dma_wait3A_171 = tpu.memref_slice %arg4[%dma_wait3A_169, %dma_wait3A_170] : memref<632x64xf32, #tpu.memory_space<hbm>> -> memref<536x64xf32, #tpu.memory_space<hbm>>
        tpu.wait_dma2 semaphore(%run_scoped3A : memref<!tpu.dma_semaphore, #tpu.memory_space<semaphore_mem>>) src(%dma_wait3A_171 : memref<536x64xf32, #tpu.memory_space<hbm>>) dst(%dma_wait3A_168 : memref<536x64xf32, #tpu.memory_space<vmem_shared>>)
        tpu.yield
      }) : () -> ()
    } else {
    }
    %barrier3A = arith.constant 0 : index
    tpu.barrier barrier_id(%barrier3A)
    %dma_start3A = arith.constant 0 : i32
    %dma_start3A_7 = arith.constant 0 : i32
    %dma_start3A_8 = arith.constant 0 : i32
    %dma_start3A_9 = tpu.memref_slice %arg8[%dma_start3A, %dma_start3A_7, %dma_start3A_8] : memref<80x2x128xi32, #tpu.memory_space<vmem>> -> memref<1x1x128xi32, #tpu.memory_space<vmem>>
    %dma_start3A_10 = tpu.memref_squeeze %dma_start3A_9 : memref<1x1x128xi32, #tpu.memory_space<vmem>> -> memref<128xi32, #tpu.memory_space<vmem>>
    %dma_start3A_11 = arith.constant 0 : i32
    %dma_start3A_12 = arith.constant 0 : i32
    %dma_start3A_13 = tpu.memref_slice %arg7[%dma_start3A_11, %dma_start3A_12] : memref<10000x64xf32, #tpu.memory_space<vmem_shared>> -> memref<10000x64xf32, #tpu.memory_space<vmem_shared>>
    tpu.enqueue_indirect_dma source(%dma_start3A_13 : memref<10000x64xf32, #tpu.memory_space<vmem_shared>>) target(%arg9 : memref<128x64xf32, #tpu.memory_space<vmem>>) offsets(%dma_start3A_10 : memref<128xi32, #tpu.memory_space<vmem>>) semaphore(%arg11 : memref<!tpu.dma_semaphore, #tpu.memory_space<semaphore_mem>>)
    %dma_start3A_14 = arith.constant 1 : i32
    %dma_start3A_15 = arith.constant 0 : i32
    %dma_start3A_16 = arith.constant 0 : i32
    %dma_start3A_17 = tpu.memref_slice %arg8[%dma_start3A_14, %dma_start3A_15, %dma_start3A_16] : memref<80x2x128xi32, #tpu.memory_space<vmem>> -> memref<1x1x128xi32, #tpu.memory_space<vmem>>
    %dma_start3A_18 = tpu.memref_squeeze %dma_start3A_17 : memref<1x1x128xi32, #tpu.memory_space<vmem>> -> memref<128xi32, #tpu.memory_space<vmem>>
    %dma_start3A_19 = arith.constant 0 : i32
    %dma_start3A_20 = arith.constant 0 : i32
    %dma_start3A_21 = tpu.memref_slice %arg7[%dma_start3A_19, %dma_start3A_20] : memref<10000x64xf32, #tpu.memory_space<vmem_shared>> -> memref<10000x64xf32, #tpu.memory_space<vmem_shared>>
    tpu.enqueue_indirect_dma source(%dma_start3A_21 : memref<10000x64xf32, #tpu.memory_space<vmem_shared>>) target(%arg10 : memref<128x64xf32, #tpu.memory_space<vmem>>) offsets(%dma_start3A_18 : memref<128xi32, #tpu.memory_space<vmem>>) semaphore(%arg12 : memref<!tpu.dma_semaphore, #tpu.memory_space<semaphore_mem>>)
    %scan3A = arith.constant 0 : i32
    %scan3A_22 = arith.constant 0 : i32
    %scan3A_23 = arith.constant 39 : i32
    %scan3A_24 = arith.addi %scan3A_22, %scan3A_23 : i32
    %scan3A_25 = arith.constant 1 : i32
    scf.for %scan3A_156 = %scan3A_22 to %scan3A_24 step %scan3A_25  : i32 {
      %mul3A_157 = arith.constant 2 : i32
      %mul3A_158 = arith.muli %scan3A_156, %mul3A_157 : i32
      %add3A_159 = arith.constant 0 : i32
      %add3A_160 = arith.addi %mul3A_158, %add3A_159 : i32
      %dma_wait3A_161 = arith.constant 0 : i32
      %dma_wait3A_162 = arith.constant 0 : i32
      %dma_wait3A_163 = tpu.memref_slice %arg8[%add3A_160, %dma_wait3A_161, %dma_wait3A_162] : memref<80x2x128xi32, #tpu.memory_space<vmem>> -> memref<1x1x128xi32, #tpu.memory_space<vmem>>
      %dma_wait3A_164 = tpu.memref_squeeze %dma_wait3A_163 : memref<1x1x128xi32, #tpu.memory_space<vmem>> -> memref<128xi32, #tpu.memory_space<vmem>>
      %dma_wait3A_165 = arith.constant 0 : i32
      %dma_wait3A_166 = arith.constant 0 : i32
      %dma_wait3A_167 = tpu.memref_slice %arg7[%dma_wait3A_165, %dma_wait3A_166] : memref<10000x64xf32, #tpu.memory_space<vmem_shared>> -> memref<10000x64xf32, #tpu.memory_space<vmem_shared>>
      tpu.wait_indirect_dma semaphore(%arg11 : memref<!tpu.dma_semaphore, #tpu.memory_space<semaphore_mem>>) src(%dma_wait3A_167 : memref<10000x64xf32, #tpu.memory_space<vmem_shared>>) dst(%arg9 : memref<128x64xf32, #tpu.memory_space<vmem>>)
      %dma_start3A_168 = arith.constant 1 : i32
      %dma_start3A_169 = arith.constant 0 : i32
      %dma_start3A_170 = tpu.memref_slice %arg8[%add3A_160, %dma_start3A_168, %dma_start3A_169] : memref<80x2x128xi32, #tpu.memory_space<vmem>> -> memref<1x1x128xi32, #tpu.memory_space<vmem>>
      %dma_start3A_171 = tpu.memref_squeeze %dma_start3A_170 : memref<1x1x128xi32, #tpu.memory_space<vmem>> -> memref<128xi32, #tpu.memory_space<vmem>>
      %dma_start3A_172 = arith.constant 0 : i32
      %dma_start3A_173 = arith.constant 0 : i32
      %dma_start3A_174 = tpu.memref_slice %arg6[%dma_start3A_172, %dma_start3A_173] : memref<10016x64xf32, #tpu.memory_space<vmem_shared>> -> memref<10016x64xf32, #tpu.memory_space<vmem_shared>>
      tpu.enqueue_indirect_dma source(%arg9 : memref<128x64xf32, #tpu.memory_space<vmem>>) target(%dma_start3A_174 : memref<10016x64xf32, #tpu.memory_space<vmem_shared>>) offsets(%dma_start3A_171 : memref<128xi32, #tpu.memory_space<vmem>>) semaphore(%arg13 : memref<!tpu.dma_semaphore, #tpu.memory_space<semaphore_mem>>) {add = true}
      %mul3A_175 = arith.constant 2 : i32
      %mul3A_176 = arith.muli %scan3A_156, %mul3A_175 : i32
      %add3A_177 = arith.constant 1 : i32
      %add3A_178 = arith.addi %mul3A_176, %add3A_177 : i32
      %dma_wait3A_179 = arith.constant 0 : i32
      %dma_wait3A_180 = arith.constant 0 : i32
      %dma_wait3A_181 = tpu.memref_slice %arg8[%add3A_178, %dma_wait3A_179, %dma_wait3A_180] : memref<80x2x128xi32, #tpu.memory_space<vmem>> -> memref<1x1x128xi32, #tpu.memory_space<vmem>>
      %dma_wait3A_182 = tpu.memref_squeeze %dma_wait3A_181 : memref<1x1x128xi32, #tpu.memory_space<vmem>> -> memref<128xi32, #tpu.memory_space<vmem>>
      %dma_wait3A_183 = arith.constant 0 : i32
      %dma_wait3A_184 = arith.constant 0 : i32
      %dma_wait3A_185 = tpu.memref_slice %arg7[%dma_wait3A_183, %dma_wait3A_184] : memref<10000x64xf32, #tpu.memory_space<vmem_shared>> -> memref<10000x64xf32, #tpu.memory_space<vmem_shared>>
      tpu.wait_indirect_dma semaphore(%arg12 : memref<!tpu.dma_semaphore, #tpu.memory_space<semaphore_mem>>) src(%dma_wait3A_185 : memref<10000x64xf32, #tpu.memory_space<vmem_shared>>) dst(%arg10 : memref<128x64xf32, #tpu.memory_space<vmem>>)
      %dma_start3A_186 = arith.constant 1 : i32
      %dma_start3A_187 = arith.constant 0 : i32
      %dma_start3A_188 = tpu.memref_slice %arg8[%add3A_178, %dma_start3A_186, %dma_start3A_187] : memref<80x2x128xi32, #tpu.memory_space<vmem>> -> memref<1x1x128xi32, #tpu.memory_space<vmem>>
      %dma_start3A_189 = tpu.memref_squeeze %dma_start3A_188 : memref<1x1x128xi32, #tpu.memory_space<vmem>> -> memref<128xi32, #tpu.memory_space<vmem>>
      %dma_start3A_190 = arith.constant 0 : i32
      %dma_start3A_191 = arith.constant 0 : i32
      %dma_start3A_192 = tpu.memref_slice %arg6[%dma_start3A_190, %dma_start3A_191] : memref<10016x64xf32, #tpu.memory_space<vmem_shared>> -> memref<10016x64xf32, #tpu.memory_space<vmem_shared>>
      tpu.enqueue_indirect_dma source(%arg10 : memref<128x64xf32, #tpu.memory_space<vmem>>) target(%dma_start3A_192 : memref<10016x64xf32, #tpu.memory_space<vmem_shared>>) offsets(%dma_start3A_189 : memref<128xi32, #tpu.memory_space<vmem>>) semaphore(%arg14 : memref<!tpu.dma_semaphore, #tpu.memory_space<semaphore_mem>>) {add = true}
      %mul3A_193 = arith.constant 2 : i32
      %mul3A_194 = arith.muli %scan3A_156, %mul3A_193 : i32
      %add3A_195 = arith.constant 0 : i32
      %add3A_196 = arith.addi %mul3A_194, %add3A_195 : i32
      %dma_wait3A_197 = arith.constant 1 : i32
      %dma_wait3A_198 = arith.constant 0 : i32
      %dma_wait3A_199 = tpu.memref_slice %arg8[%add3A_196, %dma_wait3A_197, %dma_wait3A_198] : memref<80x2x128xi32, #tpu.memory_space<vmem>> -> memref<1x1x128xi32, #tpu.memory_space<vmem>>
      %dma_wait3A_200 = tpu.memref_squeeze %dma_wait3A_199 : memref<1x1x128xi32, #tpu.memory_space<vmem>> -> memref<128xi32, #tpu.memory_space<vmem>>
      %dma_wait3A_201 = arith.constant 0 : i32
      %dma_wait3A_202 = arith.constant 0 : i32
      %dma_wait3A_203 = tpu.memref_slice %arg6[%dma_wait3A_201, %dma_wait3A_202] : memref<10016x64xf32, #tpu.memory_space<vmem_shared>> -> memref<10016x64xf32, #tpu.memory_space<vmem_shared>>
      tpu.wait_indirect_dma semaphore(%arg13 : memref<!tpu.dma_semaphore, #tpu.memory_space<semaphore_mem>>) src(%arg9 : memref<128x64xf32, #tpu.memory_space<vmem>>) dst(%dma_wait3A_203 : memref<10016x64xf32, #tpu.memory_space<vmem_shared>>)
      %add3A_204 = arith.constant 2 : i32
      %add3A_205 = arith.addi %add3A_196, %add3A_204 : i32
      %dma_start3A_206 = arith.constant 0 : i32
      %dma_start3A_207 = arith.constant 0 : i32
      %dma_start3A_208 = tpu.memref_slice %arg8[%add3A_205, %dma_start3A_206, %dma_start3A_207] : memref<80x2x128xi32, #tpu.memory_space<vmem>> -> memref<1x1x128xi32, #tpu.memory_space<vmem>>
      %dma_start3A_209 = tpu.memref_squeeze %dma_start3A_208 : memref<1x1x128xi32, #tpu.memory_space<vmem>> -> memref<128xi32, #tpu.memory_space<vmem>>
      %dma_start3A_210 = arith.constant 0 : i32
      %dma_start3A_211 = arith.constant 0 : i32
      %dma_start3A_212 = tpu.memref_slice %arg7[%dma_start3A_210, %dma_start3A_211] : memref<10000x64xf32, #tpu.memory_space<vmem_shared>> -> memref<10000x64xf32, #tpu.memory_space<vmem_shared>>
      tpu.enqueue_indirect_dma source(%dma_start3A_212 : memref<10000x64xf32, #tpu.memory_space<vmem_shared>>) target(%arg9 : memref<128x64xf32, #tpu.memory_space<vmem>>) offsets(%dma_start3A_209 : memref<128xi32, #tpu.memory_space<vmem>>) semaphore(%arg11 : memref<!tpu.dma_semaphore, #tpu.memory_space<semaphore_mem>>)
      %mul3A_213 = arith.constant 2 : i32
      %mul3A_214 = arith.muli %scan3A_156, %mul3A_213 : i32
      %add3A_215 = arith.constant 1 : i32
      %add3A_216 = arith.addi %mul3A_214, %add3A_215 : i32
      %dma_wait3A_217 = arith.constant 1 : i32
      %dma_wait3A_218 = arith.constant 0 : i32
      %dma_wait3A_219 = tpu.memref_slice %arg8[%add3A_216, %dma_wait3A_217, %dma_wait3A_218] : memref<80x2x128xi32, #tpu.memory_space<vmem>> -> memref<1x1x128xi32, #tpu.memory_space<vmem>>
      %dma_wait3A_220 = tpu.memref_squeeze %dma_wait3A_219 : memref<1x1x128xi32, #tpu.memory_space<vmem>> -> memref<128xi32, #tpu.memory_space<vmem>>
      %dma_wait3A_221 = arith.constant 0 : i32
      %dma_wait3A_222 = arith.constant 0 : i32
      %dma_wait3A_223 = tpu.memref_slice %arg6[%dma_wait3A_221, %dma_wait3A_222] : memref<10016x64xf32, #tpu.memory_space<vmem_shared>> -> memref<10016x64xf32, #tpu.memory_space<vmem_shared>>
      tpu.wait_indirect_dma semaphore(%arg14 : memref<!tpu.dma_semaphore, #tpu.memory_space<semaphore_mem>>) src(%arg10 : memref<128x64xf32, #tpu.memory_space<vmem>>) dst(%dma_wait3A_223 : memref<10016x64xf32, #tpu.memory_space<vmem_shared>>)
      %add3A_224 = arith.constant 2 : i32
      %add3A_225 = arith.addi %add3A_216, %add3A_224 : i32
      %dma_start3A_226 = arith.constant 0 : i32
      %dma_start3A_227 = arith.constant 0 : i32
      %dma_start3A_228 = tpu.memref_slice %arg8[%add3A_225, %dma_start3A_226, %dma_start3A_227] : memref<80x2x128xi32, #tpu.memory_space<vmem>> -> memref<1x1x128xi32, #tpu.memory_space<vmem>>
      %dma_start3A_229 = tpu.memref_squeeze %dma_start3A_228 : memref<1x1x128xi32, #tpu.memory_space<vmem>> -> memref<128xi32, #tpu.memory_space<vmem>>
      %dma_start3A_230 = arith.constant 0 : i32
      %dma_start3A_231 = arith.constant 0 : i32
      %dma_start3A_232 = tpu.memref_slice %arg7[%dma_start3A_230, %dma_start3A_231] : memref<10000x64xf32, #tpu.memory_space<vmem_shared>> -> memref<10000x64xf32, #tpu.memory_space<vmem_shared>>
      tpu.enqueue_indirect_dma source(%dma_start3A_232 : memref<10000x64xf32, #tpu.memory_space<vmem_shared>>) target(%arg10 : memref<128x64xf32, #tpu.memory_space<vmem>>) offsets(%dma_start3A_229 : memref<128xi32, #tpu.memory_space<vmem>>) semaphore(%arg12 : memref<!tpu.dma_semaphore, #tpu.memory_space<semaphore_mem>>)
    }
    %scan3A_26 = arith.constant 39 : i32
    %dma_wait3A = arith.constant 78 : i32
    %dma_wait3A_27 = arith.constant 0 : i32
    %dma_wait3A_28 = arith.constant 0 : i32
    %dma_wait3A_29 = tpu.memref_slice %arg8[%dma_wait3A, %dma_wait3A_27, %dma_wait3A_28] : memref<80x2x128xi32, #tpu.memory_space<vmem>> -> memref<1x1x128xi32, #tpu.memory_space<vmem>>
    %dma_wait3A_30 = tpu.memref_squeeze %dma_wait3A_29 : memref<1x1x128xi32, #tpu.memory_space<vmem>> -> memref<128xi32, #tpu.memory_space<vmem>>
    %dma_wait3A_31 = arith.constant 0 : i32
    %dma_wait3A_32 = arith.constant 0 : i32
    %dma_wait3A_33 = tpu.memref_slice %arg7[%dma_wait3A_31, %dma_wait3A_32] : memref<10000x64xf32, #tpu.memory_space<vmem_shared>> -> memref<10000x64xf32, #tpu.memory_space<vmem_shared>>
    tpu.wait_indirect_dma semaphore(%arg11 : memref<!tpu.dma_semaphore, #tpu.memory_space<semaphore_mem>>) src(%dma_wait3A_33 : memref<10000x64xf32, #tpu.memory_space<vmem_shared>>) dst(%arg9 : memref<128x64xf32, #tpu.memory_space<vmem>>)
    %dma_start3A_34 = arith.constant 78 : i32
    %dma_start3A_35 = arith.constant 1 : i32
    %dma_start3A_36 = arith.constant 0 : i32
    %dma_start3A_37 = tpu.memref_slice %arg8[%dma_start3A_34, %dma_start3A_35, %dma_start3A_36] : memref<80x2x128xi32, #tpu.memory_space<vmem>> -> memref<1x1x128xi32, #tpu.memory_space<vmem>>
    %dma_start3A_38 = tpu.memref_squeeze %dma_start3A_37 : memref<1x1x128xi32, #tpu.memory_space<vmem>> -> memref<128xi32, #tpu.memory_space<vmem>>
    %dma_start3A_39 = arith.constant 0 : i32
    %dma_start3A_40 = arith.constant 0 : i32
    %dma_start3A_41 = tpu.memref_slice %arg6[%dma_start3A_39, %dma_start3A_40] : memref<10016x64xf32, #tpu.memory_space<vmem_shared>> -> memref<10016x64xf32, #tpu.memory_space<vmem_shared>>
    tpu.enqueue_indirect_dma source(%arg9 : memref<128x64xf32, #tpu.memory_space<vmem>>) target(%dma_start3A_41 : memref<10016x64xf32, #tpu.memory_space<vmem_shared>>) offsets(%dma_start3A_38 : memref<128xi32, #tpu.memory_space<vmem>>) semaphore(%arg13 : memref<!tpu.dma_semaphore, #tpu.memory_space<semaphore_mem>>) {add = true}
    %dma_wait3A_42 = arith.constant 79 : i32
    %dma_wait3A_43 = arith.constant 0 : i32
    %dma_wait3A_44 = arith.constant 0 : i32
    %dma_wait3A_45 = tpu.memref_slice %arg8[%dma_wait3A_42, %dma_wait3A_43, %dma_wait3A_44] : memref<80x2x128xi32, #tpu.memory_space<vmem>> -> memref<1x1x128xi32, #tpu.memory_space<vmem>>
    %dma_wait3A_46 = tpu.memref_squeeze %dma_wait3A_45 : memref<1x1x128xi32, #tpu.memory_space<vmem>> -> memref<128xi32, #tpu.memory_space<vmem>>
    %dma_wait3A_47 = arith.constant 0 : i32
    %dma_wait3A_48 = arith.constant 0 : i32
    %dma_wait3A_49 = tpu.memref_slice %arg7[%dma_wait3A_47, %dma_wait3A_48] : memref<10000x64xf32, #tpu.memory_space<vmem_shared>> -> memref<10000x64xf32, #tpu.memory_space<vmem_shared>>
    tpu.wait_indirect_dma semaphore(%arg12 : memref<!tpu.dma_semaphore, #tpu.memory_space<semaphore_mem>>) src(%dma_wait3A_49 : memref<10000x64xf32, #tpu.memory_space<vmem_shared>>) dst(%arg10 : memref<128x64xf32, #tpu.memory_space<vmem>>)
    %dma_start3A_50 = arith.constant 79 : i32
    %dma_start3A_51 = arith.constant 1 : i32
    %dma_start3A_52 = arith.constant 0 : i32
    %dma_start3A_53 = tpu.memref_slice %arg8[%dma_start3A_50, %dma_start3A_51, %dma_start3A_52] : memref<80x2x128xi32, #tpu.memory_space<vmem>> -> memref<1x1x128xi32, #tpu.memory_space<vmem>>
    %dma_start3A_54 = tpu.memref_squeeze %dma_start3A_53 : memref<1x1x128xi32, #tpu.memory_space<vmem>> -> memref<128xi32, #tpu.memory_space<vmem>>
    %dma_start3A_55 = arith.constant 0 : i32
    %dma_start3A_56 = arith.constant 0 : i32
    %dma_start3A_57 = tpu.memref_slice %arg6[%dma_start3A_55, %dma_start3A_56] : memref<10016x64xf32, #tpu.memory_space<vmem_shared>> -> memref<10016x64xf32, #tpu.memory_space<vmem_shared>>
    tpu.enqueue_indirect_dma source(%arg10 : memref<128x64xf32, #tpu.memory_space<vmem>>) target(%dma_start3A_57 : memref<10016x64xf32, #tpu.memory_space<vmem_shared>>) offsets(%dma_start3A_54 : memref<128xi32, #tpu.memory_space<vmem>>) semaphore(%arg14 : memref<!tpu.dma_semaphore, #tpu.memory_space<semaphore_mem>>) {add = true}
    %dma_wait3A_58 = arith.constant 78 : i32
    %dma_wait3A_59 = arith.constant 1 : i32
    %dma_wait3A_60 = arith.constant 0 : i32
    %dma_wait3A_61 = tpu.memref_slice %arg8[%dma_wait3A_58, %dma_wait3A_59, %dma_wait3A_60] : memref<80x2x128xi32, #tpu.memory_space<vmem>> -> memref<1x1x128xi32, #tpu.memory_space<vmem>>
    %dma_wait3A_62 = tpu.memref_squeeze %dma_wait3A_61 : memref<1x1x128xi32, #tpu.memory_space<vmem>> -> memref<128xi32, #tpu.memory_space<vmem>>
    %dma_wait3A_63 = arith.constant 0 : i32
    %dma_wait3A_64 = arith.constant 0 : i32
    %dma_wait3A_65 = tpu.memref_slice %arg6[%dma_wait3A_63, %dma_wait3A_64] : memref<10016x64xf32, #tpu.memory_space<vmem_shared>> -> memref<10016x64xf32, #tpu.memory_space<vmem_shared>>
    tpu.wait_indirect_dma semaphore(%arg13 : memref<!tpu.dma_semaphore, #tpu.memory_space<semaphore_mem>>) src(%arg9 : memref<128x64xf32, #tpu.memory_space<vmem>>) dst(%dma_wait3A_65 : memref<10016x64xf32, #tpu.memory_space<vmem_shared>>)
    %dma_wait3A_66 = arith.constant 79 : i32
    %dma_wait3A_67 = arith.constant 1 : i32
    %dma_wait3A_68 = arith.constant 0 : i32
    %dma_wait3A_69 = tpu.memref_slice %arg8[%dma_wait3A_66, %dma_wait3A_67, %dma_wait3A_68] : memref<80x2x128xi32, #tpu.memory_space<vmem>> -> memref<1x1x128xi32, #tpu.memory_space<vmem>>
    %dma_wait3A_70 = tpu.memref_squeeze %dma_wait3A_69 : memref<1x1x128xi32, #tpu.memory_space<vmem>> -> memref<128xi32, #tpu.memory_space<vmem>>
    %dma_wait3A_71 = arith.constant 0 : i32
    %dma_wait3A_72 = arith.constant 0 : i32
    %dma_wait3A_73 = tpu.memref_slice %arg6[%dma_wait3A_71, %dma_wait3A_72] : memref<10016x64xf32, #tpu.memory_space<vmem_shared>> -> memref<10016x64xf32, #tpu.memory_space<vmem_shared>>
    tpu.wait_indirect_dma semaphore(%arg14 : memref<!tpu.dma_semaphore, #tpu.memory_space<semaphore_mem>>) src(%arg10 : memref<128x64xf32, #tpu.memory_space<vmem>>) dst(%dma_wait3A_73 : memref<10016x64xf32, #tpu.memory_space<vmem_shared>>)
    %add3A = arith.constant 80 : i32
    %add3A_74 = arith.addi %mul3A_0, %add3A : i32
    "tpu.region"() ({
      %run_scoped3A = tpu.sem_alloc : memref<!tpu.dma_semaphore, #tpu.memory_space<semaphore_mem>>
      %dma_start3A_156 = arith.constant 0 : i32
      %dma_start3A_157 = arith.constant 0 : i32
      %dma_start3A_158 = tpu.memref_slice %arg3[%add3A_74, %dma_start3A_156, %dma_start3A_157] : memref<2560x2x128xi32, #tpu.memory_space<hbm>> -> memref<80x2x128xi32, #tpu.memory_space<hbm>>
      %dma_start3A_159 = arith.constant 0 : i32
      %dma_start3A_160 = arith.constant 0 : i32
      %dma_start3A_161 = tpu.memref_slice %arg3[%add3A_74, %dma_start3A_159, %dma_start3A_160] : memref<2560x2x128xi32, #tpu.memory_space<hbm>> -> memref<80x2x128xi32, #tpu.memory_space<hbm>>
      tpu.enqueue_dma source(%dma_start3A_161 : memref<80x2x128xi32, #tpu.memory_space<hbm>>) target(%arg8 : memref<80x2x128xi32, #tpu.memory_space<vmem>>) target_semaphore(%run_scoped3A : memref<!tpu.dma_semaphore, #tpu.memory_space<semaphore_mem>>)
      %dma_wait3A_162 = arith.constant 0 : i32
      %dma_wait3A_163 = arith.constant 0 : i32
      %dma_wait3A_164 = tpu.memref_slice %arg3[%add3A_74, %dma_wait3A_162, %dma_wait3A_163] : memref<2560x2x128xi32, #tpu.memory_space<hbm>> -> memref<80x2x128xi32, #tpu.memory_space<hbm>>
      %dma_wait3A_165 = arith.constant 0 : i32
      %dma_wait3A_166 = arith.constant 0 : i32
      %dma_wait3A_167 = tpu.memref_slice %arg3[%add3A_74, %dma_wait3A_165, %dma_wait3A_166] : memref<2560x2x128xi32, #tpu.memory_space<hbm>> -> memref<80x2x128xi32, #tpu.memory_space<hbm>>
      tpu.wait_dma2 semaphore(%run_scoped3A : memref<!tpu.dma_semaphore, #tpu.memory_space<semaphore_mem>>) src(%dma_wait3A_167 : memref<80x2x128xi32, #tpu.memory_space<hbm>>) dst(%arg8 : memref<80x2x128xi32, #tpu.memory_space<vmem>>)
      tpu.yield
    }) : () -> ()
    %dma_start3A_75 = arith.constant 0 : i32
    %dma_start3A_76 = arith.constant 0 : i32
    %dma_start3A_77 = arith.constant 0 : i32
    %dma_start3A_78 = tpu.memref_slice %arg8[%dma_start3A_75, %dma_start3A_76, %dma_start3A_77] : memref<80x2x128xi32, #tpu.memory_space<vmem>> -> memref<1x1x128xi32, #tpu.memory_space<vmem>>
    %dma_start3A_79 = tpu.memref_squeeze %dma_start3A_78 : memref<1x1x128xi32, #tpu.memory_space<vmem>> -> memref<128xi32, #tpu.memory_space<vmem>>
    %dma_start3A_80 = arith.constant 0 : i32
    %dma_start3A_81 = arith.constant 0 : i32
    %dma_start3A_82 = tpu.memref_slice %arg7[%dma_start3A_80, %dma_start3A_81] : memref<10000x64xf32, #tpu.memory_space<vmem_shared>> -> memref<10000x64xf32, #tpu.memory_space<vmem_shared>>
    tpu.enqueue_indirect_dma source(%dma_start3A_82 : memref<10000x64xf32, #tpu.memory_space<vmem_shared>>) target(%arg9 : memref<128x64xf32, #tpu.memory_space<vmem>>) offsets(%dma_start3A_79 : memref<128xi32, #tpu.memory_space<vmem>>) semaphore(%arg11 : memref<!tpu.dma_semaphore, #tpu.memory_space<semaphore_mem>>)
    %dma_start3A_83 = arith.constant 1 : i32
    %dma_start3A_84 = arith.constant 0 : i32
    %dma_start3A_85 = arith.constant 0 : i32
    %dma_start3A_86 = tpu.memref_slice %arg8[%dma_start3A_83, %dma_start3A_84, %dma_start3A_85] : memref<80x2x128xi32, #tpu.memory_space<vmem>> -> memref<1x1x128xi32, #tpu.memory_space<vmem>>
    %dma_start3A_87 = tpu.memref_squeeze %dma_start3A_86 : memref<1x1x128xi32, #tpu.memory_space<vmem>> -> memref<128xi32, #tpu.memory_space<vmem>>
    %dma_start3A_88 = arith.constant 0 : i32
    %dma_start3A_89 = arith.constant 0 : i32
    %dma_start3A_90 = tpu.memref_slice %arg7[%dma_start3A_88, %dma_start3A_89] : memref<10000x64xf32, #tpu.memory_space<vmem_shared>> -> memref<10000x64xf32, #tpu.memory_space<vmem_shared>>
    tpu.enqueue_indirect_dma source(%dma_start3A_90 : memref<10000x64xf32, #tpu.memory_space<vmem_shared>>) target(%arg10 : memref<128x64xf32, #tpu.memory_space<vmem>>) offsets(%dma_start3A_87 : memref<128xi32, #tpu.memory_space<vmem>>) semaphore(%arg12 : memref<!tpu.dma_semaphore, #tpu.memory_space<semaphore_mem>>)
    %scan3A_91 = arith.constant 0 : i32
    %scan3A_92 = arith.constant 0 : i32
    %scan3A_93 = arith.constant 39 : i32
    %scan3A_94 = arith.addi %scan3A_92, %scan3A_93 : i32
    %scan3A_95 = arith.constant 1 : i32
    scf.for %scan3A_156 = %scan3A_92 to %scan3A_94 step %scan3A_95  : i32 {
      %mul3A_157 = arith.constant 2 : i32
      %mul3A_158 = arith.muli %scan3A_156, %mul3A_157 : i32
      %add3A_159 = arith.constant 0 : i32
      %add3A_160 = arith.addi %mul3A_158, %add3A_159 : i32
      %dma_wait3A_161 = arith.constant 0 : i32
      %dma_wait3A_162 = arith.constant 0 : i32
      %dma_wait3A_163 = tpu.memref_slice %arg8[%add3A_160, %dma_wait3A_161, %dma_wait3A_162] : memref<80x2x128xi32, #tpu.memory_space<vmem>> -> memref<1x1x128xi32, #tpu.memory_space<vmem>>
      %dma_wait3A_164 = tpu.memref_squeeze %dma_wait3A_163 : memref<1x1x128xi32, #tpu.memory_space<vmem>> -> memref<128xi32, #tpu.memory_space<vmem>>
      %dma_wait3A_165 = arith.constant 0 : i32
      %dma_wait3A_166 = arith.constant 0 : i32
      %dma_wait3A_167 = tpu.memref_slice %arg7[%dma_wait3A_165, %dma_wait3A_166] : memref<10000x64xf32, #tpu.memory_space<vmem_shared>> -> memref<10000x64xf32, #tpu.memory_space<vmem_shared>>
      tpu.wait_indirect_dma semaphore(%arg11 : memref<!tpu.dma_semaphore, #tpu.memory_space<semaphore_mem>>) src(%dma_wait3A_167 : memref<10000x64xf32, #tpu.memory_space<vmem_shared>>) dst(%arg9 : memref<128x64xf32, #tpu.memory_space<vmem>>)
      %dma_start3A_168 = arith.constant 1 : i32
      %dma_start3A_169 = arith.constant 0 : i32
      %dma_start3A_170 = tpu.memref_slice %arg8[%add3A_160, %dma_start3A_168, %dma_start3A_169] : memref<80x2x128xi32, #tpu.memory_space<vmem>> -> memref<1x1x128xi32, #tpu.memory_space<vmem>>
      %dma_start3A_171 = tpu.memref_squeeze %dma_start3A_170 : memref<1x1x128xi32, #tpu.memory_space<vmem>> -> memref<128xi32, #tpu.memory_space<vmem>>
      %dma_start3A_172 = arith.constant 0 : i32
      %dma_start3A_173 = arith.constant 0 : i32
      %dma_start3A_174 = tpu.memref_slice %arg6[%dma_start3A_172, %dma_start3A_173] : memref<10016x64xf32, #tpu.memory_space<vmem_shared>> -> memref<10016x64xf32, #tpu.memory_space<vmem_shared>>
      tpu.enqueue_indirect_dma source(%arg9 : memref<128x64xf32, #tpu.memory_space<vmem>>) target(%dma_start3A_174 : memref<10016x64xf32, #tpu.memory_space<vmem_shared>>) offsets(%dma_start3A_171 : memref<128xi32, #tpu.memory_space<vmem>>) semaphore(%arg13 : memref<!tpu.dma_semaphore, #tpu.memory_space<semaphore_mem>>) {add = true}
      %mul3A_175 = arith.constant 2 : i32
      %mul3A_176 = arith.muli %scan3A_156, %mul3A_175 : i32
      %add3A_177 = arith.constant 1 : i32
      %add3A_178 = arith.addi %mul3A_176, %add3A_177 : i32
      %dma_wait3A_179 = arith.constant 0 : i32
      %dma_wait3A_180 = arith.constant 0 : i32
      %dma_wait3A_181 = tpu.memref_slice %arg8[%add3A_178, %dma_wait3A_179, %dma_wait3A_180] : memref<80x2x128xi32, #tpu.memory_space<vmem>> -> memref<1x1x128xi32, #tpu.memory_space<vmem>>
      %dma_wait3A_182 = tpu.memref_squeeze %dma_wait3A_181 : memref<1x1x128xi32, #tpu.memory_space<vmem>> -> memref<128xi32, #tpu.memory_space<vmem>>
      %dma_wait3A_183 = arith.constant 0 : i32
      %dma_wait3A_184 = arith.constant 0 : i32
      %dma_wait3A_185 = tpu.memref_slice %arg7[%dma_wait3A_183, %dma_wait3A_184] : memref<10000x64xf32, #tpu.memory_space<vmem_shared>> -> memref<10000x64xf32, #tpu.memory_space<vmem_shared>>
      tpu.wait_indirect_dma semaphore(%arg12 : memref<!tpu.dma_semaphore, #tpu.memory_space<semaphore_mem>>) src(%dma_wait3A_185 : memref<10000x64xf32, #tpu.memory_space<vmem_shared>>) dst(%arg10 : memref<128x64xf32, #tpu.memory_space<vmem>>)
      %dma_start3A_186 = arith.constant 1 : i32
      %dma_start3A_187 = arith.constant 0 : i32
      %dma_start3A_188 = tpu.memref_slice %arg8[%add3A_178, %dma_start3A_186, %dma_start3A_187] : memref<80x2x128xi32, #tpu.memory_space<vmem>> -> memref<1x1x128xi32, #tpu.memory_space<vmem>>
      %dma_start3A_189 = tpu.memref_squeeze %dma_start3A_188 : memref<1x1x128xi32, #tpu.memory_space<vmem>> -> memref<128xi32, #tpu.memory_space<vmem>>
      %dma_start3A_190 = arith.constant 0 : i32
      %dma_start3A_191 = arith.constant 0 : i32
      %dma_start3A_192 = tpu.memref_slice %arg6[%dma_start3A_190, %dma_start3A_191] : memref<10016x64xf32, #tpu.memory_space<vmem_shared>> -> memref<10016x64xf32, #tpu.memory_space<vmem_shared>>
      tpu.enqueue_indirect_dma source(%arg10 : memref<128x64xf32, #tpu.memory_space<vmem>>) target(%dma_start3A_192 : memref<10016x64xf32, #tpu.memory_space<vmem_shared>>) offsets(%dma_start3A_189 : memref<128xi32, #tpu.memory_space<vmem>>) semaphore(%arg14 : memref<!tpu.dma_semaphore, #tpu.memory_space<semaphore_mem>>) {add = true}
      %mul3A_193 = arith.constant 2 : i32
      %mul3A_194 = arith.muli %scan3A_156, %mul3A_193 : i32
      %add3A_195 = arith.constant 0 : i32
      %add3A_196 = arith.addi %mul3A_194, %add3A_195 : i32
      %dma_wait3A_197 = arith.constant 1 : i32
      %dma_wait3A_198 = arith.constant 0 : i32
      %dma_wait3A_199 = tpu.memref_slice %arg8[%add3A_196, %dma_wait3A_197, %dma_wait3A_198] : memref<80x2x128xi32, #tpu.memory_space<vmem>> -> memref<1x1x128xi32, #tpu.memory_space<vmem>>
      %dma_wait3A_200 = tpu.memref_squeeze %dma_wait3A_199 : memref<1x1x128xi32, #tpu.memory_space<vmem>> -> memref<128xi32, #tpu.memory_space<vmem>>
      %dma_wait3A_201 = arith.constant 0 : i32
      %dma_wait3A_202 = arith.constant 0 : i32
      %dma_wait3A_203 = tpu.memref_slice %arg6[%dma_wait3A_201, %dma_wait3A_202] : memref<10016x64xf32, #tpu.memory_space<vmem_shared>> -> memref<10016x64xf32, #tpu.memory_space<vmem_shared>>
      tpu.wait_indirect_dma semaphore(%arg13 : memref<!tpu.dma_semaphore, #tpu.memory_space<semaphore_mem>>) src(%arg9 : memref<128x64xf32, #tpu.memory_space<vmem>>) dst(%dma_wait3A_203 : memref<10016x64xf32, #tpu.memory_space<vmem_shared>>)
      %add3A_204 = arith.constant 2 : i32
      %add3A_205 = arith.addi %add3A_196, %add3A_204 : i32
      %dma_start3A_206 = arith.constant 0 : i32
      %dma_start3A_207 = arith.constant 0 : i32
      %dma_start3A_208 = tpu.memref_slice %arg8[%add3A_205, %dma_start3A_206, %dma_start3A_207] : memref<80x2x128xi32, #tpu.memory_space<vmem>> -> memref<1x1x128xi32, #tpu.memory_space<vmem>>
      %dma_start3A_209 = tpu.memref_squeeze %dma_start3A_208 : memref<1x1x128xi32, #tpu.memory_space<vmem>> -> memref<128xi32, #tpu.memory_space<vmem>>
      %dma_start3A_210 = arith.constant 0 : i32
      %dma_start3A_211 = arith.constant 0 : i32
      %dma_start3A_212 = tpu.memref_slice %arg7[%dma_start3A_210, %dma_start3A_211] : memref<10000x64xf32, #tpu.memory_space<vmem_shared>> -> memref<10000x64xf32, #tpu.memory_space<vmem_shared>>
      tpu.enqueue_indirect_dma source(%dma_start3A_212 : memref<10000x64xf32, #tpu.memory_space<vmem_shared>>) target(%arg9 : memref<128x64xf32, #tpu.memory_space<vmem>>) offsets(%dma_start3A_209 : memref<128xi32, #tpu.memory_space<vmem>>) semaphore(%arg11 : memref<!tpu.dma_semaphore, #tpu.memory_space<semaphore_mem>>)
      %mul3A_213 = arith.constant 2 : i32
      %mul3A_214 = arith.muli %scan3A_156, %mul3A_213 : i32
      %add3A_215 = arith.constant 1 : i32
      %add3A_216 = arith.addi %mul3A_214, %add3A_215 : i32
      %dma_wait3A_217 = arith.constant 1 : i32
      %dma_wait3A_218 = arith.constant 0 : i32
      %dma_wait3A_219 = tpu.memref_slice %arg8[%add3A_216, %dma_wait3A_217, %dma_wait3A_218] : memref<80x2x128xi32, #tpu.memory_space<vmem>> -> memref<1x1x128xi32, #tpu.memory_space<vmem>>
      %dma_wait3A_220 = tpu.memref_squeeze %dma_wait3A_219 : memref<1x1x128xi32, #tpu.memory_space<vmem>> -> memref<128xi32, #tpu.memory_space<vmem>>
      %dma_wait3A_221 = arith.constant 0 : i32
      %dma_wait3A_222 = arith.constant 0 : i32
      %dma_wait3A_223 = tpu.memref_slice %arg6[%dma_wait3A_221, %dma_wait3A_222] : memref<10016x64xf32, #tpu.memory_space<vmem_shared>> -> memref<10016x64xf32, #tpu.memory_space<vmem_shared>>
      tpu.wait_indirect_dma semaphore(%arg14 : memref<!tpu.dma_semaphore, #tpu.memory_space<semaphore_mem>>) src(%arg10 : memref<128x64xf32, #tpu.memory_space<vmem>>) dst(%dma_wait3A_223 : memref<10016x64xf32, #tpu.memory_space<vmem_shared>>)
      %add3A_224 = arith.constant 2 : i32
      %add3A_225 = arith.addi %add3A_216, %add3A_224 : i32
      %dma_start3A_226 = arith.constant 0 : i32
      %dma_start3A_227 = arith.constant 0 : i32
      %dma_start3A_228 = tpu.memref_slice %arg8[%add3A_225, %dma_start3A_226, %dma_start3A_227] : memref<80x2x128xi32, #tpu.memory_space<vmem>> -> memref<1x1x128xi32, #tpu.memory_space<vmem>>
      %dma_start3A_229 = tpu.memref_squeeze %dma_start3A_228 : memref<1x1x128xi32, #tpu.memory_space<vmem>> -> memref<128xi32, #tpu.memory_space<vmem>>
      %dma_start3A_230 = arith.constant 0 : i32
      %dma_start3A_231 = arith.constant 0 : i32
      %dma_start3A_232 = tpu.memref_slice %arg7[%dma_start3A_230, %dma_start3A_231] : memref<10000x64xf32, #tpu.memory_space<vmem_shared>> -> memref<10000x64xf32, #tpu.memory_space<vmem_shared>>
      tpu.enqueue_indirect_dma source(%dma_start3A_232 : memref<10000x64xf32, #tpu.memory_space<vmem_shared>>) target(%arg10 : memref<128x64xf32, #tpu.memory_space<vmem>>) offsets(%dma_start3A_229 : memref<128xi32, #tpu.memory_space<vmem>>) semaphore(%arg12 : memref<!tpu.dma_semaphore, #tpu.memory_space<semaphore_mem>>)
    }
    %scan3A_96 = arith.constant 39 : i32
    %dma_wait3A_97 = arith.constant 78 : i32
    %dma_wait3A_98 = arith.constant 0 : i32
    %dma_wait3A_99 = arith.constant 0 : i32
    %dma_wait3A_100 = tpu.memref_slice %arg8[%dma_wait3A_97, %dma_wait3A_98, %dma_wait3A_99] : memref<80x2x128xi32, #tpu.memory_space<vmem>> -> memref<1x1x128xi32, #tpu.memory_space<vmem>>
    %dma_wait3A_101 = tpu.memref_squeeze %dma_wait3A_100 : memref<1x1x128xi32, #tpu.memory_space<vmem>> -> memref<128xi32, #tpu.memory_space<vmem>>
    %dma_wait3A_102 = arith.constant 0 : i32
    %dma_wait3A_103 = arith.constant 0 : i32
    %dma_wait3A_104 = tpu.memref_slice %arg7[%dma_wait3A_102, %dma_wait3A_103] : memref<10000x64xf32, #tpu.memory_space<vmem_shared>> -> memref<10000x64xf32, #tpu.memory_space<vmem_shared>>
    tpu.wait_indirect_dma semaphore(%arg11 : memref<!tpu.dma_semaphore, #tpu.memory_space<semaphore_mem>>) src(%dma_wait3A_104 : memref<10000x64xf32, #tpu.memory_space<vmem_shared>>) dst(%arg9 : memref<128x64xf32, #tpu.memory_space<vmem>>)
    %dma_start3A_105 = arith.constant 78 : i32
    %dma_start3A_106 = arith.constant 1 : i32
    %dma_start3A_107 = arith.constant 0 : i32
    %dma_start3A_108 = tpu.memref_slice %arg8[%dma_start3A_105, %dma_start3A_106, %dma_start3A_107] : memref<80x2x128xi32, #tpu.memory_space<vmem>> -> memref<1x1x128xi32, #tpu.memory_space<vmem>>
    %dma_start3A_109 = tpu.memref_squeeze %dma_start3A_108 : memref<1x1x128xi32, #tpu.memory_space<vmem>> -> memref<128xi32, #tpu.memory_space<vmem>>
    %dma_start3A_110 = arith.constant 0 : i32
    %dma_start3A_111 = arith.constant 0 : i32
    %dma_start3A_112 = tpu.memref_slice %arg6[%dma_start3A_110, %dma_start3A_111] : memref<10016x64xf32, #tpu.memory_space<vmem_shared>> -> memref<10016x64xf32, #tpu.memory_space<vmem_shared>>
    tpu.enqueue_indirect_dma source(%arg9 : memref<128x64xf32, #tpu.memory_space<vmem>>) target(%dma_start3A_112 : memref<10016x64xf32, #tpu.memory_space<vmem_shared>>) offsets(%dma_start3A_109 : memref<128xi32, #tpu.memory_space<vmem>>) semaphore(%arg13 : memref<!tpu.dma_semaphore, #tpu.memory_space<semaphore_mem>>) {add = true}
    %dma_wait3A_113 = arith.constant 79 : i32
    %dma_wait3A_114 = arith.constant 0 : i32
    %dma_wait3A_115 = arith.constant 0 : i32
    %dma_wait3A_116 = tpu.memref_slice %arg8[%dma_wait3A_113, %dma_wait3A_114, %dma_wait3A_115] : memref<80x2x128xi32, #tpu.memory_space<vmem>> -> memref<1x1x128xi32, #tpu.memory_space<vmem>>
    %dma_wait3A_117 = tpu.memref_squeeze %dma_wait3A_116 : memref<1x1x128xi32, #tpu.memory_space<vmem>> -> memref<128xi32, #tpu.memory_space<vmem>>
    %dma_wait3A_118 = arith.constant 0 : i32
    %dma_wait3A_119 = arith.constant 0 : i32
    %dma_wait3A_120 = tpu.memref_slice %arg7[%dma_wait3A_118, %dma_wait3A_119] : memref<10000x64xf32, #tpu.memory_space<vmem_shared>> -> memref<10000x64xf32, #tpu.memory_space<vmem_shared>>
    tpu.wait_indirect_dma semaphore(%arg12 : memref<!tpu.dma_semaphore, #tpu.memory_space<semaphore_mem>>) src(%dma_wait3A_120 : memref<10000x64xf32, #tpu.memory_space<vmem_shared>>) dst(%arg10 : memref<128x64xf32, #tpu.memory_space<vmem>>)
    %dma_start3A_121 = arith.constant 79 : i32
    %dma_start3A_122 = arith.constant 1 : i32
    %dma_start3A_123 = arith.constant 0 : i32
    %dma_start3A_124 = tpu.memref_slice %arg8[%dma_start3A_121, %dma_start3A_122, %dma_start3A_123] : memref<80x2x128xi32, #tpu.memory_space<vmem>> -> memref<1x1x128xi32, #tpu.memory_space<vmem>>
    %dma_start3A_125 = tpu.memref_squeeze %dma_start3A_124 : memref<1x1x128xi32, #tpu.memory_space<vmem>> -> memref<128xi32, #tpu.memory_space<vmem>>
    %dma_start3A_126 = arith.constant 0 : i32
    %dma_start3A_127 = arith.constant 0 : i32
    %dma_start3A_128 = tpu.memref_slice %arg6[%dma_start3A_126, %dma_start3A_127] : memref<10016x64xf32, #tpu.memory_space<vmem_shared>> -> memref<10016x64xf32, #tpu.memory_space<vmem_shared>>
    tpu.enqueue_indirect_dma source(%arg10 : memref<128x64xf32, #tpu.memory_space<vmem>>) target(%dma_start3A_128 : memref<10016x64xf32, #tpu.memory_space<vmem_shared>>) offsets(%dma_start3A_125 : memref<128xi32, #tpu.memory_space<vmem>>) semaphore(%arg14 : memref<!tpu.dma_semaphore, #tpu.memory_space<semaphore_mem>>) {add = true}
    %dma_wait3A_129 = arith.constant 78 : i32
    %dma_wait3A_130 = arith.constant 1 : i32
    %dma_wait3A_131 = arith.constant 0 : i32
    %dma_wait3A_132 = tpu.memref_slice %arg8[%dma_wait3A_129, %dma_wait3A_130, %dma_wait3A_131] : memref<80x2x128xi32, #tpu.memory_space<vmem>> -> memref<1x1x128xi32, #tpu.memory_space<vmem>>
    %dma_wait3A_133 = tpu.memref_squeeze %dma_wait3A_132 : memref<1x1x128xi32, #tpu.memory_space<vmem>> -> memref<128xi32, #tpu.memory_space<vmem>>
    %dma_wait3A_134 = arith.constant 0 : i32
    %dma_wait3A_135 = arith.constant 0 : i32
    %dma_wait3A_136 = tpu.memref_slice %arg6[%dma_wait3A_134, %dma_wait3A_135] : memref<10016x64xf32, #tpu.memory_space<vmem_shared>> -> memref<10016x64xf32, #tpu.memory_space<vmem_shared>>
    tpu.wait_indirect_dma semaphore(%arg13 : memref<!tpu.dma_semaphore, #tpu.memory_space<semaphore_mem>>) src(%arg9 : memref<128x64xf32, #tpu.memory_space<vmem>>) dst(%dma_wait3A_136 : memref<10016x64xf32, #tpu.memory_space<vmem_shared>>)
    %dma_wait3A_137 = arith.constant 79 : i32
    %dma_wait3A_138 = arith.constant 1 : i32
    %dma_wait3A_139 = arith.constant 0 : i32
    %dma_wait3A_140 = tpu.memref_slice %arg8[%dma_wait3A_137, %dma_wait3A_138, %dma_wait3A_139] : memref<80x2x128xi32, #tpu.memory_space<vmem>> -> memref<1x1x128xi32, #tpu.memory_space<vmem>>
    %dma_wait3A_141 = tpu.memref_squeeze %dma_wait3A_140 : memref<1x1x128xi32, #tpu.memory_space<vmem>> -> memref<128xi32, #tpu.memory_space<vmem>>
    %dma_wait3A_142 = arith.constant 0 : i32
    %dma_wait3A_143 = arith.constant 0 : i32
    %dma_wait3A_144 = tpu.memref_slice %arg6[%dma_wait3A_142, %dma_wait3A_143] : memref<10016x64xf32, #tpu.memory_space<vmem_shared>> -> memref<10016x64xf32, #tpu.memory_space<vmem_shared>>
    tpu.wait_indirect_dma semaphore(%arg14 : memref<!tpu.dma_semaphore, #tpu.memory_space<semaphore_mem>>) src(%arg10 : memref<128x64xf32, #tpu.memory_space<vmem>>) dst(%dma_wait3A_144 : memref<10016x64xf32, #tpu.memory_space<vmem_shared>>)
    %barrier3A_145 = arith.constant 0 : index
    tpu.barrier barrier_id(%barrier3A_145)
    %lt3A_146 = arith.constant 15 : i32
    %lt3A_147 = arith.cmpi slt, %arg1, %lt3A_146 : i32
    %convert_element_type3A_148 = arith.extui %lt3A_147 : i1 to i32
    %cond3A_149 = arith.constant 0 : i32
    %cond3A_150 = arith.cmpi ne, %convert_element_type3A_148, %cond3A_149 : i32
    scf.if %cond3A_150 {
      %mul3A_156 = arith.constant 632 : i32
      %mul3A_157 = arith.muli %arg1, %mul3A_156 : i32
      %mul3A_158 = arith.constant 10016 : i32
      %mul3A_159 = arith.muli %arg0, %mul3A_158 : i32
      %mul3A_160 = arith.constant 632 : i32
      %mul3A_161 = arith.muli %arg1, %mul3A_160 : i32
      %add3A_162 = arith.addi %mul3A_159, %mul3A_161 : i32
      "tpu.region"() ({
        %run_scoped3A = tpu.sem_alloc : memref<!tpu.dma_semaphore, #tpu.memory_space<semaphore_mem>>
        %dma_start3A_163 = arith.constant 0 : i32
        %dma_start3A_164 = tpu.memref_slice %arg5[%add3A_162, %dma_start3A_163] : memref<20032x64xf32, #tpu.memory_space<hbm>> -> memref<632x64xf32, #tpu.memory_space<hbm>>
        %dma_start3A_165 = arith.constant 0 : i32
        %dma_start3A_166 = tpu.memref_slice %arg6[%mul3A_157, %dma_start3A_165] : memref<10016x64xf32, #tpu.memory_space<vmem_shared>> -> memref<632x64xf32, #tpu.memory_space<vmem_shared>>
        tpu.enqueue_dma source(%dma_start3A_166 : memref<632x64xf32, #tpu.memory_space<vmem_shared>>) target(%dma_start3A_164 : memref<632x64xf32, #tpu.memory_space<hbm>>) target_semaphore(%run_scoped3A : memref<!tpu.dma_semaphore, #tpu.memory_space<semaphore_mem>>)
        %dma_wait3A_167 = arith.constant 0 : i32
        %dma_wait3A_168 = tpu.memref_slice %arg5[%add3A_162, %dma_wait3A_167] : memref<20032x64xf32, #tpu.memory_space<hbm>> -> memref<632x64xf32, #tpu.memory_space<hbm>>
        %dma_wait3A_169 = arith.constant 0 : i32
        %dma_wait3A_170 = tpu.memref_slice %arg6[%mul3A_157, %dma_wait3A_169] : memref<10016x64xf32, #tpu.memory_space<vmem_shared>> -> memref<632x64xf32, #tpu.memory_space<vmem_shared>>
        tpu.wait_dma2 semaphore(%run_scoped3A : memref<!tpu.dma_semaphore, #tpu.memory_space<semaphore_mem>>) src(%dma_wait3A_170 : memref<632x64xf32, #tpu.memory_space<vmem_shared>>) dst(%dma_wait3A_168 : memref<632x64xf32, #tpu.memory_space<hbm>>)
        tpu.yield
      }) : () -> ()
    } else {
    }
    %eq3A_151 = arith.constant 15 : i32
    %eq3A_152 = arith.cmpi eq, %arg1, %eq3A_151 : i32
    %convert_element_type3A_153 = arith.extui %eq3A_152 : i1 to i32
    %cond3A_154 = arith.constant 0 : i32
    %cond3A_155 = arith.cmpi ne, %convert_element_type3A_153, %cond3A_154 : i32
    scf.if %cond3A_155 {
      %mul3A_156 = arith.constant 10016 : i32
      %mul3A_157 = arith.muli %arg0, %mul3A_156 : i32
      %add3A_158 = arith.constant 9480 : i32
      %add3A_159 = arith.addi %mul3A_157, %add3A_158 : i32
      "tpu.region"() ({
        %run_scoped3A = tpu.sem_alloc : memref<!tpu.dma_semaphore, #tpu.memory_space<semaphore_mem>>
        %dma_start3A_160 = arith.constant 0 : i32
        %dma_start3A_161 = tpu.memref_slice %arg5[%add3A_159, %dma_start3A_160] : memref<20032x64xf32, #tpu.memory_space<hbm>> -> memref<536x64xf32, #tpu.memory_space<hbm>>
        %dma_start3A_162 = arith.constant 9480 : i32
        %dma_start3A_163 = arith.constant 0 : i32
        %dma_start3A_164 = tpu.memref_slice %arg6[%dma_start3A_162, %dma_start3A_163] : memref<10016x64xf32, #tpu.memory_space<vmem_shared>> -> memref<536x64xf32, #tpu.memory_space<vmem_shared>>
        tpu.enqueue_dma source(%dma_start3A_164 : memref<536x64xf32, #tpu.memory_space<vmem_shared>>) target(%dma_start3A_161 : memref<536x64xf32, #tpu.memory_space<hbm>>) target_semaphore(%run_scoped3A : memref<!tpu.dma_semaphore, #tpu.memory_space<semaphore_mem>>)
        %dma_wait3A_165 = arith.constant 0 : i32
        %dma_wait3A_166 = tpu.memref_slice %arg5[%add3A_159, %dma_wait3A_165] : memref<20032x64xf32, #tpu.memory_space<hbm>> -> memref<536x64xf32, #tpu.memory_space<hbm>>
        %dma_wait3A_167 = arith.constant 9480 : i32
        %dma_wait3A_168 = arith.constant 0 : i32
        %dma_wait3A_169 = tpu.memref_slice %arg6[%dma_wait3A_167, %dma_wait3A_168] : memref<10016x64xf32, #tpu.memory_space<vmem_shared>> -> memref<536x64xf32, #tpu.memory_space<vmem_shared>>
        tpu.wait_dma2 semaphore(%run_scoped3A : memref<!tpu.dma_semaphore, #tpu.memory_space<semaphore_mem>>) src(%dma_wait3A_169 : memref<536x64xf32, #tpu.memory_space<vmem_shared>>) dst(%dma_wait3A_166 : memref<536x64xf32, #tpu.memory_space<hbm>>)
        tpu.yield
      }) : () -> ()
    } else {
    }
    return
  }
}

#map = affine_map<(d0, d1) -> (0, 0)>
#map1 = affine_map<(d0, d1) -> (0, 0, 0)>
module attributes {stable_mosaic.version = 14 : i64} {
  func.func @_segsum_body(%arg0: i32, %arg1: i32, %arg2: memref<20000x64xf32, #tpu.memory_space<hbm>>, %arg3: memref<2560x2x128xi32, #tpu.memory_space<hbm>>, %arg4: memref<632x64xf32, #tpu.memory_space<hbm>>, %arg5: memref<20032x64xf32, #tpu.memory_space<hbm>>, %arg6: memref<10016x64xf32, #tpu.memory_space<vmem_shared>>, %arg7: memref<10000x64xf32, #tpu.memory_space<vmem_shared>>, %arg8: memref<80x2x128xi32, #tpu.memory_space<vmem>>, %arg9: memref<128x64xf32, #tpu.memory_space<vmem>>, %arg10: memref<128x64xf32, #tpu.memory_space<vmem>>, %arg11: memref<!tpu.dma_semaphore, #tpu.memory_space<semaphore_mem>>, %arg12: memref<!tpu.dma_semaphore, #tpu.memory_space<semaphore_mem>>, %arg13: memref<!tpu.dma_semaphore, #tpu.memory_space<semaphore_mem>>, %arg14: memref<!tpu.dma_semaphore, #tpu.memory_space<semaphore_mem>>) attributes {dimension_semantics = [#tpu.dimension_semantics<core_parallel>, #tpu.dimension_semantics<subcore_parallel>], iteration_bounds = array<i64: 2, 16>, scalar_prefetch = 0 : i64, scratch_operands = 9 : i64, tpu.core_type = #tpu.core_type<sc_vector_subcore>, window_params = [{transform_indices = #map}, {transform_indices = #map1}, {transform_indices = #map}, {transform_indices = #map}]} {
    %mul3A = arith.constant 160 : i32
    %mul3A_0 = arith.muli %arg1, %mul3A : i32
    "tpu.region"() ({
      %run_scoped3A = tpu.sem_alloc : memref<!tpu.dma_semaphore, #tpu.memory_space<semaphore_mem>>
      %dma_start3A_156 = arith.constant 0 : i32
      %dma_start3A_157 = arith.constant 0 : i32
      %dma_start3A_158 = tpu.memref_slice %arg3[%mul3A_0, %dma_start3A_156, %dma_start3A_157] : memref<2560x2x128xi32, #tpu.memory_space<hbm>> -> memref<80x2x128xi32, #tpu.memory_space<hbm>>
      %dma_start3A_159 = arith.constant 0 : i32
      %dma_start3A_160 = arith.constant 0 : i32
      %dma_start3A_161 = tpu.memref_slice %arg3[%mul3A_0, %dma_start3A_159, %dma_start3A_160] : memref<2560x2x128xi32, #tpu.memory_space<hbm>> -> memref<80x2x128xi32, #tpu.memory_space<hbm>>
      tpu.enqueue_dma source(%dma_start3A_161 : memref<80x2x128xi32, #tpu.memory_space<hbm>>) target(%arg8 : memref<80x2x128xi32, #tpu.memory_space<vmem>>) target_semaphore(%run_scoped3A : memref<!tpu.dma_semaphore, #tpu.memory_space<semaphore_mem>>)
      %dma_wait3A_162 = arith.constant 0 : i32
      %dma_wait3A_163 = arith.constant 0 : i32
      %dma_wait3A_164 = tpu.memref_slice %arg3[%mul3A_0, %dma_wait3A_162, %dma_wait3A_163] : memref<2560x2x128xi32, #tpu.memory_space<hbm>> -> memref<80x2x128xi32, #tpu.memory_space<hbm>>
      %dma_wait3A_165 = arith.constant 0 : i32
      %dma_wait3A_166 = arith.constant 0 : i32
      %dma_wait3A_167 = tpu.memref_slice %arg3[%mul3A_0, %dma_wait3A_165, %dma_wait3A_166] : memref<2560x2x128xi32, #tpu.memory_space<hbm>> -> memref<80x2x128xi32, #tpu.memory_space<hbm>>
      tpu.wait_dma2 semaphore(%run_scoped3A : memref<!tpu.dma_semaphore, #tpu.memory_space<semaphore_mem>>) src(%dma_wait3A_167 : memref<80x2x128xi32, #tpu.memory_space<hbm>>) dst(%arg8 : memref<80x2x128xi32, #tpu.memory_space<vmem>>)
      tpu.yield
    }) : () -> ()
    %lt3A = arith.constant 15 : i32
    %lt3A_1 = arith.cmpi slt, %arg1, %lt3A : i32
    %convert_element_type3A = arith.extui %lt3A_1 : i1 to i32
    %cond3A = arith.constant 0 : i32
    %cond3A_2 = arith.cmpi ne, %convert_element_type3A, %cond3A : i32
    scf.if %cond3A_2 {
      %mul3A_156 = arith.constant 10000 : i32
      %mul3A_157 = arith.muli %arg0, %mul3A_156 : i32
      %mul3A_158 = arith.constant 632 : i32
      %mul3A_159 = arith.muli %arg1, %mul3A_158 : i32
      %add3A_160 = arith.addi %mul3A_157, %mul3A_159 : i32
      %mul3A_161 = arith.constant 632 : i32
      %mul3A_162 = arith.muli %arg1, %mul3A_161 : i32
      "tpu.region"() ({
        %run_scoped3A = tpu.sem_alloc : memref<!tpu.dma_semaphore, #tpu.memory_space<semaphore_mem>>
        %dma_start3A_165 = arith.constant 0 : i32
        %dma_start3A_166 = tpu.memref_slice %arg7[%mul3A_162, %dma_start3A_165] : memref<10000x64xf32, #tpu.memory_space<vmem_shared>> -> memref<632x64xf32, #tpu.memory_space<vmem_shared>>
        %dma_start3A_167 = arith.constant 0 : i32
        %dma_start3A_168 = tpu.memref_slice %arg2[%add3A_160, %dma_start3A_167] : memref<20000x64xf32, #tpu.memory_space<hbm>> -> memref<632x64xf32, #tpu.memory_space<hbm>>
        tpu.enqueue_dma source(%dma_start3A_168 : memref<632x64xf32, #tpu.memory_space<hbm>>) target(%dma_start3A_166 : memref<632x64xf32, #tpu.memory_space<vmem_shared>>) target_semaphore(%run_scoped3A : memref<!tpu.dma_semaphore, #tpu.memory_space<semaphore_mem>>)
        %dma_wait3A_169 = arith.constant 0 : i32
        %dma_wait3A_170 = tpu.memref_slice %arg7[%mul3A_162, %dma_wait3A_169] : memref<10000x64xf32, #tpu.memory_space<vmem_shared>> -> memref<632x64xf32, #tpu.memory_space<vmem_shared>>
        %dma_wait3A_171 = arith.constant 0 : i32
        %dma_wait3A_172 = tpu.memref_slice %arg2[%add3A_160, %dma_wait3A_171] : memref<20000x64xf32, #tpu.memory_space<hbm>> -> memref<632x64xf32, #tpu.memory_space<hbm>>
        tpu.wait_dma2 semaphore(%run_scoped3A : memref<!tpu.dma_semaphore, #tpu.memory_space<semaphore_mem>>) src(%dma_wait3A_172 : memref<632x64xf32, #tpu.memory_space<hbm>>) dst(%dma_wait3A_170 : memref<632x64xf32, #tpu.memory_space<vmem_shared>>)
        tpu.yield
      }) : () -> ()
      %mul3A_163 = arith.constant 632 : i32
      %mul3A_164 = arith.muli %arg1, %mul3A_163 : i32
      "tpu.region"() ({
        %run_scoped3A = tpu.sem_alloc : memref<!tpu.dma_semaphore, #tpu.memory_space<semaphore_mem>>
        %dma_start3A_165 = arith.constant 0 : i32
        %dma_start3A_166 = tpu.memref_slice %arg6[%mul3A_164, %dma_start3A_165] : memref<10016x64xf32, #tpu.memory_space<vmem_shared>> -> memref<632x64xf32, #tpu.memory_space<vmem_shared>>
        tpu.enqueue_dma source(%arg4 : memref<632x64xf32, #tpu.memory_space<hbm>>) target(%dma_start3A_166 : memref<632x64xf32, #tpu.memory_space<vmem_shared>>) target_semaphore(%run_scoped3A : memref<!tpu.dma_semaphore, #tpu.memory_space<semaphore_mem>>)
        %dma_wait3A_167 = arith.constant 0 : i32
        %dma_wait3A_168 = tpu.memref_slice %arg6[%mul3A_164, %dma_wait3A_167] : memref<10016x64xf32, #tpu.memory_space<vmem_shared>> -> memref<632x64xf32, #tpu.memory_space<vmem_shared>>
        tpu.wait_dma2 semaphore(%run_scoped3A : memref<!tpu.dma_semaphore, #tpu.memory_space<semaphore_mem>>) src(%arg4 : memref<632x64xf32, #tpu.memory_space<hbm>>) dst(%dma_wait3A_168 : memref<632x64xf32, #tpu.memory_space<vmem_shared>>)
        tpu.yield
      }) : () -> ()
    } else {
    }
    %eq3A = arith.constant 15 : i32
    %eq3A_3 = arith.cmpi eq, %arg1, %eq3A : i32
    %convert_element_type3A_4 = arith.extui %eq3A_3 : i1 to i32
    %cond3A_5 = arith.constant 0 : i32
    %cond3A_6 = arith.cmpi ne, %convert_element_type3A_4, %cond3A_5 : i32
    scf.if %cond3A_6 {
      %mul3A_156 = arith.constant 10000 : i32
      %mul3A_157 = arith.muli %arg0, %mul3A_156 : i32
      %add3A_158 = arith.constant 9480 : i32
      %add3A_159 = arith.addi %mul3A_157, %add3A_158 : i32
      "tpu.region"() ({
        %run_scoped3A = tpu.sem_alloc : memref<!tpu.dma_semaphore, #tpu.memory_space<semaphore_mem>>
        %dma_start3A_160 = arith.constant 9480 : i32
        %dma_start3A_161 = arith.constant 0 : i32
        %dma_start3A_162 = tpu.memref_slice %arg7[%dma_start3A_160, %dma_start3A_161] : memref<10000x64xf32, #tpu.memory_space<vmem_shared>> -> memref<520x64xf32, #tpu.memory_space<vmem_shared>>
        %dma_start3A_163 = arith.constant 0 : i32
        %dma_start3A_164 = tpu.memref_slice %arg2[%add3A_159, %dma_start3A_163] : memref<20000x64xf32, #tpu.memory_space<hbm>> -> memref<520x64xf32, #tpu.memory_space<hbm>>
        tpu.enqueue_dma source(%dma_start3A_164 : memref<520x64xf32, #tpu.memory_space<hbm>>) target(%dma_start3A_162 : memref<520x64xf32, #tpu.memory_space<vmem_shared>>) target_semaphore(%run_scoped3A : memref<!tpu.dma_semaphore, #tpu.memory_space<semaphore_mem>>)
        %dma_wait3A_165 = arith.constant 9480 : i32
        %dma_wait3A_166 = arith.constant 0 : i32
        %dma_wait3A_167 = tpu.memref_slice %arg7[%dma_wait3A_165, %dma_wait3A_166] : memref<10000x64xf32, #tpu.memory_space<vmem_shared>> -> memref<520x64xf32, #tpu.memory_space<vmem_shared>>
        %dma_wait3A_168 = arith.constant 0 : i32
        %dma_wait3A_169 = tpu.memref_slice %arg2[%add3A_159, %dma_wait3A_168] : memref<20000x64xf32, #tpu.memory_space<hbm>> -> memref<520x64xf32, #tpu.memory_space<hbm>>
        tpu.wait_dma2 semaphore(%run_scoped3A : memref<!tpu.dma_semaphore, #tpu.memory_space<semaphore_mem>>) src(%dma_wait3A_169 : memref<520x64xf32, #tpu.memory_space<hbm>>) dst(%dma_wait3A_167 : memref<520x64xf32, #tpu.memory_space<vmem_shared>>)
        tpu.yield
      }) : () -> ()
      "tpu.region"() ({
        %run_scoped3A = tpu.sem_alloc : memref<!tpu.dma_semaphore, #tpu.memory_space<semaphore_mem>>
        %dma_start3A_160 = arith.constant 9480 : i32
        %dma_start3A_161 = arith.constant 0 : i32
        %dma_start3A_162 = tpu.memref_slice %arg6[%dma_start3A_160, %dma_start3A_161] : memref<10016x64xf32, #tpu.memory_space<vmem_shared>> -> memref<536x64xf32, #tpu.memory_space<vmem_shared>>
        %dma_start3A_163 = arith.constant 0 : i32
        %dma_start3A_164 = arith.constant 0 : i32
        %dma_start3A_165 = tpu.memref_slice %arg4[%dma_start3A_163, %dma_start3A_164] : memref<632x64xf32, #tpu.memory_space<hbm>> -> memref<536x64xf32, #tpu.memory_space<hbm>>
        tpu.enqueue_dma source(%dma_start3A_165 : memref<536x64xf32, #tpu.memory_space<hbm>>) target(%dma_start3A_162 : memref<536x64xf32, #tpu.memory_space<vmem_shared>>) target_semaphore(%run_scoped3A : memref<!tpu.dma_semaphore, #tpu.memory_space<semaphore_mem>>)
        %dma_wait3A_166 = arith.constant 9480 : i32
        %dma_wait3A_167 = arith.constant 0 : i32
        %dma_wait3A_168 = tpu.memref_slice %arg6[%dma_wait3A_166, %dma_wait3A_167] : memref<10016x64xf32, #tpu.memory_space<vmem_shared>> -> memref<536x64xf32, #tpu.memory_space<vmem_shared>>
        %dma_wait3A_169 = arith.constant 0 : i32
        %dma_wait3A_170 = arith.constant 0 : i32
        %dma_wait3A_171 = tpu.memref_slice %arg4[%dma_wait3A_169, %dma_wait3A_170] : memref<632x64xf32, #tpu.memory_space<hbm>> -> memref<536x64xf32, #tpu.memory_space<hbm>>
        tpu.wait_dma2 semaphore(%run_scoped3A : memref<!tpu.dma_semaphore, #tpu.memory_space<semaphore_mem>>) src(%dma_wait3A_171 : memref<536x64xf32, #tpu.memory_space<hbm>>) dst(%dma_wait3A_168 : memref<536x64xf32, #tpu.memory_space<vmem_shared>>)
        tpu.yield
      }) : () -> ()
    } else {
    }
    %barrier3A = arith.constant 0 : index
    tpu.barrier barrier_id(%barrier3A)
    %dma_start3A = arith.constant 0 : i32
    %dma_start3A_7 = arith.constant 0 : i32
    %dma_start3A_8 = arith.constant 0 : i32
    %dma_start3A_9 = tpu.memref_slice %arg8[%dma_start3A, %dma_start3A_7, %dma_start3A_8] : memref<80x2x128xi32, #tpu.memory_space<vmem>> -> memref<1x1x128xi32, #tpu.memory_space<vmem>>
    %dma_start3A_10 = tpu.memref_squeeze %dma_start3A_9 : memref<1x1x128xi32, #tpu.memory_space<vmem>> -> memref<128xi32, #tpu.memory_space<vmem>>
    %dma_start3A_11 = arith.constant 0 : i32
    %dma_start3A_12 = arith.constant 0 : i32
    %dma_start3A_13 = tpu.memref_slice %arg7[%dma_start3A_11, %dma_start3A_12] : memref<10000x64xf32, #tpu.memory_space<vmem_shared>> -> memref<10000x64xf32, #tpu.memory_space<vmem_shared>>
    tpu.enqueue_indirect_dma source(%dma_start3A_13 : memref<10000x64xf32, #tpu.memory_space<vmem_shared>>) target(%arg9 : memref<128x64xf32, #tpu.memory_space<vmem>>) offsets(%dma_start3A_10 : memref<128xi32, #tpu.memory_space<vmem>>) semaphore(%arg11 : memref<!tpu.dma_semaphore, #tpu.memory_space<semaphore_mem>>)
    %dma_start3A_14 = arith.constant 1 : i32
    %dma_start3A_15 = arith.constant 0 : i32
    %dma_start3A_16 = arith.constant 0 : i32
    %dma_start3A_17 = tpu.memref_slice %arg8[%dma_start3A_14, %dma_start3A_15, %dma_start3A_16] : memref<80x2x128xi32, #tpu.memory_space<vmem>> -> memref<1x1x128xi32, #tpu.memory_space<vmem>>
    %dma_start3A_18 = tpu.memref_squeeze %dma_start3A_17 : memref<1x1x128xi32, #tpu.memory_space<vmem>> -> memref<128xi32, #tpu.memory_space<vmem>>
    %dma_start3A_19 = arith.constant 0 : i32
    %dma_start3A_20 = arith.constant 0 : i32
    %dma_start3A_21 = tpu.memref_slice %arg7[%dma_start3A_19, %dma_start3A_20] : memref<10000x64xf32, #tpu.memory_space<vmem_shared>> -> memref<10000x64xf32, #tpu.memory_space<vmem_shared>>
    tpu.enqueue_indirect_dma source(%dma_start3A_21 : memref<10000x64xf32, #tpu.memory_space<vmem_shared>>) target(%arg10 : memref<128x64xf32, #tpu.memory_space<vmem>>) offsets(%dma_start3A_18 : memref<128xi32, #tpu.memory_space<vmem>>) semaphore(%arg12 : memref<!tpu.dma_semaphore, #tpu.memory_space<semaphore_mem>>)
    %scan3A = arith.constant 0 : i32
    %scan3A_22 = arith.constant 0 : i32
    %scan3A_23 = arith.constant 39 : i32
    %scan3A_24 = arith.addi %scan3A_22, %scan3A_23 : i32
    %scan3A_25 = arith.constant 1 : i32
    scf.for %scan3A_156 = %scan3A_22 to %scan3A_24 step %scan3A_25  : i32 {
      %mul3A_157 = arith.constant 2 : i32
      %mul3A_158 = arith.muli %scan3A_156, %mul3A_157 : i32
      %add3A_159 = arith.constant 0 : i32
      %add3A_160 = arith.addi %mul3A_158, %add3A_159 : i32
      %dma_wait3A_161 = arith.constant 0 : i32
      %dma_wait3A_162 = arith.constant 0 : i32
      %dma_wait3A_163 = tpu.memref_slice %arg8[%add3A_160, %dma_wait3A_161, %dma_wait3A_162] : memref<80x2x128xi32, #tpu.memory_space<vmem>> -> memref<1x1x128xi32, #tpu.memory_space<vmem>>
      %dma_wait3A_164 = tpu.memref_squeeze %dma_wait3A_163 : memref<1x1x128xi32, #tpu.memory_space<vmem>> -> memref<128xi32, #tpu.memory_space<vmem>>
      %dma_wait3A_165 = arith.constant 0 : i32
      %dma_wait3A_166 = arith.constant 0 : i32
      %dma_wait3A_167 = tpu.memref_slice %arg7[%dma_wait3A_165, %dma_wait3A_166] : memref<10000x64xf32, #tpu.memory_space<vmem_shared>> -> memref<10000x64xf32, #tpu.memory_space<vmem_shared>>
      tpu.wait_indirect_dma semaphore(%arg11 : memref<!tpu.dma_semaphore, #tpu.memory_space<semaphore_mem>>) src(%dma_wait3A_167 : memref<10000x64xf32, #tpu.memory_space<vmem_shared>>) dst(%arg9 : memref<128x64xf32, #tpu.memory_space<vmem>>)
      %dma_start3A_168 = arith.constant 1 : i32
      %dma_start3A_169 = arith.constant 0 : i32
      %dma_start3A_170 = tpu.memref_slice %arg8[%add3A_160, %dma_start3A_168, %dma_start3A_169] : memref<80x2x128xi32, #tpu.memory_space<vmem>> -> memref<1x1x128xi32, #tpu.memory_space<vmem>>
      %dma_start3A_171 = tpu.memref_squeeze %dma_start3A_170 : memref<1x1x128xi32, #tpu.memory_space<vmem>> -> memref<128xi32, #tpu.memory_space<vmem>>
      %dma_start3A_172 = arith.constant 0 : i32
      %dma_start3A_173 = arith.constant 0 : i32
      %dma_start3A_174 = tpu.memref_slice %arg6[%dma_start3A_172, %dma_start3A_173] : memref<10016x64xf32, #tpu.memory_space<vmem_shared>> -> memref<10016x64xf32, #tpu.memory_space<vmem_shared>>
      tpu.enqueue_indirect_dma source(%arg9 : memref<128x64xf32, #tpu.memory_space<vmem>>) target(%dma_start3A_174 : memref<10016x64xf32, #tpu.memory_space<vmem_shared>>) offsets(%dma_start3A_171 : memref<128xi32, #tpu.memory_space<vmem>>) semaphore(%arg13 : memref<!tpu.dma_semaphore, #tpu.memory_space<semaphore_mem>>) {add = true}
      %mul3A_175 = arith.constant 2 : i32
      %mul3A_176 = arith.muli %scan3A_156, %mul3A_175 : i32
      %add3A_177 = arith.constant 1 : i32
      %add3A_178 = arith.addi %mul3A_176, %add3A_177 : i32
      %dma_wait3A_179 = arith.constant 0 : i32
      %dma_wait3A_180 = arith.constant 0 : i32
      %dma_wait3A_181 = tpu.memref_slice %arg8[%add3A_178, %dma_wait3A_179, %dma_wait3A_180] : memref<80x2x128xi32, #tpu.memory_space<vmem>> -> memref<1x1x128xi32, #tpu.memory_space<vmem>>
      %dma_wait3A_182 = tpu.memref_squeeze %dma_wait3A_181 : memref<1x1x128xi32, #tpu.memory_space<vmem>> -> memref<128xi32, #tpu.memory_space<vmem>>
      %dma_wait3A_183 = arith.constant 0 : i32
      %dma_wait3A_184 = arith.constant 0 : i32
      %dma_wait3A_185 = tpu.memref_slice %arg7[%dma_wait3A_183, %dma_wait3A_184] : memref<10000x64xf32, #tpu.memory_space<vmem_shared>> -> memref<10000x64xf32, #tpu.memory_space<vmem_shared>>
      tpu.wait_indirect_dma semaphore(%arg12 : memref<!tpu.dma_semaphore, #tpu.memory_space<semaphore_mem>>) src(%dma_wait3A_185 : memref<10000x64xf32, #tpu.memory_space<vmem_shared>>) dst(%arg10 : memref<128x64xf32, #tpu.memory_space<vmem>>)
      %dma_start3A_186 = arith.constant 1 : i32
      %dma_start3A_187 = arith.constant 0 : i32
      %dma_start3A_188 = tpu.memref_slice %arg8[%add3A_178, %dma_start3A_186, %dma_start3A_187] : memref<80x2x128xi32, #tpu.memory_space<vmem>> -> memref<1x1x128xi32, #tpu.memory_space<vmem>>
      %dma_start3A_189 = tpu.memref_squeeze %dma_start3A_188 : memref<1x1x128xi32, #tpu.memory_space<vmem>> -> memref<128xi32, #tpu.memory_space<vmem>>
      %dma_start3A_190 = arith.constant 0 : i32
      %dma_start3A_191 = arith.constant 0 : i32
      %dma_start3A_192 = tpu.memref_slice %arg6[%dma_start3A_190, %dma_start3A_191] : memref<10016x64xf32, #tpu.memory_space<vmem_shared>> -> memref<10016x64xf32, #tpu.memory_space<vmem_shared>>
      tpu.enqueue_indirect_dma source(%arg10 : memref<128x64xf32, #tpu.memory_space<vmem>>) target(%dma_start3A_192 : memref<10016x64xf32, #tpu.memory_space<vmem_shared>>) offsets(%dma_start3A_189 : memref<128xi32, #tpu.memory_space<vmem>>) semaphore(%arg14 : memref<!tpu.dma_semaphore, #tpu.memory_space<semaphore_mem>>) {add = true}
      %mul3A_193 = arith.constant 2 : i32
      %mul3A_194 = arith.muli %scan3A_156, %mul3A_193 : i32
      %add3A_195 = arith.constant 0 : i32
      %add3A_196 = arith.addi %mul3A_194, %add3A_195 : i32
      %dma_wait3A_197 = arith.constant 1 : i32
      %dma_wait3A_198 = arith.constant 0 : i32
      %dma_wait3A_199 = tpu.memref_slice %arg8[%add3A_196, %dma_wait3A_197, %dma_wait3A_198] : memref<80x2x128xi32, #tpu.memory_space<vmem>> -> memref<1x1x128xi32, #tpu.memory_space<vmem>>
      %dma_wait3A_200 = tpu.memref_squeeze %dma_wait3A_199 : memref<1x1x128xi32, #tpu.memory_space<vmem>> -> memref<128xi32, #tpu.memory_space<vmem>>
      %dma_wait3A_201 = arith.constant 0 : i32
      %dma_wait3A_202 = arith.constant 0 : i32
      %dma_wait3A_203 = tpu.memref_slice %arg6[%dma_wait3A_201, %dma_wait3A_202] : memref<10016x64xf32, #tpu.memory_space<vmem_shared>> -> memref<10016x64xf32, #tpu.memory_space<vmem_shared>>
      tpu.wait_indirect_dma semaphore(%arg13 : memref<!tpu.dma_semaphore, #tpu.memory_space<semaphore_mem>>) src(%arg9 : memref<128x64xf32, #tpu.memory_space<vmem>>) dst(%dma_wait3A_203 : memref<10016x64xf32, #tpu.memory_space<vmem_shared>>)
      %add3A_204 = arith.constant 2 : i32
      %add3A_205 = arith.addi %add3A_196, %add3A_204 : i32
      %dma_start3A_206 = arith.constant 0 : i32
      %dma_start3A_207 = arith.constant 0 : i32
      %dma_start3A_208 = tpu.memref_slice %arg8[%add3A_205, %dma_start3A_206, %dma_start3A_207] : memref<80x2x128xi32, #tpu.memory_space<vmem>> -> memref<1x1x128xi32, #tpu.memory_space<vmem>>
      %dma_start3A_209 = tpu.memref_squeeze %dma_start3A_208 : memref<1x1x128xi32, #tpu.memory_space<vmem>> -> memref<128xi32, #tpu.memory_space<vmem>>
      %dma_start3A_210 = arith.constant 0 : i32
      %dma_start3A_211 = arith.constant 0 : i32
      %dma_start3A_212 = tpu.memref_slice %arg7[%dma_start3A_210, %dma_start3A_211] : memref<10000x64xf32, #tpu.memory_space<vmem_shared>> -> memref<10000x64xf32, #tpu.memory_space<vmem_shared>>
      tpu.enqueue_indirect_dma source(%dma_start3A_212 : memref<10000x64xf32, #tpu.memory_space<vmem_shared>>) target(%arg9 : memref<128x64xf32, #tpu.memory_space<vmem>>) offsets(%dma_start3A_209 : memref<128xi32, #tpu.memory_space<vmem>>) semaphore(%arg11 : memref<!tpu.dma_semaphore, #tpu.memory_space<semaphore_mem>>)
      %mul3A_213 = arith.constant 2 : i32
      %mul3A_214 = arith.muli %scan3A_156, %mul3A_213 : i32
      %add3A_215 = arith.constant 1 : i32
      %add3A_216 = arith.addi %mul3A_214, %add3A_215 : i32
      %dma_wait3A_217 = arith.constant 1 : i32
      %dma_wait3A_218 = arith.constant 0 : i32
      %dma_wait3A_219 = tpu.memref_slice %arg8[%add3A_216, %dma_wait3A_217, %dma_wait3A_218] : memref<80x2x128xi32, #tpu.memory_space<vmem>> -> memref<1x1x128xi32, #tpu.memory_space<vmem>>
      %dma_wait3A_220 = tpu.memref_squeeze %dma_wait3A_219 : memref<1x1x128xi32, #tpu.memory_space<vmem>> -> memref<128xi32, #tpu.memory_space<vmem>>
      %dma_wait3A_221 = arith.constant 0 : i32
      %dma_wait3A_222 = arith.constant 0 : i32
      %dma_wait3A_223 = tpu.memref_slice %arg6[%dma_wait3A_221, %dma_wait3A_222] : memref<10016x64xf32, #tpu.memory_space<vmem_shared>> -> memref<10016x64xf32, #tpu.memory_space<vmem_shared>>
      tpu.wait_indirect_dma semaphore(%arg14 : memref<!tpu.dma_semaphore, #tpu.memory_space<semaphore_mem>>) src(%arg10 : memref<128x64xf32, #tpu.memory_space<vmem>>) dst(%dma_wait3A_223 : memref<10016x64xf32, #tpu.memory_space<vmem_shared>>)
      %add3A_224 = arith.constant 2 : i32
      %add3A_225 = arith.addi %add3A_216, %add3A_224 : i32
      %dma_start3A_226 = arith.constant 0 : i32
      %dma_start3A_227 = arith.constant 0 : i32
      %dma_start3A_228 = tpu.memref_slice %arg8[%add3A_225, %dma_start3A_226, %dma_start3A_227] : memref<80x2x128xi32, #tpu.memory_space<vmem>> -> memref<1x1x128xi32, #tpu.memory_space<vmem>>
      %dma_start3A_229 = tpu.memref_squeeze %dma_start3A_228 : memref<1x1x128xi32, #tpu.memory_space<vmem>> -> memref<128xi32, #tpu.memory_space<vmem>>
      %dma_start3A_230 = arith.constant 0 : i32
      %dma_start3A_231 = arith.constant 0 : i32
      %dma_start3A_232 = tpu.memref_slice %arg7[%dma_start3A_230, %dma_start3A_231] : memref<10000x64xf32, #tpu.memory_space<vmem_shared>> -> memref<10000x64xf32, #tpu.memory_space<vmem_shared>>
      tpu.enqueue_indirect_dma source(%dma_start3A_232 : memref<10000x64xf32, #tpu.memory_space<vmem_shared>>) target(%arg10 : memref<128x64xf32, #tpu.memory_space<vmem>>) offsets(%dma_start3A_229 : memref<128xi32, #tpu.memory_space<vmem>>) semaphore(%arg12 : memref<!tpu.dma_semaphore, #tpu.memory_space<semaphore_mem>>)
    }
    %scan3A_26 = arith.constant 39 : i32
    %dma_wait3A = arith.constant 78 : i32
    %dma_wait3A_27 = arith.constant 0 : i32
    %dma_wait3A_28 = arith.constant 0 : i32
    %dma_wait3A_29 = tpu.memref_slice %arg8[%dma_wait3A, %dma_wait3A_27, %dma_wait3A_28] : memref<80x2x128xi32, #tpu.memory_space<vmem>> -> memref<1x1x128xi32, #tpu.memory_space<vmem>>
    %dma_wait3A_30 = tpu.memref_squeeze %dma_wait3A_29 : memref<1x1x128xi32, #tpu.memory_space<vmem>> -> memref<128xi32, #tpu.memory_space<vmem>>
    %dma_wait3A_31 = arith.constant 0 : i32
    %dma_wait3A_32 = arith.constant 0 : i32
    %dma_wait3A_33 = tpu.memref_slice %arg7[%dma_wait3A_31, %dma_wait3A_32] : memref<10000x64xf32, #tpu.memory_space<vmem_shared>> -> memref<10000x64xf32, #tpu.memory_space<vmem_shared>>
    tpu.wait_indirect_dma semaphore(%arg11 : memref<!tpu.dma_semaphore, #tpu.memory_space<semaphore_mem>>) src(%dma_wait3A_33 : memref<10000x64xf32, #tpu.memory_space<vmem_shared>>) dst(%arg9 : memref<128x64xf32, #tpu.memory_space<vmem>>)
    %dma_start3A_34 = arith.constant 78 : i32
    %dma_start3A_35 = arith.constant 1 : i32
    %dma_start3A_36 = arith.constant 0 : i32
    %dma_start3A_37 = tpu.memref_slice %arg8[%dma_start3A_34, %dma_start3A_35, %dma_start3A_36] : memref<80x2x128xi32, #tpu.memory_space<vmem>> -> memref<1x1x128xi32, #tpu.memory_space<vmem>>
    %dma_start3A_38 = tpu.memref_squeeze %dma_start3A_37 : memref<1x1x128xi32, #tpu.memory_space<vmem>> -> memref<128xi32, #tpu.memory_space<vmem>>
    %dma_start3A_39 = arith.constant 0 : i32
    %dma_start3A_40 = arith.constant 0 : i32
    %dma_start3A_41 = tpu.memref_slice %arg6[%dma_start3A_39, %dma_start3A_40] : memref<10016x64xf32, #tpu.memory_space<vmem_shared>> -> memref<10016x64xf32, #tpu.memory_space<vmem_shared>>
    tpu.enqueue_indirect_dma source(%arg9 : memref<128x64xf32, #tpu.memory_space<vmem>>) target(%dma_start3A_41 : memref<10016x64xf32, #tpu.memory_space<vmem_shared>>) offsets(%dma_start3A_38 : memref<128xi32, #tpu.memory_space<vmem>>) semaphore(%arg13 : memref<!tpu.dma_semaphore, #tpu.memory_space<semaphore_mem>>) {add = true}
    %dma_wait3A_42 = arith.constant 79 : i32
    %dma_wait3A_43 = arith.constant 0 : i32
    %dma_wait3A_44 = arith.constant 0 : i32
    %dma_wait3A_45 = tpu.memref_slice %arg8[%dma_wait3A_42, %dma_wait3A_43, %dma_wait3A_44] : memref<80x2x128xi32, #tpu.memory_space<vmem>> -> memref<1x1x128xi32, #tpu.memory_space<vmem>>
    %dma_wait3A_46 = tpu.memref_squeeze %dma_wait3A_45 : memref<1x1x128xi32, #tpu.memory_space<vmem>> -> memref<128xi32, #tpu.memory_space<vmem>>
    %dma_wait3A_47 = arith.constant 0 : i32
    %dma_wait3A_48 = arith.constant 0 : i32
    %dma_wait3A_49 = tpu.memref_slice %arg7[%dma_wait3A_47, %dma_wait3A_48] : memref<10000x64xf32, #tpu.memory_space<vmem_shared>> -> memref<10000x64xf32, #tpu.memory_space<vmem_shared>>
    tpu.wait_indirect_dma semaphore(%arg12 : memref<!tpu.dma_semaphore, #tpu.memory_space<semaphore_mem>>) src(%dma_wait3A_49 : memref<10000x64xf32, #tpu.memory_space<vmem_shared>>) dst(%arg10 : memref<128x64xf32, #tpu.memory_space<vmem>>)
    %dma_start3A_50 = arith.constant 79 : i32
    %dma_start3A_51 = arith.constant 1 : i32
    %dma_start3A_52 = arith.constant 0 : i32
    %dma_start3A_53 = tpu.memref_slice %arg8[%dma_start3A_50, %dma_start3A_51, %dma_start3A_52] : memref<80x2x128xi32, #tpu.memory_space<vmem>> -> memref<1x1x128xi32, #tpu.memory_space<vmem>>
    %dma_start3A_54 = tpu.memref_squeeze %dma_start3A_53 : memref<1x1x128xi32, #tpu.memory_space<vmem>> -> memref<128xi32, #tpu.memory_space<vmem>>
    %dma_start3A_55 = arith.constant 0 : i32
    %dma_start3A_56 = arith.constant 0 : i32
    %dma_start3A_57 = tpu.memref_slice %arg6[%dma_start3A_55, %dma_start3A_56] : memref<10016x64xf32, #tpu.memory_space<vmem_shared>> -> memref<10016x64xf32, #tpu.memory_space<vmem_shared>>
    tpu.enqueue_indirect_dma source(%arg10 : memref<128x64xf32, #tpu.memory_space<vmem>>) target(%dma_start3A_57 : memref<10016x64xf32, #tpu.memory_space<vmem_shared>>) offsets(%dma_start3A_54 : memref<128xi32, #tpu.memory_space<vmem>>) semaphore(%arg14 : memref<!tpu.dma_semaphore, #tpu.memory_space<semaphore_mem>>) {add = true}
    %dma_wait3A_58 = arith.constant 78 : i32
    %dma_wait3A_59 = arith.constant 1 : i32
    %dma_wait3A_60 = arith.constant 0 : i32
    %dma_wait3A_61 = tpu.memref_slice %arg8[%dma_wait3A_58, %dma_wait3A_59, %dma_wait3A_60] : memref<80x2x128xi32, #tpu.memory_space<vmem>> -> memref<1x1x128xi32, #tpu.memory_space<vmem>>
    %dma_wait3A_62 = tpu.memref_squeeze %dma_wait3A_61 : memref<1x1x128xi32, #tpu.memory_space<vmem>> -> memref<128xi32, #tpu.memory_space<vmem>>
    %dma_wait3A_63 = arith.constant 0 : i32
    %dma_wait3A_64 = arith.constant 0 : i32
    %dma_wait3A_65 = tpu.memref_slice %arg6[%dma_wait3A_63, %dma_wait3A_64] : memref<10016x64xf32, #tpu.memory_space<vmem_shared>> -> memref<10016x64xf32, #tpu.memory_space<vmem_shared>>
    tpu.wait_indirect_dma semaphore(%arg13 : memref<!tpu.dma_semaphore, #tpu.memory_space<semaphore_mem>>) src(%arg9 : memref<128x64xf32, #tpu.memory_space<vmem>>) dst(%dma_wait3A_65 : memref<10016x64xf32, #tpu.memory_space<vmem_shared>>)
    %dma_wait3A_66 = arith.constant 79 : i32
    %dma_wait3A_67 = arith.constant 1 : i32
    %dma_wait3A_68 = arith.constant 0 : i32
    %dma_wait3A_69 = tpu.memref_slice %arg8[%dma_wait3A_66, %dma_wait3A_67, %dma_wait3A_68] : memref<80x2x128xi32, #tpu.memory_space<vmem>> -> memref<1x1x128xi32, #tpu.memory_space<vmem>>
    %dma_wait3A_70 = tpu.memref_squeeze %dma_wait3A_69 : memref<1x1x128xi32, #tpu.memory_space<vmem>> -> memref<128xi32, #tpu.memory_space<vmem>>
    %dma_wait3A_71 = arith.constant 0 : i32
    %dma_wait3A_72 = arith.constant 0 : i32
    %dma_wait3A_73 = tpu.memref_slice %arg6[%dma_wait3A_71, %dma_wait3A_72] : memref<10016x64xf32, #tpu.memory_space<vmem_shared>> -> memref<10016x64xf32, #tpu.memory_space<vmem_shared>>
    tpu.wait_indirect_dma semaphore(%arg14 : memref<!tpu.dma_semaphore, #tpu.memory_space<semaphore_mem>>) src(%arg10 : memref<128x64xf32, #tpu.memory_space<vmem>>) dst(%dma_wait3A_73 : memref<10016x64xf32, #tpu.memory_space<vmem_shared>>)
    %add3A = arith.constant 80 : i32
    %add3A_74 = arith.addi %mul3A_0, %add3A : i32
    "tpu.region"() ({
      %run_scoped3A = tpu.sem_alloc : memref<!tpu.dma_semaphore, #tpu.memory_space<semaphore_mem>>
      %dma_start3A_156 = arith.constant 0 : i32
      %dma_start3A_157 = arith.constant 0 : i32
      %dma_start3A_158 = tpu.memref_slice %arg3[%add3A_74, %dma_start3A_156, %dma_start3A_157] : memref<2560x2x128xi32, #tpu.memory_space<hbm>> -> memref<80x2x128xi32, #tpu.memory_space<hbm>>
      %dma_start3A_159 = arith.constant 0 : i32
      %dma_start3A_160 = arith.constant 0 : i32
      %dma_start3A_161 = tpu.memref_slice %arg3[%add3A_74, %dma_start3A_159, %dma_start3A_160] : memref<2560x2x128xi32, #tpu.memory_space<hbm>> -> memref<80x2x128xi32, #tpu.memory_space<hbm>>
      tpu.enqueue_dma source(%dma_start3A_161 : memref<80x2x128xi32, #tpu.memory_space<hbm>>) target(%arg8 : memref<80x2x128xi32, #tpu.memory_space<vmem>>) target_semaphore(%run_scoped3A : memref<!tpu.dma_semaphore, #tpu.memory_space<semaphore_mem>>)
      %dma_wait3A_162 = arith.constant 0 : i32
      %dma_wait3A_163 = arith.constant 0 : i32
      %dma_wait3A_164 = tpu.memref_slice %arg3[%add3A_74, %dma_wait3A_162, %dma_wait3A_163] : memref<2560x2x128xi32, #tpu.memory_space<hbm>> -> memref<80x2x128xi32, #tpu.memory_space<hbm>>
      %dma_wait3A_165 = arith.constant 0 : i32
      %dma_wait3A_166 = arith.constant 0 : i32
      %dma_wait3A_167 = tpu.memref_slice %arg3[%add3A_74, %dma_wait3A_165, %dma_wait3A_166] : memref<2560x2x128xi32, #tpu.memory_space<hbm>> -> memref<80x2x128xi32, #tpu.memory_space<hbm>>
      tpu.wait_dma2 semaphore(%run_scoped3A : memref<!tpu.dma_semaphore, #tpu.memory_space<semaphore_mem>>) src(%dma_wait3A_167 : memref<80x2x128xi32, #tpu.memory_space<hbm>>) dst(%arg8 : memref<80x2x128xi32, #tpu.memory_space<vmem>>)
      tpu.yield
    }) : () -> ()
    %dma_start3A_75 = arith.constant 0 : i32
    %dma_start3A_76 = arith.constant 0 : i32
    %dma_start3A_77 = arith.constant 0 : i32
    %dma_start3A_78 = tpu.memref_slice %arg8[%dma_start3A_75, %dma_start3A_76, %dma_start3A_77] : memref<80x2x128xi32, #tpu.memory_space<vmem>> -> memref<1x1x128xi32, #tpu.memory_space<vmem>>
    %dma_start3A_79 = tpu.memref_squeeze %dma_start3A_78 : memref<1x1x128xi32, #tpu.memory_space<vmem>> -> memref<128xi32, #tpu.memory_space<vmem>>
    %dma_start3A_80 = arith.constant 0 : i32
    %dma_start3A_81 = arith.constant 0 : i32
    %dma_start3A_82 = tpu.memref_slice %arg7[%dma_start3A_80, %dma_start3A_81] : memref<10000x64xf32, #tpu.memory_space<vmem_shared>> -> memref<10000x64xf32, #tpu.memory_space<vmem_shared>>
    tpu.enqueue_indirect_dma source(%dma_start3A_82 : memref<10000x64xf32, #tpu.memory_space<vmem_shared>>) target(%arg9 : memref<128x64xf32, #tpu.memory_space<vmem>>) offsets(%dma_start3A_79 : memref<128xi32, #tpu.memory_space<vmem>>) semaphore(%arg11 : memref<!tpu.dma_semaphore, #tpu.memory_space<semaphore_mem>>)
    %dma_start3A_83 = arith.constant 1 : i32
    %dma_start3A_84 = arith.constant 0 : i32
    %dma_start3A_85 = arith.constant 0 : i32
    %dma_start3A_86 = tpu.memref_slice %arg8[%dma_start3A_83, %dma_start3A_84, %dma_start3A_85] : memref<80x2x128xi32, #tpu.memory_space<vmem>> -> memref<1x1x128xi32, #tpu.memory_space<vmem>>
    %dma_start3A_87 = tpu.memref_squeeze %dma_start3A_86 : memref<1x1x128xi32, #tpu.memory_space<vmem>> -> memref<128xi32, #tpu.memory_space<vmem>>
    %dma_start3A_88 = arith.constant 0 : i32
    %dma_start3A_89 = arith.constant 0 : i32
    %dma_start3A_90 = tpu.memref_slice %arg7[%dma_start3A_88, %dma_start3A_89] : memref<10000x64xf32, #tpu.memory_space<vmem_shared>> -> memref<10000x64xf32, #tpu.memory_space<vmem_shared>>
    tpu.enqueue_indirect_dma source(%dma_start3A_90 : memref<10000x64xf32, #tpu.memory_space<vmem_shared>>) target(%arg10 : memref<128x64xf32, #tpu.memory_space<vmem>>) offsets(%dma_start3A_87 : memref<128xi32, #tpu.memory_space<vmem>>) semaphore(%arg12 : memref<!tpu.dma_semaphore, #tpu.memory_space<semaphore_mem>>)
    %scan3A_91 = arith.constant 0 : i32
    %scan3A_92 = arith.constant 0 : i32
    %scan3A_93 = arith.constant 39 : i32
    %scan3A_94 = arith.addi %scan3A_92, %scan3A_93 : i32
    %scan3A_95 = arith.constant 1 : i32
    scf.for %scan3A_156 = %scan3A_92 to %scan3A_94 step %scan3A_95  : i32 {
      %mul3A_157 = arith.constant 2 : i32
      %mul3A_158 = arith.muli %scan3A_156, %mul3A_157 : i32
      %add3A_159 = arith.constant 0 : i32
      %add3A_160 = arith.addi %mul3A_158, %add3A_159 : i32
      %dma_wait3A_161 = arith.constant 0 : i32
      %dma_wait3A_162 = arith.constant 0 : i32
      %dma_wait3A_163 = tpu.memref_slice %arg8[%add3A_160, %dma_wait3A_161, %dma_wait3A_162] : memref<80x2x128xi32, #tpu.memory_space<vmem>> -> memref<1x1x128xi32, #tpu.memory_space<vmem>>
      %dma_wait3A_164 = tpu.memref_squeeze %dma_wait3A_163 : memref<1x1x128xi32, #tpu.memory_space<vmem>> -> memref<128xi32, #tpu.memory_space<vmem>>
      %dma_wait3A_165 = arith.constant 0 : i32
      %dma_wait3A_166 = arith.constant 0 : i32
      %dma_wait3A_167 = tpu.memref_slice %arg7[%dma_wait3A_165, %dma_wait3A_166] : memref<10000x64xf32, #tpu.memory_space<vmem_shared>> -> memref<10000x64xf32, #tpu.memory_space<vmem_shared>>
      tpu.wait_indirect_dma semaphore(%arg11 : memref<!tpu.dma_semaphore, #tpu.memory_space<semaphore_mem>>) src(%dma_wait3A_167 : memref<10000x64xf32, #tpu.memory_space<vmem_shared>>) dst(%arg9 : memref<128x64xf32, #tpu.memory_space<vmem>>)
      %dma_start3A_168 = arith.constant 1 : i32
      %dma_start3A_169 = arith.constant 0 : i32
      %dma_start3A_170 = tpu.memref_slice %arg8[%add3A_160, %dma_start3A_168, %dma_start3A_169] : memref<80x2x128xi32, #tpu.memory_space<vmem>> -> memref<1x1x128xi32, #tpu.memory_space<vmem>>
      %dma_start3A_171 = tpu.memref_squeeze %dma_start3A_170 : memref<1x1x128xi32, #tpu.memory_space<vmem>> -> memref<128xi32, #tpu.memory_space<vmem>>
      %dma_start3A_172 = arith.constant 0 : i32
      %dma_start3A_173 = arith.constant 0 : i32
      %dma_start3A_174 = tpu.memref_slice %arg6[%dma_start3A_172, %dma_start3A_173] : memref<10016x64xf32, #tpu.memory_space<vmem_shared>> -> memref<10016x64xf32, #tpu.memory_space<vmem_shared>>
      tpu.enqueue_indirect_dma source(%arg9 : memref<128x64xf32, #tpu.memory_space<vmem>>) target(%dma_start3A_174 : memref<10016x64xf32, #tpu.memory_space<vmem_shared>>) offsets(%dma_start3A_171 : memref<128xi32, #tpu.memory_space<vmem>>) semaphore(%arg13 : memref<!tpu.dma_semaphore, #tpu.memory_space<semaphore_mem>>) {add = true}
      %mul3A_175 = arith.constant 2 : i32
      %mul3A_176 = arith.muli %scan3A_156, %mul3A_175 : i32
      %add3A_177 = arith.constant 1 : i32
      %add3A_178 = arith.addi %mul3A_176, %add3A_177 : i32
      %dma_wait3A_179 = arith.constant 0 : i32
      %dma_wait3A_180 = arith.constant 0 : i32
      %dma_wait3A_181 = tpu.memref_slice %arg8[%add3A_178, %dma_wait3A_179, %dma_wait3A_180] : memref<80x2x128xi32, #tpu.memory_space<vmem>> -> memref<1x1x128xi32, #tpu.memory_space<vmem>>
      %dma_wait3A_182 = tpu.memref_squeeze %dma_wait3A_181 : memref<1x1x128xi32, #tpu.memory_space<vmem>> -> memref<128xi32, #tpu.memory_space<vmem>>
      %dma_wait3A_183 = arith.constant 0 : i32
      %dma_wait3A_184 = arith.constant 0 : i32
      %dma_wait3A_185 = tpu.memref_slice %arg7[%dma_wait3A_183, %dma_wait3A_184] : memref<10000x64xf32, #tpu.memory_space<vmem_shared>> -> memref<10000x64xf32, #tpu.memory_space<vmem_shared>>
      tpu.wait_indirect_dma semaphore(%arg12 : memref<!tpu.dma_semaphore, #tpu.memory_space<semaphore_mem>>) src(%dma_wait3A_185 : memref<10000x64xf32, #tpu.memory_space<vmem_shared>>) dst(%arg10 : memref<128x64xf32, #tpu.memory_space<vmem>>)
      %dma_start3A_186 = arith.constant 1 : i32
      %dma_start3A_187 = arith.constant 0 : i32
      %dma_start3A_188 = tpu.memref_slice %arg8[%add3A_178, %dma_start3A_186, %dma_start3A_187] : memref<80x2x128xi32, #tpu.memory_space<vmem>> -> memref<1x1x128xi32, #tpu.memory_space<vmem>>
      %dma_start3A_189 = tpu.memref_squeeze %dma_start3A_188 : memref<1x1x128xi32, #tpu.memory_space<vmem>> -> memref<128xi32, #tpu.memory_space<vmem>>
      %dma_start3A_190 = arith.constant 0 : i32
      %dma_start3A_191 = arith.constant 0 : i32
      %dma_start3A_192 = tpu.memref_slice %arg6[%dma_start3A_190, %dma_start3A_191] : memref<10016x64xf32, #tpu.memory_space<vmem_shared>> -> memref<10016x64xf32, #tpu.memory_space<vmem_shared>>
      tpu.enqueue_indirect_dma source(%arg10 : memref<128x64xf32, #tpu.memory_space<vmem>>) target(%dma_start3A_192 : memref<10016x64xf32, #tpu.memory_space<vmem_shared>>) offsets(%dma_start3A_189 : memref<128xi32, #tpu.memory_space<vmem>>) semaphore(%arg14 : memref<!tpu.dma_semaphore, #tpu.memory_space<semaphore_mem>>) {add = true}
      %mul3A_193 = arith.constant 2 : i32
      %mul3A_194 = arith.muli %scan3A_156, %mul3A_193 : i32
      %add3A_195 = arith.constant 0 : i32
      %add3A_196 = arith.addi %mul3A_194, %add3A_195 : i32
      %dma_wait3A_197 = arith.constant 1 : i32
      %dma_wait3A_198 = arith.constant 0 : i32
      %dma_wait3A_199 = tpu.memref_slice %arg8[%add3A_196, %dma_wait3A_197, %dma_wait3A_198] : memref<80x2x128xi32, #tpu.memory_space<vmem>> -> memref<1x1x128xi32, #tpu.memory_space<vmem>>
      %dma_wait3A_200 = tpu.memref_squeeze %dma_wait3A_199 : memref<1x1x128xi32, #tpu.memory_space<vmem>> -> memref<128xi32, #tpu.memory_space<vmem>>
      %dma_wait3A_201 = arith.constant 0 : i32
      %dma_wait3A_202 = arith.constant 0 : i32
      %dma_wait3A_203 = tpu.memref_slice %arg6[%dma_wait3A_201, %dma_wait3A_202] : memref<10016x64xf32, #tpu.memory_space<vmem_shared>> -> memref<10016x64xf32, #tpu.memory_space<vmem_shared>>
      tpu.wait_indirect_dma semaphore(%arg13 : memref<!tpu.dma_semaphore, #tpu.memory_space<semaphore_mem>>) src(%arg9 : memref<128x64xf32, #tpu.memory_space<vmem>>) dst(%dma_wait3A_203 : memref<10016x64xf32, #tpu.memory_space<vmem_shared>>)
      %add3A_204 = arith.constant 2 : i32
      %add3A_205 = arith.addi %add3A_196, %add3A_204 : i32
      %dma_start3A_206 = arith.constant 0 : i32
      %dma_start3A_207 = arith.constant 0 : i32
      %dma_start3A_208 = tpu.memref_slice %arg8[%add3A_205, %dma_start3A_206, %dma_start3A_207] : memref<80x2x128xi32, #tpu.memory_space<vmem>> -> memref<1x1x128xi32, #tpu.memory_space<vmem>>
      %dma_start3A_209 = tpu.memref_squeeze %dma_start3A_208 : memref<1x1x128xi32, #tpu.memory_space<vmem>> -> memref<128xi32, #tpu.memory_space<vmem>>
      %dma_start3A_210 = arith.constant 0 : i32
      %dma_start3A_211 = arith.constant 0 : i32
      %dma_start3A_212 = tpu.memref_slice %arg7[%dma_start3A_210, %dma_start3A_211] : memref<10000x64xf32, #tpu.memory_space<vmem_shared>> -> memref<10000x64xf32, #tpu.memory_space<vmem_shared>>
      tpu.enqueue_indirect_dma source(%dma_start3A_212 : memref<10000x64xf32, #tpu.memory_space<vmem_shared>>) target(%arg9 : memref<128x64xf32, #tpu.memory_space<vmem>>) offsets(%dma_start3A_209 : memref<128xi32, #tpu.memory_space<vmem>>) semaphore(%arg11 : memref<!tpu.dma_semaphore, #tpu.memory_space<semaphore_mem>>)
      %mul3A_213 = arith.constant 2 : i32
      %mul3A_214 = arith.muli %scan3A_156, %mul3A_213 : i32
      %add3A_215 = arith.constant 1 : i32
      %add3A_216 = arith.addi %mul3A_214, %add3A_215 : i32
      %dma_wait3A_217 = arith.constant 1 : i32
      %dma_wait3A_218 = arith.constant 0 : i32
      %dma_wait3A_219 = tpu.memref_slice %arg8[%add3A_216, %dma_wait3A_217, %dma_wait3A_218] : memref<80x2x128xi32, #tpu.memory_space<vmem>> -> memref<1x1x128xi32, #tpu.memory_space<vmem>>
      %dma_wait3A_220 = tpu.memref_squeeze %dma_wait3A_219 : memref<1x1x128xi32, #tpu.memory_space<vmem>> -> memref<128xi32, #tpu.memory_space<vmem>>
      %dma_wait3A_221 = arith.constant 0 : i32
      %dma_wait3A_222 = arith.constant 0 : i32
      %dma_wait3A_223 = tpu.memref_slice %arg6[%dma_wait3A_221, %dma_wait3A_222] : memref<10016x64xf32, #tpu.memory_space<vmem_shared>> -> memref<10016x64xf32, #tpu.memory_space<vmem_shared>>
      tpu.wait_indirect_dma semaphore(%arg14 : memref<!tpu.dma_semaphore, #tpu.memory_space<semaphore_mem>>) src(%arg10 : memref<128x64xf32, #tpu.memory_space<vmem>>) dst(%dma_wait3A_223 : memref<10016x64xf32, #tpu.memory_space<vmem_shared>>)
      %add3A_224 = arith.constant 2 : i32
      %add3A_225 = arith.addi %add3A_216, %add3A_224 : i32
      %dma_start3A_226 = arith.constant 0 : i32
      %dma_start3A_227 = arith.constant 0 : i32
      %dma_start3A_228 = tpu.memref_slice %arg8[%add3A_225, %dma_start3A_226, %dma_start3A_227] : memref<80x2x128xi32, #tpu.memory_space<vmem>> -> memref<1x1x128xi32, #tpu.memory_space<vmem>>
      %dma_start3A_229 = tpu.memref_squeeze %dma_start3A_228 : memref<1x1x128xi32, #tpu.memory_space<vmem>> -> memref<128xi32, #tpu.memory_space<vmem>>
      %dma_start3A_230 = arith.constant 0 : i32
      %dma_start3A_231 = arith.constant 0 : i32
      %dma_start3A_232 = tpu.memref_slice %arg7[%dma_start3A_230, %dma_start3A_231] : memref<10000x64xf32, #tpu.memory_space<vmem_shared>> -> memref<10000x64xf32, #tpu.memory_space<vmem_shared>>
      tpu.enqueue_indirect_dma source(%dma_start3A_232 : memref<10000x64xf32, #tpu.memory_space<vmem_shared>>) target(%arg10 : memref<128x64xf32, #tpu.memory_space<vmem>>) offsets(%dma_start3A_229 : memref<128xi32, #tpu.memory_space<vmem>>) semaphore(%arg12 : memref<!tpu.dma_semaphore, #tpu.memory_space<semaphore_mem>>)
    }
    %scan3A_96 = arith.constant 39 : i32
    %dma_wait3A_97 = arith.constant 78 : i32
    %dma_wait3A_98 = arith.constant 0 : i32
    %dma_wait3A_99 = arith.constant 0 : i32
    %dma_wait3A_100 = tpu.memref_slice %arg8[%dma_wait3A_97, %dma_wait3A_98, %dma_wait3A_99] : memref<80x2x128xi32, #tpu.memory_space<vmem>> -> memref<1x1x128xi32, #tpu.memory_space<vmem>>
    %dma_wait3A_101 = tpu.memref_squeeze %dma_wait3A_100 : memref<1x1x128xi32, #tpu.memory_space<vmem>> -> memref<128xi32, #tpu.memory_space<vmem>>
    %dma_wait3A_102 = arith.constant 0 : i32
    %dma_wait3A_103 = arith.constant 0 : i32
    %dma_wait3A_104 = tpu.memref_slice %arg7[%dma_wait3A_102, %dma_wait3A_103] : memref<10000x64xf32, #tpu.memory_space<vmem_shared>> -> memref<10000x64xf32, #tpu.memory_space<vmem_shared>>
    tpu.wait_indirect_dma semaphore(%arg11 : memref<!tpu.dma_semaphore, #tpu.memory_space<semaphore_mem>>) src(%dma_wait3A_104 : memref<10000x64xf32, #tpu.memory_space<vmem_shared>>) dst(%arg9 : memref<128x64xf32, #tpu.memory_space<vmem>>)
    %dma_start3A_105 = arith.constant 78 : i32
    %dma_start3A_106 = arith.constant 1 : i32
    %dma_start3A_107 = arith.constant 0 : i32
    %dma_start3A_108 = tpu.memref_slice %arg8[%dma_start3A_105, %dma_start3A_106, %dma_start3A_107] : memref<80x2x128xi32, #tpu.memory_space<vmem>> -> memref<1x1x128xi32, #tpu.memory_space<vmem>>
    %dma_start3A_109 = tpu.memref_squeeze %dma_start3A_108 : memref<1x1x128xi32, #tpu.memory_space<vmem>> -> memref<128xi32, #tpu.memory_space<vmem>>
    %dma_start3A_110 = arith.constant 0 : i32
    %dma_start3A_111 = arith.constant 0 : i32
    %dma_start3A_112 = tpu.memref_slice %arg6[%dma_start3A_110, %dma_start3A_111] : memref<10016x64xf32, #tpu.memory_space<vmem_shared>> -> memref<10016x64xf32, #tpu.memory_space<vmem_shared>>
    tpu.enqueue_indirect_dma source(%arg9 : memref<128x64xf32, #tpu.memory_space<vmem>>) target(%dma_start3A_112 : memref<10016x64xf32, #tpu.memory_space<vmem_shared>>) offsets(%dma_start3A_109 : memref<128xi32, #tpu.memory_space<vmem>>) semaphore(%arg13 : memref<!tpu.dma_semaphore, #tpu.memory_space<semaphore_mem>>) {add = true}
    %dma_wait3A_113 = arith.constant 79 : i32
    %dma_wait3A_114 = arith.constant 0 : i32
    %dma_wait3A_115 = arith.constant 0 : i32
    %dma_wait3A_116 = tpu.memref_slice %arg8[%dma_wait3A_113, %dma_wait3A_114, %dma_wait3A_115] : memref<80x2x128xi32, #tpu.memory_space<vmem>> -> memref<1x1x128xi32, #tpu.memory_space<vmem>>
    %dma_wait3A_117 = tpu.memref_squeeze %dma_wait3A_116 : memref<1x1x128xi32, #tpu.memory_space<vmem>> -> memref<128xi32, #tpu.memory_space<vmem>>
    %dma_wait3A_118 = arith.constant 0 : i32
    %dma_wait3A_119 = arith.constant 0 : i32
    %dma_wait3A_120 = tpu.memref_slice %arg7[%dma_wait3A_118, %dma_wait3A_119] : memref<10000x64xf32, #tpu.memory_space<vmem_shared>> -> memref<10000x64xf32, #tpu.memory_space<vmem_shared>>
    tpu.wait_indirect_dma semaphore(%arg12 : memref<!tpu.dma_semaphore, #tpu.memory_space<semaphore_mem>>) src(%dma_wait3A_120 : memref<10000x64xf32, #tpu.memory_space<vmem_shared>>) dst(%arg10 : memref<128x64xf32, #tpu.memory_space<vmem>>)
    %dma_start3A_121 = arith.constant 79 : i32
    %dma_start3A_122 = arith.constant 1 : i32
    %dma_start3A_123 = arith.constant 0 : i32
    %dma_start3A_124 = tpu.memref_slice %arg8[%dma_start3A_121, %dma_start3A_122, %dma_start3A_123] : memref<80x2x128xi32, #tpu.memory_space<vmem>> -> memref<1x1x128xi32, #tpu.memory_space<vmem>>
    %dma_start3A_125 = tpu.memref_squeeze %dma_start3A_124 : memref<1x1x128xi32, #tpu.memory_space<vmem>> -> memref<128xi32, #tpu.memory_space<vmem>>
    %dma_start3A_126 = arith.constant 0 : i32
    %dma_start3A_127 = arith.constant 0 : i32
    %dma_start3A_128 = tpu.memref_slice %arg6[%dma_start3A_126, %dma_start3A_127] : memref<10016x64xf32, #tpu.memory_space<vmem_shared>> -> memref<10016x64xf32, #tpu.memory_space<vmem_shared>>
    tpu.enqueue_indirect_dma source(%arg10 : memref<128x64xf32, #tpu.memory_space<vmem>>) target(%dma_start3A_128 : memref<10016x64xf32, #tpu.memory_space<vmem_shared>>) offsets(%dma_start3A_125 : memref<128xi32, #tpu.memory_space<vmem>>) semaphore(%arg14 : memref<!tpu.dma_semaphore, #tpu.memory_space<semaphore_mem>>) {add = true}
    %dma_wait3A_129 = arith.constant 78 : i32
    %dma_wait3A_130 = arith.constant 1 : i32
    %dma_wait3A_131 = arith.constant 0 : i32
    %dma_wait3A_132 = tpu.memref_slice %arg8[%dma_wait3A_129, %dma_wait3A_130, %dma_wait3A_131] : memref<80x2x128xi32, #tpu.memory_space<vmem>> -> memref<1x1x128xi32, #tpu.memory_space<vmem>>
    %dma_wait3A_133 = tpu.memref_squeeze %dma_wait3A_132 : memref<1x1x128xi32, #tpu.memory_space<vmem>> -> memref<128xi32, #tpu.memory_space<vmem>>
    %dma_wait3A_134 = arith.constant 0 : i32
    %dma_wait3A_135 = arith.constant 0 : i32
    %dma_wait3A_136 = tpu.memref_slice %arg6[%dma_wait3A_134, %dma_wait3A_135] : memref<10016x64xf32, #tpu.memory_space<vmem_shared>> -> memref<10016x64xf32, #tpu.memory_space<vmem_shared>>
    tpu.wait_indirect_dma semaphore(%arg13 : memref<!tpu.dma_semaphore, #tpu.memory_space<semaphore_mem>>) src(%arg9 : memref<128x64xf32, #tpu.memory_space<vmem>>) dst(%dma_wait3A_136 : memref<10016x64xf32, #tpu.memory_space<vmem_shared>>)
    %dma_wait3A_137 = arith.constant 79 : i32
    %dma_wait3A_138 = arith.constant 1 : i32
    %dma_wait3A_139 = arith.constant 0 : i32
    %dma_wait3A_140 = tpu.memref_slice %arg8[%dma_wait3A_137, %dma_wait3A_138, %dma_wait3A_139] : memref<80x2x128xi32, #tpu.memory_space<vmem>> -> memref<1x1x128xi32, #tpu.memory_space<vmem>>
    %dma_wait3A_141 = tpu.memref_squeeze %dma_wait3A_140 : memref<1x1x128xi32, #tpu.memory_space<vmem>> -> memref<128xi32, #tpu.memory_space<vmem>>
    %dma_wait3A_142 = arith.constant 0 : i32
    %dma_wait3A_143 = arith.constant 0 : i32
    %dma_wait3A_144 = tpu.memref_slice %arg6[%dma_wait3A_142, %dma_wait3A_143] : memref<10016x64xf32, #tpu.memory_space<vmem_shared>> -> memref<10016x64xf32, #tpu.memory_space<vmem_shared>>
    tpu.wait_indirect_dma semaphore(%arg14 : memref<!tpu.dma_semaphore, #tpu.memory_space<semaphore_mem>>) src(%arg10 : memref<128x64xf32, #tpu.memory_space<vmem>>) dst(%dma_wait3A_144 : memref<10016x64xf32, #tpu.memory_space<vmem_shared>>)
    %barrier3A_145 = arith.constant 0 : index
    tpu.barrier barrier_id(%barrier3A_145)
    %lt3A_146 = arith.constant 15 : i32
    %lt3A_147 = arith.cmpi slt, %arg1, %lt3A_146 : i32
    %convert_element_type3A_148 = arith.extui %lt3A_147 : i1 to i32
    %cond3A_149 = arith.constant 0 : i32
    %cond3A_150 = arith.cmpi ne, %convert_element_type3A_148, %cond3A_149 : i32
    scf.if %cond3A_150 {
      %mul3A_156 = arith.constant 632 : i32
      %mul3A_157 = arith.muli %arg1, %mul3A_156 : i32
      %mul3A_158 = arith.constant 10016 : i32
      %mul3A_159 = arith.muli %arg0, %mul3A_158 : i32
      %mul3A_160 = arith.constant 632 : i32
      %mul3A_161 = arith.muli %arg1, %mul3A_160 : i32
      %add3A_162 = arith.addi %mul3A_159, %mul3A_161 : i32
      "tpu.region"() ({
        %run_scoped3A = tpu.sem_alloc : memref<!tpu.dma_semaphore, #tpu.memory_space<semaphore_mem>>
        %dma_start3A_163 = arith.constant 0 : i32
        %dma_start3A_164 = tpu.memref_slice %arg5[%add3A_162, %dma_start3A_163] : memref<20032x64xf32, #tpu.memory_space<hbm>> -> memref<632x64xf32, #tpu.memory_space<hbm>>
        %dma_start3A_165 = arith.constant 0 : i32
        %dma_start3A_166 = tpu.memref_slice %arg6[%mul3A_157, %dma_start3A_165] : memref<10016x64xf32, #tpu.memory_space<vmem_shared>> -> memref<632x64xf32, #tpu.memory_space<vmem_shared>>
        tpu.enqueue_dma source(%dma_start3A_166 : memref<632x64xf32, #tpu.memory_space<vmem_shared>>) target(%dma_start3A_164 : memref<632x64xf32, #tpu.memory_space<hbm>>) target_semaphore(%run_scoped3A : memref<!tpu.dma_semaphore, #tpu.memory_space<semaphore_mem>>)
        %dma_wait3A_167 = arith.constant 0 : i32
        %dma_wait3A_168 = tpu.memref_slice %arg5[%add3A_162, %dma_wait3A_167] : memref<20032x64xf32, #tpu.memory_space<hbm>> -> memref<632x64xf32, #tpu.memory_space<hbm>>
        %dma_wait3A_169 = arith.constant 0 : i32
        %dma_wait3A_170 = tpu.memref_slice %arg6[%mul3A_157, %dma_wait3A_169] : memref<10016x64xf32, #tpu.memory_space<vmem_shared>> -> memref<632x64xf32, #tpu.memory_space<vmem_shared>>
        tpu.wait_dma2 semaphore(%run_scoped3A : memref<!tpu.dma_semaphore, #tpu.memory_space<semaphore_mem>>) src(%dma_wait3A_170 : memref<632x64xf32, #tpu.memory_space<vmem_shared>>) dst(%dma_wait3A_168 : memref<632x64xf32, #tpu.memory_space<hbm>>)
        tpu.yield
      }) : () -> ()
    } else {
    }
    %eq3A_151 = arith.constant 15 : i32
    %eq3A_152 = arith.cmpi eq, %arg1, %eq3A_151 : i32
    %convert_element_type3A_153 = arith.extui %eq3A_152 : i1 to i32
    %cond3A_154 = arith.constant 0 : i32
    %cond3A_155 = arith.cmpi ne, %convert_element_type3A_153, %cond3A_154 : i32
    scf.if %cond3A_155 {
      %mul3A_156 = arith.constant 10016 : i32
      %mul3A_157 = arith.muli %arg0, %mul3A_156 : i32
      %add3A_158 = arith.constant 9480 : i32
      %add3A_159 = arith.addi %mul3A_157, %add3A_158 : i32
      "tpu.region"() ({
        %run_scoped3A = tpu.sem_alloc : memref<!tpu.dma_semaphore, #tpu.memory_space<semaphore_mem>>
        %dma_start3A_160 = arith.constant 0 : i32
        %dma_start3A_161 = tpu.memref_slice %arg5[%add3A_159, %dma_start3A_160] : memref<20032x64xf32, #tpu.memory_space<hbm>> -> memref<536x64xf32, #tpu.memory_space<hbm>>
        %dma_start3A_162 = arith.constant 9480 : i32
        %dma_start3A_163 = arith.constant 0 : i32
        %dma_start3A_164 = tpu.memref_slice %arg6[%dma_start3A_162, %dma_start3A_163] : memref<10016x64xf32, #tpu.memory_space<vmem_shared>> -> memref<536x64xf32, #tpu.memory_space<vmem_shared>>
        tpu.enqueue_dma source(%dma_start3A_164 : memref<536x64xf32, #tpu.memory_space<vmem_shared>>) target(%dma_start3A_161 : memref<536x64xf32, #tpu.memory_space<hbm>>) target_semaphore(%run_scoped3A : memref<!tpu.dma_semaphore, #tpu.memory_space<semaphore_mem>>)
        %dma_wait3A_165 = arith.constant 0 : i32
        %dma_wait3A_166 = tpu.memref_slice %arg5[%add3A_159, %dma_wait3A_165] : memref<20032x64xf32, #tpu.memory_space<hbm>> -> memref<536x64xf32, #tpu.memory_space<hbm>>
        %dma_wait3A_167 = arith.constant 9480 : i32
        %dma_wait3A_168 = arith.constant 0 : i32
        %dma_wait3A_169 = tpu.memref_slice %arg6[%dma_wait3A_167, %dma_wait3A_168] : memref<10016x64xf32, #tpu.memory_space<vmem_shared>> -> memref<536x64xf32, #tpu.memory_space<vmem_shared>>
        tpu.wait_dma2 semaphore(%run_scoped3A : memref<!tpu.dma_semaphore, #tpu.memory_space<semaphore_mem>>) src(%dma_wait3A_169 : memref<536x64xf32, #tpu.memory_space<vmem_shared>>) dst(%dma_wait3A_166 : memref<536x64xf32, #tpu.memory_space<hbm>>)
        tpu.yield
      }) : () -> ()
    } else {
    }
    return
  }
}

#map = affine_map<(d0, d1) -> (0, 0)>
#map1 = affine_map<(d0, d1) -> (0, 0, 0)>
module attributes {stable_mosaic.version = 14 : i64} {
  func.func @_segsum_body(%arg0: i32, %arg1: i32, %arg2: memref<20000x64xf32, #tpu.memory_space<hbm>>, %arg3: memref<2560x2x128xi32, #tpu.memory_space<hbm>>, %arg4: memref<632x64xf32, #tpu.memory_space<hbm>>, %arg5: memref<20032x64xf32, #tpu.memory_space<hbm>>, %arg6: memref<10016x64xf32, #tpu.memory_space<vmem_shared>>, %arg7: memref<10000x64xf32, #tpu.memory_space<vmem_shared>>, %arg8: memref<80x2x128xi32, #tpu.memory_space<vmem>>, %arg9: memref<128x64xf32, #tpu.memory_space<vmem>>, %arg10: memref<128x64xf32, #tpu.memory_space<vmem>>, %arg11: memref<!tpu.dma_semaphore, #tpu.memory_space<semaphore_mem>>, %arg12: memref<!tpu.dma_semaphore, #tpu.memory_space<semaphore_mem>>, %arg13: memref<!tpu.dma_semaphore, #tpu.memory_space<semaphore_mem>>, %arg14: memref<!tpu.dma_semaphore, #tpu.memory_space<semaphore_mem>>) attributes {dimension_semantics = [#tpu.dimension_semantics<core_parallel>, #tpu.dimension_semantics<subcore_parallel>], iteration_bounds = array<i64: 2, 16>, scalar_prefetch = 0 : i64, scratch_operands = 9 : i64, tpu.core_type = #tpu.core_type<sc_vector_subcore>, window_params = [{transform_indices = #map}, {transform_indices = #map1}, {transform_indices = #map}, {transform_indices = #map}]} {
    %mul3A = arith.constant 160 : i32
    %mul3A_0 = arith.muli %arg1, %mul3A : i32
    "tpu.region"() ({
      %run_scoped3A = tpu.sem_alloc : memref<!tpu.dma_semaphore, #tpu.memory_space<semaphore_mem>>
      %dma_start3A_156 = arith.constant 0 : i32
      %dma_start3A_157 = arith.constant 0 : i32
      %dma_start3A_158 = tpu.memref_slice %arg3[%mul3A_0, %dma_start3A_156, %dma_start3A_157] : memref<2560x2x128xi32, #tpu.memory_space<hbm>> -> memref<80x2x128xi32, #tpu.memory_space<hbm>>
      %dma_start3A_159 = arith.constant 0 : i32
      %dma_start3A_160 = arith.constant 0 : i32
      %dma_start3A_161 = tpu.memref_slice %arg3[%mul3A_0, %dma_start3A_159, %dma_start3A_160] : memref<2560x2x128xi32, #tpu.memory_space<hbm>> -> memref<80x2x128xi32, #tpu.memory_space<hbm>>
      tpu.enqueue_dma source(%dma_start3A_161 : memref<80x2x128xi32, #tpu.memory_space<hbm>>) target(%arg8 : memref<80x2x128xi32, #tpu.memory_space<vmem>>) target_semaphore(%run_scoped3A : memref<!tpu.dma_semaphore, #tpu.memory_space<semaphore_mem>>)
      %dma_wait3A_162 = arith.constant 0 : i32
      %dma_wait3A_163 = arith.constant 0 : i32
      %dma_wait3A_164 = tpu.memref_slice %arg3[%mul3A_0, %dma_wait3A_162, %dma_wait3A_163] : memref<2560x2x128xi32, #tpu.memory_space<hbm>> -> memref<80x2x128xi32, #tpu.memory_space<hbm>>
      %dma_wait3A_165 = arith.constant 0 : i32
      %dma_wait3A_166 = arith.constant 0 : i32
      %dma_wait3A_167 = tpu.memref_slice %arg3[%mul3A_0, %dma_wait3A_165, %dma_wait3A_166] : memref<2560x2x128xi32, #tpu.memory_space<hbm>> -> memref<80x2x128xi32, #tpu.memory_space<hbm>>
      tpu.wait_dma2 semaphore(%run_scoped3A : memref<!tpu.dma_semaphore, #tpu.memory_space<semaphore_mem>>) src(%dma_wait3A_167 : memref<80x2x128xi32, #tpu.memory_space<hbm>>) dst(%arg8 : memref<80x2x128xi32, #tpu.memory_space<vmem>>)
      tpu.yield
    }) : () -> ()
    %lt3A = arith.constant 15 : i32
    %lt3A_1 = arith.cmpi slt, %arg1, %lt3A : i32
    %convert_element_type3A = arith.extui %lt3A_1 : i1 to i32
    %cond3A = arith.constant 0 : i32
    %cond3A_2 = arith.cmpi ne, %convert_element_type3A, %cond3A : i32
    scf.if %cond3A_2 {
      %mul3A_156 = arith.constant 10000 : i32
      %mul3A_157 = arith.muli %arg0, %mul3A_156 : i32
      %mul3A_158 = arith.constant 632 : i32
      %mul3A_159 = arith.muli %arg1, %mul3A_158 : i32
      %add3A_160 = arith.addi %mul3A_157, %mul3A_159 : i32
      %mul3A_161 = arith.constant 632 : i32
      %mul3A_162 = arith.muli %arg1, %mul3A_161 : i32
      "tpu.region"() ({
        %run_scoped3A = tpu.sem_alloc : memref<!tpu.dma_semaphore, #tpu.memory_space<semaphore_mem>>
        %dma_start3A_165 = arith.constant 0 : i32
        %dma_start3A_166 = tpu.memref_slice %arg7[%mul3A_162, %dma_start3A_165] : memref<10000x64xf32, #tpu.memory_space<vmem_shared>> -> memref<632x64xf32, #tpu.memory_space<vmem_shared>>
        %dma_start3A_167 = arith.constant 0 : i32
        %dma_start3A_168 = tpu.memref_slice %arg2[%add3A_160, %dma_start3A_167] : memref<20000x64xf32, #tpu.memory_space<hbm>> -> memref<632x64xf32, #tpu.memory_space<hbm>>
        tpu.enqueue_dma source(%dma_start3A_168 : memref<632x64xf32, #tpu.memory_space<hbm>>) target(%dma_start3A_166 : memref<632x64xf32, #tpu.memory_space<vmem_shared>>) target_semaphore(%run_scoped3A : memref<!tpu.dma_semaphore, #tpu.memory_space<semaphore_mem>>)
        %dma_wait3A_169 = arith.constant 0 : i32
        %dma_wait3A_170 = tpu.memref_slice %arg7[%mul3A_162, %dma_wait3A_169] : memref<10000x64xf32, #tpu.memory_space<vmem_shared>> -> memref<632x64xf32, #tpu.memory_space<vmem_shared>>
        %dma_wait3A_171 = arith.constant 0 : i32
        %dma_wait3A_172 = tpu.memref_slice %arg2[%add3A_160, %dma_wait3A_171] : memref<20000x64xf32, #tpu.memory_space<hbm>> -> memref<632x64xf32, #tpu.memory_space<hbm>>
        tpu.wait_dma2 semaphore(%run_scoped3A : memref<!tpu.dma_semaphore, #tpu.memory_space<semaphore_mem>>) src(%dma_wait3A_172 : memref<632x64xf32, #tpu.memory_space<hbm>>) dst(%dma_wait3A_170 : memref<632x64xf32, #tpu.memory_space<vmem_shared>>)
        tpu.yield
      }) : () -> ()
      %mul3A_163 = arith.constant 632 : i32
      %mul3A_164 = arith.muli %arg1, %mul3A_163 : i32
      "tpu.region"() ({
        %run_scoped3A = tpu.sem_alloc : memref<!tpu.dma_semaphore, #tpu.memory_space<semaphore_mem>>
        %dma_start3A_165 = arith.constant 0 : i32
        %dma_start3A_166 = tpu.memref_slice %arg6[%mul3A_164, %dma_start3A_165] : memref<10016x64xf32, #tpu.memory_space<vmem_shared>> -> memref<632x64xf32, #tpu.memory_space<vmem_shared>>
        tpu.enqueue_dma source(%arg4 : memref<632x64xf32, #tpu.memory_space<hbm>>) target(%dma_start3A_166 : memref<632x64xf32, #tpu.memory_space<vmem_shared>>) target_semaphore(%run_scoped3A : memref<!tpu.dma_semaphore, #tpu.memory_space<semaphore_mem>>)
        %dma_wait3A_167 = arith.constant 0 : i32
        %dma_wait3A_168 = tpu.memref_slice %arg6[%mul3A_164, %dma_wait3A_167] : memref<10016x64xf32, #tpu.memory_space<vmem_shared>> -> memref<632x64xf32, #tpu.memory_space<vmem_shared>>
        tpu.wait_dma2 semaphore(%run_scoped3A : memref<!tpu.dma_semaphore, #tpu.memory_space<semaphore_mem>>) src(%arg4 : memref<632x64xf32, #tpu.memory_space<hbm>>) dst(%dma_wait3A_168 : memref<632x64xf32, #tpu.memory_space<vmem_shared>>)
        tpu.yield
      }) : () -> ()
    } else {
    }
    %eq3A = arith.constant 15 : i32
    %eq3A_3 = arith.cmpi eq, %arg1, %eq3A : i32
    %convert_element_type3A_4 = arith.extui %eq3A_3 : i1 to i32
    %cond3A_5 = arith.constant 0 : i32
    %cond3A_6 = arith.cmpi ne, %convert_element_type3A_4, %cond3A_5 : i32
    scf.if %cond3A_6 {
      %mul3A_156 = arith.constant 10000 : i32
      %mul3A_157 = arith.muli %arg0, %mul3A_156 : i32
      %add3A_158 = arith.constant 9480 : i32
      %add3A_159 = arith.addi %mul3A_157, %add3A_158 : i32
      "tpu.region"() ({
        %run_scoped3A = tpu.sem_alloc : memref<!tpu.dma_semaphore, #tpu.memory_space<semaphore_mem>>
        %dma_start3A_160 = arith.constant 9480 : i32
        %dma_start3A_161 = arith.constant 0 : i32
        %dma_start3A_162 = tpu.memref_slice %arg7[%dma_start3A_160, %dma_start3A_161] : memref<10000x64xf32, #tpu.memory_space<vmem_shared>> -> memref<520x64xf32, #tpu.memory_space<vmem_shared>>
        %dma_start3A_163 = arith.constant 0 : i32
        %dma_start3A_164 = tpu.memref_slice %arg2[%add3A_159, %dma_start3A_163] : memref<20000x64xf32, #tpu.memory_space<hbm>> -> memref<520x64xf32, #tpu.memory_space<hbm>>
        tpu.enqueue_dma source(%dma_start3A_164 : memref<520x64xf32, #tpu.memory_space<hbm>>) target(%dma_start3A_162 : memref<520x64xf32, #tpu.memory_space<vmem_shared>>) target_semaphore(%run_scoped3A : memref<!tpu.dma_semaphore, #tpu.memory_space<semaphore_mem>>)
        %dma_wait3A_165 = arith.constant 9480 : i32
        %dma_wait3A_166 = arith.constant 0 : i32
        %dma_wait3A_167 = tpu.memref_slice %arg7[%dma_wait3A_165, %dma_wait3A_166] : memref<10000x64xf32, #tpu.memory_space<vmem_shared>> -> memref<520x64xf32, #tpu.memory_space<vmem_shared>>
        %dma_wait3A_168 = arith.constant 0 : i32
        %dma_wait3A_169 = tpu.memref_slice %arg2[%add3A_159, %dma_wait3A_168] : memref<20000x64xf32, #tpu.memory_space<hbm>> -> memref<520x64xf32, #tpu.memory_space<hbm>>
        tpu.wait_dma2 semaphore(%run_scoped3A : memref<!tpu.dma_semaphore, #tpu.memory_space<semaphore_mem>>) src(%dma_wait3A_169 : memref<520x64xf32, #tpu.memory_space<hbm>>) dst(%dma_wait3A_167 : memref<520x64xf32, #tpu.memory_space<vmem_shared>>)
        tpu.yield
      }) : () -> ()
      "tpu.region"() ({
        %run_scoped3A = tpu.sem_alloc : memref<!tpu.dma_semaphore, #tpu.memory_space<semaphore_mem>>
        %dma_start3A_160 = arith.constant 9480 : i32
        %dma_start3A_161 = arith.constant 0 : i32
        %dma_start3A_162 = tpu.memref_slice %arg6[%dma_start3A_160, %dma_start3A_161] : memref<10016x64xf32, #tpu.memory_space<vmem_shared>> -> memref<536x64xf32, #tpu.memory_space<vmem_shared>>
        %dma_start3A_163 = arith.constant 0 : i32
        %dma_start3A_164 = arith.constant 0 : i32
        %dma_start3A_165 = tpu.memref_slice %arg4[%dma_start3A_163, %dma_start3A_164] : memref<632x64xf32, #tpu.memory_space<hbm>> -> memref<536x64xf32, #tpu.memory_space<hbm>>
        tpu.enqueue_dma source(%dma_start3A_165 : memref<536x64xf32, #tpu.memory_space<hbm>>) target(%dma_start3A_162 : memref<536x64xf32, #tpu.memory_space<vmem_shared>>) target_semaphore(%run_scoped3A : memref<!tpu.dma_semaphore, #tpu.memory_space<semaphore_mem>>)
        %dma_wait3A_166 = arith.constant 9480 : i32
        %dma_wait3A_167 = arith.constant 0 : i32
        %dma_wait3A_168 = tpu.memref_slice %arg6[%dma_wait3A_166, %dma_wait3A_167] : memref<10016x64xf32, #tpu.memory_space<vmem_shared>> -> memref<536x64xf32, #tpu.memory_space<vmem_shared>>
        %dma_wait3A_169 = arith.constant 0 : i32
        %dma_wait3A_170 = arith.constant 0 : i32
        %dma_wait3A_171 = tpu.memref_slice %arg4[%dma_wait3A_169, %dma_wait3A_170] : memref<632x64xf32, #tpu.memory_space<hbm>> -> memref<536x64xf32, #tpu.memory_space<hbm>>
        tpu.wait_dma2 semaphore(%run_scoped3A : memref<!tpu.dma_semaphore, #tpu.memory_space<semaphore_mem>>) src(%dma_wait3A_171 : memref<536x64xf32, #tpu.memory_space<hbm>>) dst(%dma_wait3A_168 : memref<536x64xf32, #tpu.memory_space<vmem_shared>>)
        tpu.yield
      }) : () -> ()
    } else {
    }
    %barrier3A = arith.constant 0 : index
    tpu.barrier barrier_id(%barrier3A)
    %dma_start3A = arith.constant 0 : i32
    %dma_start3A_7 = arith.constant 0 : i32
    %dma_start3A_8 = arith.constant 0 : i32
    %dma_start3A_9 = tpu.memref_slice %arg8[%dma_start3A, %dma_start3A_7, %dma_start3A_8] : memref<80x2x128xi32, #tpu.memory_space<vmem>> -> memref<1x1x128xi32, #tpu.memory_space<vmem>>
    %dma_start3A_10 = tpu.memref_squeeze %dma_start3A_9 : memref<1x1x128xi32, #tpu.memory_space<vmem>> -> memref<128xi32, #tpu.memory_space<vmem>>
    %dma_start3A_11 = arith.constant 0 : i32
    %dma_start3A_12 = arith.constant 0 : i32
    %dma_start3A_13 = tpu.memref_slice %arg7[%dma_start3A_11, %dma_start3A_12] : memref<10000x64xf32, #tpu.memory_space<vmem_shared>> -> memref<10000x64xf32, #tpu.memory_space<vmem_shared>>
    tpu.enqueue_indirect_dma source(%dma_start3A_13 : memref<10000x64xf32, #tpu.memory_space<vmem_shared>>) target(%arg9 : memref<128x64xf32, #tpu.memory_space<vmem>>) offsets(%dma_start3A_10 : memref<128xi32, #tpu.memory_space<vmem>>) semaphore(%arg11 : memref<!tpu.dma_semaphore, #tpu.memory_space<semaphore_mem>>)
    %dma_start3A_14 = arith.constant 1 : i32
    %dma_start3A_15 = arith.constant 0 : i32
    %dma_start3A_16 = arith.constant 0 : i32
    %dma_start3A_17 = tpu.memref_slice %arg8[%dma_start3A_14, %dma_start3A_15, %dma_start3A_16] : memref<80x2x128xi32, #tpu.memory_space<vmem>> -> memref<1x1x128xi32, #tpu.memory_space<vmem>>
    %dma_start3A_18 = tpu.memref_squeeze %dma_start3A_17 : memref<1x1x128xi32, #tpu.memory_space<vmem>> -> memref<128xi32, #tpu.memory_space<vmem>>
    %dma_start3A_19 = arith.constant 0 : i32
    %dma_start3A_20 = arith.constant 0 : i32
    %dma_start3A_21 = tpu.memref_slice %arg7[%dma_start3A_19, %dma_start3A_20] : memref<10000x64xf32, #tpu.memory_space<vmem_shared>> -> memref<10000x64xf32, #tpu.memory_space<vmem_shared>>
    tpu.enqueue_indirect_dma source(%dma_start3A_21 : memref<10000x64xf32, #tpu.memory_space<vmem_shared>>) target(%arg10 : memref<128x64xf32, #tpu.memory_space<vmem>>) offsets(%dma_start3A_18 : memref<128xi32, #tpu.memory_space<vmem>>) semaphore(%arg12 : memref<!tpu.dma_semaphore, #tpu.memory_space<semaphore_mem>>)
    %scan3A = arith.constant 0 : i32
    %scan3A_22 = arith.constant 0 : i32
    %scan3A_23 = arith.constant 39 : i32
    %scan3A_24 = arith.addi %scan3A_22, %scan3A_23 : i32
    %scan3A_25 = arith.constant 1 : i32
    scf.for %scan3A_156 = %scan3A_22 to %scan3A_24 step %scan3A_25  : i32 {
      %mul3A_157 = arith.constant 2 : i32
      %mul3A_158 = arith.muli %scan3A_156, %mul3A_157 : i32
      %add3A_159 = arith.constant 0 : i32
      %add3A_160 = arith.addi %mul3A_158, %add3A_159 : i32
      %dma_wait3A_161 = arith.constant 0 : i32
      %dma_wait3A_162 = arith.constant 0 : i32
      %dma_wait3A_163 = tpu.memref_slice %arg8[%add3A_160, %dma_wait3A_161, %dma_wait3A_162] : memref<80x2x128xi32, #tpu.memory_space<vmem>> -> memref<1x1x128xi32, #tpu.memory_space<vmem>>
      %dma_wait3A_164 = tpu.memref_squeeze %dma_wait3A_163 : memref<1x1x128xi32, #tpu.memory_space<vmem>> -> memref<128xi32, #tpu.memory_space<vmem>>
      %dma_wait3A_165 = arith.constant 0 : i32
      %dma_wait3A_166 = arith.constant 0 : i32
      %dma_wait3A_167 = tpu.memref_slice %arg7[%dma_wait3A_165, %dma_wait3A_166] : memref<10000x64xf32, #tpu.memory_space<vmem_shared>> -> memref<10000x64xf32, #tpu.memory_space<vmem_shared>>
      tpu.wait_indirect_dma semaphore(%arg11 : memref<!tpu.dma_semaphore, #tpu.memory_space<semaphore_mem>>) src(%dma_wait3A_167 : memref<10000x64xf32, #tpu.memory_space<vmem_shared>>) dst(%arg9 : memref<128x64xf32, #tpu.memory_space<vmem>>)
      %dma_start3A_168 = arith.constant 1 : i32
      %dma_start3A_169 = arith.constant 0 : i32
      %dma_start3A_170 = tpu.memref_slice %arg8[%add3A_160, %dma_start3A_168, %dma_start3A_169] : memref<80x2x128xi32, #tpu.memory_space<vmem>> -> memref<1x1x128xi32, #tpu.memory_space<vmem>>
      %dma_start3A_171 = tpu.memref_squeeze %dma_start3A_170 : memref<1x1x128xi32, #tpu.memory_space<vmem>> -> memref<128xi32, #tpu.memory_space<vmem>>
      %dma_start3A_172 = arith.constant 0 : i32
      %dma_start3A_173 = arith.constant 0 : i32
      %dma_start3A_174 = tpu.memref_slice %arg6[%dma_start3A_172, %dma_start3A_173] : memref<10016x64xf32, #tpu.memory_space<vmem_shared>> -> memref<10016x64xf32, #tpu.memory_space<vmem_shared>>
      tpu.enqueue_indirect_dma source(%arg9 : memref<128x64xf32, #tpu.memory_space<vmem>>) target(%dma_start3A_174 : memref<10016x64xf32, #tpu.memory_space<vmem_shared>>) offsets(%dma_start3A_171 : memref<128xi32, #tpu.memory_space<vmem>>) semaphore(%arg13 : memref<!tpu.dma_semaphore, #tpu.memory_space<semaphore_mem>>) {add = true}
      %mul3A_175 = arith.constant 2 : i32
      %mul3A_176 = arith.muli %scan3A_156, %mul3A_175 : i32
      %add3A_177 = arith.constant 1 : i32
      %add3A_178 = arith.addi %mul3A_176, %add3A_177 : i32
      %dma_wait3A_179 = arith.constant 0 : i32
      %dma_wait3A_180 = arith.constant 0 : i32
      %dma_wait3A_181 = tpu.memref_slice %arg8[%add3A_178, %dma_wait3A_179, %dma_wait3A_180] : memref<80x2x128xi32, #tpu.memory_space<vmem>> -> memref<1x1x128xi32, #tpu.memory_space<vmem>>
      %dma_wait3A_182 = tpu.memref_squeeze %dma_wait3A_181 : memref<1x1x128xi32, #tpu.memory_space<vmem>> -> memref<128xi32, #tpu.memory_space<vmem>>
      %dma_wait3A_183 = arith.constant 0 : i32
      %dma_wait3A_184 = arith.constant 0 : i32
      %dma_wait3A_185 = tpu.memref_slice %arg7[%dma_wait3A_183, %dma_wait3A_184] : memref<10000x64xf32, #tpu.memory_space<vmem_shared>> -> memref<10000x64xf32, #tpu.memory_space<vmem_shared>>
      tpu.wait_indirect_dma semaphore(%arg12 : memref<!tpu.dma_semaphore, #tpu.memory_space<semaphore_mem>>) src(%dma_wait3A_185 : memref<10000x64xf32, #tpu.memory_space<vmem_shared>>) dst(%arg10 : memref<128x64xf32, #tpu.memory_space<vmem>>)
      %dma_start3A_186 = arith.constant 1 : i32
      %dma_start3A_187 = arith.constant 0 : i32
      %dma_start3A_188 = tpu.memref_slice %arg8[%add3A_178, %dma_start3A_186, %dma_start3A_187] : memref<80x2x128xi32, #tpu.memory_space<vmem>> -> memref<1x1x128xi32, #tpu.memory_space<vmem>>
      %dma_start3A_189 = tpu.memref_squeeze %dma_start3A_188 : memref<1x1x128xi32, #tpu.memory_space<vmem>> -> memref<128xi32, #tpu.memory_space<vmem>>
      %dma_start3A_190 = arith.constant 0 : i32
      %dma_start3A_191 = arith.constant 0 : i32
      %dma_start3A_192 = tpu.memref_slice %arg6[%dma_start3A_190, %dma_start3A_191] : memref<10016x64xf32, #tpu.memory_space<vmem_shared>> -> memref<10016x64xf32, #tpu.memory_space<vmem_shared>>
      tpu.enqueue_indirect_dma source(%arg10 : memref<128x64xf32, #tpu.memory_space<vmem>>) target(%dma_start3A_192 : memref<10016x64xf32, #tpu.memory_space<vmem_shared>>) offsets(%dma_start3A_189 : memref<128xi32, #tpu.memory_space<vmem>>) semaphore(%arg14 : memref<!tpu.dma_semaphore, #tpu.memory_space<semaphore_mem>>) {add = true}
      %mul3A_193 = arith.constant 2 : i32
      %mul3A_194 = arith.muli %scan3A_156, %mul3A_193 : i32
      %add3A_195 = arith.constant 0 : i32
      %add3A_196 = arith.addi %mul3A_194, %add3A_195 : i32
      %dma_wait3A_197 = arith.constant 1 : i32
      %dma_wait3A_198 = arith.constant 0 : i32
      %dma_wait3A_199 = tpu.memref_slice %arg8[%add3A_196, %dma_wait3A_197, %dma_wait3A_198] : memref<80x2x128xi32, #tpu.memory_space<vmem>> -> memref<1x1x128xi32, #tpu.memory_space<vmem>>
      %dma_wait3A_200 = tpu.memref_squeeze %dma_wait3A_199 : memref<1x1x128xi32, #tpu.memory_space<vmem>> -> memref<128xi32, #tpu.memory_space<vmem>>
      %dma_wait3A_201 = arith.constant 0 : i32
      %dma_wait3A_202 = arith.constant 0 : i32
      %dma_wait3A_203 = tpu.memref_slice %arg6[%dma_wait3A_201, %dma_wait3A_202] : memref<10016x64xf32, #tpu.memory_space<vmem_shared>> -> memref<10016x64xf32, #tpu.memory_space<vmem_shared>>
      tpu.wait_indirect_dma semaphore(%arg13 : memref<!tpu.dma_semaphore, #tpu.memory_space<semaphore_mem>>) src(%arg9 : memref<128x64xf32, #tpu.memory_space<vmem>>) dst(%dma_wait3A_203 : memref<10016x64xf32, #tpu.memory_space<vmem_shared>>)
      %add3A_204 = arith.constant 2 : i32
      %add3A_205 = arith.addi %add3A_196, %add3A_204 : i32
      %dma_start3A_206 = arith.constant 0 : i32
      %dma_start3A_207 = arith.constant 0 : i32
      %dma_start3A_208 = tpu.memref_slice %arg8[%add3A_205, %dma_start3A_206, %dma_start3A_207] : memref<80x2x128xi32, #tpu.memory_space<vmem>> -> memref<1x1x128xi32, #tpu.memory_space<vmem>>
      %dma_start3A_209 = tpu.memref_squeeze %dma_start3A_208 : memref<1x1x128xi32, #tpu.memory_space<vmem>> -> memref<128xi32, #tpu.memory_space<vmem>>
      %dma_start3A_210 = arith.constant 0 : i32
      %dma_start3A_211 = arith.constant 0 : i32
      %dma_start3A_212 = tpu.memref_slice %arg7[%dma_start3A_210, %dma_start3A_211] : memref<10000x64xf32, #tpu.memory_space<vmem_shared>> -> memref<10000x64xf32, #tpu.memory_space<vmem_shared>>
      tpu.enqueue_indirect_dma source(%dma_start3A_212 : memref<10000x64xf32, #tpu.memory_space<vmem_shared>>) target(%arg9 : memref<128x64xf32, #tpu.memory_space<vmem>>) offsets(%dma_start3A_209 : memref<128xi32, #tpu.memory_space<vmem>>) semaphore(%arg11 : memref<!tpu.dma_semaphore, #tpu.memory_space<semaphore_mem>>)
      %mul3A_213 = arith.constant 2 : i32
      %mul3A_214 = arith.muli %scan3A_156, %mul3A_213 : i32
      %add3A_215 = arith.constant 1 : i32
      %add3A_216 = arith.addi %mul3A_214, %add3A_215 : i32
      %dma_wait3A_217 = arith.constant 1 : i32
      %dma_wait3A_218 = arith.constant 0 : i32
      %dma_wait3A_219 = tpu.memref_slice %arg8[%add3A_216, %dma_wait3A_217, %dma_wait3A_218] : memref<80x2x128xi32, #tpu.memory_space<vmem>> -> memref<1x1x128xi32, #tpu.memory_space<vmem>>
      %dma_wait3A_220 = tpu.memref_squeeze %dma_wait3A_219 : memref<1x1x128xi32, #tpu.memory_space<vmem>> -> memref<128xi32, #tpu.memory_space<vmem>>
      %dma_wait3A_221 = arith.constant 0 : i32
      %dma_wait3A_222 = arith.constant 0 : i32
      %dma_wait3A_223 = tpu.memref_slice %arg6[%dma_wait3A_221, %dma_wait3A_222] : memref<10016x64xf32, #tpu.memory_space<vmem_shared>> -> memref<10016x64xf32, #tpu.memory_space<vmem_shared>>
      tpu.wait_indirect_dma semaphore(%arg14 : memref<!tpu.dma_semaphore, #tpu.memory_space<semaphore_mem>>) src(%arg10 : memref<128x64xf32, #tpu.memory_space<vmem>>) dst(%dma_wait3A_223 : memref<10016x64xf32, #tpu.memory_space<vmem_shared>>)
      %add3A_224 = arith.constant 2 : i32
      %add3A_225 = arith.addi %add3A_216, %add3A_224 : i32
      %dma_start3A_226 = arith.constant 0 : i32
      %dma_start3A_227 = arith.constant 0 : i32
      %dma_start3A_228 = tpu.memref_slice %arg8[%add3A_225, %dma_start3A_226, %dma_start3A_227] : memref<80x2x128xi32, #tpu.memory_space<vmem>> -> memref<1x1x128xi32, #tpu.memory_space<vmem>>
      %dma_start3A_229 = tpu.memref_squeeze %dma_start3A_228 : memref<1x1x128xi32, #tpu.memory_space<vmem>> -> memref<128xi32, #tpu.memory_space<vmem>>
      %dma_start3A_230 = arith.constant 0 : i32
      %dma_start3A_231 = arith.constant 0 : i32
      %dma_start3A_232 = tpu.memref_slice %arg7[%dma_start3A_230, %dma_start3A_231] : memref<10000x64xf32, #tpu.memory_space<vmem_shared>> -> memref<10000x64xf32, #tpu.memory_space<vmem_shared>>
      tpu.enqueue_indirect_dma source(%dma_start3A_232 : memref<10000x64xf32, #tpu.memory_space<vmem_shared>>) target(%arg10 : memref<128x64xf32, #tpu.memory_space<vmem>>) offsets(%dma_start3A_229 : memref<128xi32, #tpu.memory_space<vmem>>) semaphore(%arg12 : memref<!tpu.dma_semaphore, #tpu.memory_space<semaphore_mem>>)
    }
    %scan3A_26 = arith.constant 39 : i32
    %dma_wait3A = arith.constant 78 : i32
    %dma_wait3A_27 = arith.constant 0 : i32
    %dma_wait3A_28 = arith.constant 0 : i32
    %dma_wait3A_29 = tpu.memref_slice %arg8[%dma_wait3A, %dma_wait3A_27, %dma_wait3A_28] : memref<80x2x128xi32, #tpu.memory_space<vmem>> -> memref<1x1x128xi32, #tpu.memory_space<vmem>>
    %dma_wait3A_30 = tpu.memref_squeeze %dma_wait3A_29 : memref<1x1x128xi32, #tpu.memory_space<vmem>> -> memref<128xi32, #tpu.memory_space<vmem>>
    %dma_wait3A_31 = arith.constant 0 : i32
    %dma_wait3A_32 = arith.constant 0 : i32
    %dma_wait3A_33 = tpu.memref_slice %arg7[%dma_wait3A_31, %dma_wait3A_32] : memref<10000x64xf32, #tpu.memory_space<vmem_shared>> -> memref<10000x64xf32, #tpu.memory_space<vmem_shared>>
    tpu.wait_indirect_dma semaphore(%arg11 : memref<!tpu.dma_semaphore, #tpu.memory_space<semaphore_mem>>) src(%dma_wait3A_33 : memref<10000x64xf32, #tpu.memory_space<vmem_shared>>) dst(%arg9 : memref<128x64xf32, #tpu.memory_space<vmem>>)
    %dma_start3A_34 = arith.constant 78 : i32
    %dma_start3A_35 = arith.constant 1 : i32
    %dma_start3A_36 = arith.constant 0 : i32
    %dma_start3A_37 = tpu.memref_slice %arg8[%dma_start3A_34, %dma_start3A_35, %dma_start3A_36] : memref<80x2x128xi32, #tpu.memory_space<vmem>> -> memref<1x1x128xi32, #tpu.memory_space<vmem>>
    %dma_start3A_38 = tpu.memref_squeeze %dma_start3A_37 : memref<1x1x128xi32, #tpu.memory_space<vmem>> -> memref<128xi32, #tpu.memory_space<vmem>>
    %dma_start3A_39 = arith.constant 0 : i32
    %dma_start3A_40 = arith.constant 0 : i32
    %dma_start3A_41 = tpu.memref_slice %arg6[%dma_start3A_39, %dma_start3A_40] : memref<10016x64xf32, #tpu.memory_space<vmem_shared>> -> memref<10016x64xf32, #tpu.memory_space<vmem_shared>>
    tpu.enqueue_indirect_dma source(%arg9 : memref<128x64xf32, #tpu.memory_space<vmem>>) target(%dma_start3A_41 : memref<10016x64xf32, #tpu.memory_space<vmem_shared>>) offsets(%dma_start3A_38 : memref<128xi32, #tpu.memory_space<vmem>>) semaphore(%arg13 : memref<!tpu.dma_semaphore, #tpu.memory_space<semaphore_mem>>) {add = true}
    %dma_wait3A_42 = arith.constant 79 : i32
    %dma_wait3A_43 = arith.constant 0 : i32
    %dma_wait3A_44 = arith.constant 0 : i32
    %dma_wait3A_45 = tpu.memref_slice %arg8[%dma_wait3A_42, %dma_wait3A_43, %dma_wait3A_44] : memref<80x2x128xi32, #tpu.memory_space<vmem>> -> memref<1x1x128xi32, #tpu.memory_space<vmem>>
    %dma_wait3A_46 = tpu.memref_squeeze %dma_wait3A_45 : memref<1x1x128xi32, #tpu.memory_space<vmem>> -> memref<128xi32, #tpu.memory_space<vmem>>
    %dma_wait3A_47 = arith.constant 0 : i32
    %dma_wait3A_48 = arith.constant 0 : i32
    %dma_wait3A_49 = tpu.memref_slice %arg7[%dma_wait3A_47, %dma_wait3A_48] : memref<10000x64xf32, #tpu.memory_space<vmem_shared>> -> memref<10000x64xf32, #tpu.memory_space<vmem_shared>>
    tpu.wait_indirect_dma semaphore(%arg12 : memref<!tpu.dma_semaphore, #tpu.memory_space<semaphore_mem>>) src(%dma_wait3A_49 : memref<10000x64xf32, #tpu.memory_space<vmem_shared>>) dst(%arg10 : memref<128x64xf32, #tpu.memory_space<vmem>>)
    %dma_start3A_50 = arith.constant 79 : i32
    %dma_start3A_51 = arith.constant 1 : i32
    %dma_start3A_52 = arith.constant 0 : i32
    %dma_start3A_53 = tpu.memref_slice %arg8[%dma_start3A_50, %dma_start3A_51, %dma_start3A_52] : memref<80x2x128xi32, #tpu.memory_space<vmem>> -> memref<1x1x128xi32, #tpu.memory_space<vmem>>
    %dma_start3A_54 = tpu.memref_squeeze %dma_start3A_53 : memref<1x1x128xi32, #tpu.memory_space<vmem>> -> memref<128xi32, #tpu.memory_space<vmem>>
    %dma_start3A_55 = arith.constant 0 : i32
    %dma_start3A_56 = arith.constant 0 : i32
    %dma_start3A_57 = tpu.memref_slice %arg6[%dma_start3A_55, %dma_start3A_56] : memref<10016x64xf32, #tpu.memory_space<vmem_shared>> -> memref<10016x64xf32, #tpu.memory_space<vmem_shared>>
    tpu.enqueue_indirect_dma source(%arg10 : memref<128x64xf32, #tpu.memory_space<vmem>>) target(%dma_start3A_57 : memref<10016x64xf32, #tpu.memory_space<vmem_shared>>) offsets(%dma_start3A_54 : memref<128xi32, #tpu.memory_space<vmem>>) semaphore(%arg14 : memref<!tpu.dma_semaphore, #tpu.memory_space<semaphore_mem>>) {add = true}
    %dma_wait3A_58 = arith.constant 78 : i32
    %dma_wait3A_59 = arith.constant 1 : i32
    %dma_wait3A_60 = arith.constant 0 : i32
    %dma_wait3A_61 = tpu.memref_slice %arg8[%dma_wait3A_58, %dma_wait3A_59, %dma_wait3A_60] : memref<80x2x128xi32, #tpu.memory_space<vmem>> -> memref<1x1x128xi32, #tpu.memory_space<vmem>>
    %dma_wait3A_62 = tpu.memref_squeeze %dma_wait3A_61 : memref<1x1x128xi32, #tpu.memory_space<vmem>> -> memref<128xi32, #tpu.memory_space<vmem>>
    %dma_wait3A_63 = arith.constant 0 : i32
    %dma_wait3A_64 = arith.constant 0 : i32
    %dma_wait3A_65 = tpu.memref_slice %arg6[%dma_wait3A_63, %dma_wait3A_64] : memref<10016x64xf32, #tpu.memory_space<vmem_shared>> -> memref<10016x64xf32, #tpu.memory_space<vmem_shared>>
    tpu.wait_indirect_dma semaphore(%arg13 : memref<!tpu.dma_semaphore, #tpu.memory_space<semaphore_mem>>) src(%arg9 : memref<128x64xf32, #tpu.memory_space<vmem>>) dst(%dma_wait3A_65 : memref<10016x64xf32, #tpu.memory_space<vmem_shared>>)
    %dma_wait3A_66 = arith.constant 79 : i32
    %dma_wait3A_67 = arith.constant 1 : i32
    %dma_wait3A_68 = arith.constant 0 : i32
    %dma_wait3A_69 = tpu.memref_slice %arg8[%dma_wait3A_66, %dma_wait3A_67, %dma_wait3A_68] : memref<80x2x128xi32, #tpu.memory_space<vmem>> -> memref<1x1x128xi32, #tpu.memory_space<vmem>>
    %dma_wait3A_70 = tpu.memref_squeeze %dma_wait3A_69 : memref<1x1x128xi32, #tpu.memory_space<vmem>> -> memref<128xi32, #tpu.memory_space<vmem>>
    %dma_wait3A_71 = arith.constant 0 : i32
    %dma_wait3A_72 = arith.constant 0 : i32
    %dma_wait3A_73 = tpu.memref_slice %arg6[%dma_wait3A_71, %dma_wait3A_72] : memref<10016x64xf32, #tpu.memory_space<vmem_shared>> -> memref<10016x64xf32, #tpu.memory_space<vmem_shared>>
    tpu.wait_indirect_dma semaphore(%arg14 : memref<!tpu.dma_semaphore, #tpu.memory_space<semaphore_mem>>) src(%arg10 : memref<128x64xf32, #tpu.memory_space<vmem>>) dst(%dma_wait3A_73 : memref<10016x64xf32, #tpu.memory_space<vmem_shared>>)
    %add3A = arith.constant 80 : i32
    %add3A_74 = arith.addi %mul3A_0, %add3A : i32
    "tpu.region"() ({
      %run_scoped3A = tpu.sem_alloc : memref<!tpu.dma_semaphore, #tpu.memory_space<semaphore_mem>>
      %dma_start3A_156 = arith.constant 0 : i32
      %dma_start3A_157 = arith.constant 0 : i32
      %dma_start3A_158 = tpu.memref_slice %arg3[%add3A_74, %dma_start3A_156, %dma_start3A_157] : memref<2560x2x128xi32, #tpu.memory_space<hbm>> -> memref<80x2x128xi32, #tpu.memory_space<hbm>>
      %dma_start3A_159 = arith.constant 0 : i32
      %dma_start3A_160 = arith.constant 0 : i32
      %dma_start3A_161 = tpu.memref_slice %arg3[%add3A_74, %dma_start3A_159, %dma_start3A_160] : memref<2560x2x128xi32, #tpu.memory_space<hbm>> -> memref<80x2x128xi32, #tpu.memory_space<hbm>>
      tpu.enqueue_dma source(%dma_start3A_161 : memref<80x2x128xi32, #tpu.memory_space<hbm>>) target(%arg8 : memref<80x2x128xi32, #tpu.memory_space<vmem>>) target_semaphore(%run_scoped3A : memref<!tpu.dma_semaphore, #tpu.memory_space<semaphore_mem>>)
      %dma_wait3A_162 = arith.constant 0 : i32
      %dma_wait3A_163 = arith.constant 0 : i32
      %dma_wait3A_164 = tpu.memref_slice %arg3[%add3A_74, %dma_wait3A_162, %dma_wait3A_163] : memref<2560x2x128xi32, #tpu.memory_space<hbm>> -> memref<80x2x128xi32, #tpu.memory_space<hbm>>
      %dma_wait3A_165 = arith.constant 0 : i32
      %dma_wait3A_166 = arith.constant 0 : i32
      %dma_wait3A_167 = tpu.memref_slice %arg3[%add3A_74, %dma_wait3A_165, %dma_wait3A_166] : memref<2560x2x128xi32, #tpu.memory_space<hbm>> -> memref<80x2x128xi32, #tpu.memory_space<hbm>>
      tpu.wait_dma2 semaphore(%run_scoped3A : memref<!tpu.dma_semaphore, #tpu.memory_space<semaphore_mem>>) src(%dma_wait3A_167 : memref<80x2x128xi32, #tpu.memory_space<hbm>>) dst(%arg8 : memref<80x2x128xi32, #tpu.memory_space<vmem>>)
      tpu.yield
    }) : () -> ()
    %dma_start3A_75 = arith.constant 0 : i32
    %dma_start3A_76 = arith.constant 0 : i32
    %dma_start3A_77 = arith.constant 0 : i32
    %dma_start3A_78 = tpu.memref_slice %arg8[%dma_start3A_75, %dma_start3A_76, %dma_start3A_77] : memref<80x2x128xi32, #tpu.memory_space<vmem>> -> memref<1x1x128xi32, #tpu.memory_space<vmem>>
    %dma_start3A_79 = tpu.memref_squeeze %dma_start3A_78 : memref<1x1x128xi32, #tpu.memory_space<vmem>> -> memref<128xi32, #tpu.memory_space<vmem>>
    %dma_start3A_80 = arith.constant 0 : i32
    %dma_start3A_81 = arith.constant 0 : i32
    %dma_start3A_82 = tpu.memref_slice %arg7[%dma_start3A_80, %dma_start3A_81] : memref<10000x64xf32, #tpu.memory_space<vmem_shared>> -> memref<10000x64xf32, #tpu.memory_space<vmem_shared>>
    tpu.enqueue_indirect_dma source(%dma_start3A_82 : memref<10000x64xf32, #tpu.memory_space<vmem_shared>>) target(%arg9 : memref<128x64xf32, #tpu.memory_space<vmem>>) offsets(%dma_start3A_79 : memref<128xi32, #tpu.memory_space<vmem>>) semaphore(%arg11 : memref<!tpu.dma_semaphore, #tpu.memory_space<semaphore_mem>>)
    %dma_start3A_83 = arith.constant 1 : i32
    %dma_start3A_84 = arith.constant 0 : i32
    %dma_start3A_85 = arith.constant 0 : i32
    %dma_start3A_86 = tpu.memref_slice %arg8[%dma_start3A_83, %dma_start3A_84, %dma_start3A_85] : memref<80x2x128xi32, #tpu.memory_space<vmem>> -> memref<1x1x128xi32, #tpu.memory_space<vmem>>
    %dma_start3A_87 = tpu.memref_squeeze %dma_start3A_86 : memref<1x1x128xi32, #tpu.memory_space<vmem>> -> memref<128xi32, #tpu.memory_space<vmem>>
    %dma_start3A_88 = arith.constant 0 : i32
    %dma_start3A_89 = arith.constant 0 : i32
    %dma_start3A_90 = tpu.memref_slice %arg7[%dma_start3A_88, %dma_start3A_89] : memref<10000x64xf32, #tpu.memory_space<vmem_shared>> -> memref<10000x64xf32, #tpu.memory_space<vmem_shared>>
    tpu.enqueue_indirect_dma source(%dma_start3A_90 : memref<10000x64xf32, #tpu.memory_space<vmem_shared>>) target(%arg10 : memref<128x64xf32, #tpu.memory_space<vmem>>) offsets(%dma_start3A_87 : memref<128xi32, #tpu.memory_space<vmem>>) semaphore(%arg12 : memref<!tpu.dma_semaphore, #tpu.memory_space<semaphore_mem>>)
    %scan3A_91 = arith.constant 0 : i32
    %scan3A_92 = arith.constant 0 : i32
    %scan3A_93 = arith.constant 39 : i32
    %scan3A_94 = arith.addi %scan3A_92, %scan3A_93 : i32
    %scan3A_95 = arith.constant 1 : i32
    scf.for %scan3A_156 = %scan3A_92 to %scan3A_94 step %scan3A_95  : i32 {
      %mul3A_157 = arith.constant 2 : i32
      %mul3A_158 = arith.muli %scan3A_156, %mul3A_157 : i32
      %add3A_159 = arith.constant 0 : i32
      %add3A_160 = arith.addi %mul3A_158, %add3A_159 : i32
      %dma_wait3A_161 = arith.constant 0 : i32
      %dma_wait3A_162 = arith.constant 0 : i32
      %dma_wait3A_163 = tpu.memref_slice %arg8[%add3A_160, %dma_wait3A_161, %dma_wait3A_162] : memref<80x2x128xi32, #tpu.memory_space<vmem>> -> memref<1x1x128xi32, #tpu.memory_space<vmem>>
      %dma_wait3A_164 = tpu.memref_squeeze %dma_wait3A_163 : memref<1x1x128xi32, #tpu.memory_space<vmem>> -> memref<128xi32, #tpu.memory_space<vmem>>
      %dma_wait3A_165 = arith.constant 0 : i32
      %dma_wait3A_166 = arith.constant 0 : i32
      %dma_wait3A_167 = tpu.memref_slice %arg7[%dma_wait3A_165, %dma_wait3A_166] : memref<10000x64xf32, #tpu.memory_space<vmem_shared>> -> memref<10000x64xf32, #tpu.memory_space<vmem_shared>>
      tpu.wait_indirect_dma semaphore(%arg11 : memref<!tpu.dma_semaphore, #tpu.memory_space<semaphore_mem>>) src(%dma_wait3A_167 : memref<10000x64xf32, #tpu.memory_space<vmem_shared>>) dst(%arg9 : memref<128x64xf32, #tpu.memory_space<vmem>>)
      %dma_start3A_168 = arith.constant 1 : i32
      %dma_start3A_169 = arith.constant 0 : i32
      %dma_start3A_170 = tpu.memref_slice %arg8[%add3A_160, %dma_start3A_168, %dma_start3A_169] : memref<80x2x128xi32, #tpu.memory_space<vmem>> -> memref<1x1x128xi32, #tpu.memory_space<vmem>>
      %dma_start3A_171 = tpu.memref_squeeze %dma_start3A_170 : memref<1x1x128xi32, #tpu.memory_space<vmem>> -> memref<128xi32, #tpu.memory_space<vmem>>
      %dma_start3A_172 = arith.constant 0 : i32
      %dma_start3A_173 = arith.constant 0 : i32
      %dma_start3A_174 = tpu.memref_slice %arg6[%dma_start3A_172, %dma_start3A_173] : memref<10016x64xf32, #tpu.memory_space<vmem_shared>> -> memref<10016x64xf32, #tpu.memory_space<vmem_shared>>
      tpu.enqueue_indirect_dma source(%arg9 : memref<128x64xf32, #tpu.memory_space<vmem>>) target(%dma_start3A_174 : memref<10016x64xf32, #tpu.memory_space<vmem_shared>>) offsets(%dma_start3A_171 : memref<128xi32, #tpu.memory_space<vmem>>) semaphore(%arg13 : memref<!tpu.dma_semaphore, #tpu.memory_space<semaphore_mem>>) {add = true}
      %mul3A_175 = arith.constant 2 : i32
      %mul3A_176 = arith.muli %scan3A_156, %mul3A_175 : i32
      %add3A_177 = arith.constant 1 : i32
      %add3A_178 = arith.addi %mul3A_176, %add3A_177 : i32
      %dma_wait3A_179 = arith.constant 0 : i32
      %dma_wait3A_180 = arith.constant 0 : i32
      %dma_wait3A_181 = tpu.memref_slice %arg8[%add3A_178, %dma_wait3A_179, %dma_wait3A_180] : memref<80x2x128xi32, #tpu.memory_space<vmem>> -> memref<1x1x128xi32, #tpu.memory_space<vmem>>
      %dma_wait3A_182 = tpu.memref_squeeze %dma_wait3A_181 : memref<1x1x128xi32, #tpu.memory_space<vmem>> -> memref<128xi32, #tpu.memory_space<vmem>>
      %dma_wait3A_183 = arith.constant 0 : i32
      %dma_wait3A_184 = arith.constant 0 : i32
      %dma_wait3A_185 = tpu.memref_slice %arg7[%dma_wait3A_183, %dma_wait3A_184] : memref<10000x64xf32, #tpu.memory_space<vmem_shared>> -> memref<10000x64xf32, #tpu.memory_space<vmem_shared>>
      tpu.wait_indirect_dma semaphore(%arg12 : memref<!tpu.dma_semaphore, #tpu.memory_space<semaphore_mem>>) src(%dma_wait3A_185 : memref<10000x64xf32, #tpu.memory_space<vmem_shared>>) dst(%arg10 : memref<128x64xf32, #tpu.memory_space<vmem>>)
      %dma_start3A_186 = arith.constant 1 : i32
      %dma_start3A_187 = arith.constant 0 : i32
      %dma_start3A_188 = tpu.memref_slice %arg8[%add3A_178, %dma_start3A_186, %dma_start3A_187] : memref<80x2x128xi32, #tpu.memory_space<vmem>> -> memref<1x1x128xi32, #tpu.memory_space<vmem>>
      %dma_start3A_189 = tpu.memref_squeeze %dma_start3A_188 : memref<1x1x128xi32, #tpu.memory_space<vmem>> -> memref<128xi32, #tpu.memory_space<vmem>>
      %dma_start3A_190 = arith.constant 0 : i32
      %dma_start3A_191 = arith.constant 0 : i32
      %dma_start3A_192 = tpu.memref_slice %arg6[%dma_start3A_190, %dma_start3A_191] : memref<10016x64xf32, #tpu.memory_space<vmem_shared>> -> memref<10016x64xf32, #tpu.memory_space<vmem_shared>>
      tpu.enqueue_indirect_dma source(%arg10 : memref<128x64xf32, #tpu.memory_space<vmem>>) target(%dma_start3A_192 : memref<10016x64xf32, #tpu.memory_space<vmem_shared>>) offsets(%dma_start3A_189 : memref<128xi32, #tpu.memory_space<vmem>>) semaphore(%arg14 : memref<!tpu.dma_semaphore, #tpu.memory_space<semaphore_mem>>) {add = true}
      %mul3A_193 = arith.constant 2 : i32
      %mul3A_194 = arith.muli %scan3A_156, %mul3A_193 : i32
      %add3A_195 = arith.constant 0 : i32
      %add3A_196 = arith.addi %mul3A_194, %add3A_195 : i32
      %dma_wait3A_197 = arith.constant 1 : i32
      %dma_wait3A_198 = arith.constant 0 : i32
      %dma_wait3A_199 = tpu.memref_slice %arg8[%add3A_196, %dma_wait3A_197, %dma_wait3A_198] : memref<80x2x128xi32, #tpu.memory_space<vmem>> -> memref<1x1x128xi32, #tpu.memory_space<vmem>>
      %dma_wait3A_200 = tpu.memref_squeeze %dma_wait3A_199 : memref<1x1x128xi32, #tpu.memory_space<vmem>> -> memref<128xi32, #tpu.memory_space<vmem>>
      %dma_wait3A_201 = arith.constant 0 : i32
      %dma_wait3A_202 = arith.constant 0 : i32
      %dma_wait3A_203 = tpu.memref_slice %arg6[%dma_wait3A_201, %dma_wait3A_202] : memref<10016x64xf32, #tpu.memory_space<vmem_shared>> -> memref<10016x64xf32, #tpu.memory_space<vmem_shared>>
      tpu.wait_indirect_dma semaphore(%arg13 : memref<!tpu.dma_semaphore, #tpu.memory_space<semaphore_mem>>) src(%arg9 : memref<128x64xf32, #tpu.memory_space<vmem>>) dst(%dma_wait3A_203 : memref<10016x64xf32, #tpu.memory_space<vmem_shared>>)
      %add3A_204 = arith.constant 2 : i32
      %add3A_205 = arith.addi %add3A_196, %add3A_204 : i32
      %dma_start3A_206 = arith.constant 0 : i32
      %dma_start3A_207 = arith.constant 0 : i32
      %dma_start3A_208 = tpu.memref_slice %arg8[%add3A_205, %dma_start3A_206, %dma_start3A_207] : memref<80x2x128xi32, #tpu.memory_space<vmem>> -> memref<1x1x128xi32, #tpu.memory_space<vmem>>
      %dma_start3A_209 = tpu.memref_squeeze %dma_start3A_208 : memref<1x1x128xi32, #tpu.memory_space<vmem>> -> memref<128xi32, #tpu.memory_space<vmem>>
      %dma_start3A_210 = arith.constant 0 : i32
      %dma_start3A_211 = arith.constant 0 : i32
      %dma_start3A_212 = tpu.memref_slice %arg7[%dma_start3A_210, %dma_start3A_211] : memref<10000x64xf32, #tpu.memory_space<vmem_shared>> -> memref<10000x64xf32, #tpu.memory_space<vmem_shared>>
      tpu.enqueue_indirect_dma source(%dma_start3A_212 : memref<10000x64xf32, #tpu.memory_space<vmem_shared>>) target(%arg9 : memref<128x64xf32, #tpu.memory_space<vmem>>) offsets(%dma_start3A_209 : memref<128xi32, #tpu.memory_space<vmem>>) semaphore(%arg11 : memref<!tpu.dma_semaphore, #tpu.memory_space<semaphore_mem>>)
      %mul3A_213 = arith.constant 2 : i32
      %mul3A_214 = arith.muli %scan3A_156, %mul3A_213 : i32
      %add3A_215 = arith.constant 1 : i32
      %add3A_216 = arith.addi %mul3A_214, %add3A_215 : i32
      %dma_wait3A_217 = arith.constant 1 : i32
      %dma_wait3A_218 = arith.constant 0 : i32
      %dma_wait3A_219 = tpu.memref_slice %arg8[%add3A_216, %dma_wait3A_217, %dma_wait3A_218] : memref<80x2x128xi32, #tpu.memory_space<vmem>> -> memref<1x1x128xi32, #tpu.memory_space<vmem>>
      %dma_wait3A_220 = tpu.memref_squeeze %dma_wait3A_219 : memref<1x1x128xi32, #tpu.memory_space<vmem>> -> memref<128xi32, #tpu.memory_space<vmem>>
      %dma_wait3A_221 = arith.constant 0 : i32
      %dma_wait3A_222 = arith.constant 0 : i32
      %dma_wait3A_223 = tpu.memref_slice %arg6[%dma_wait3A_221, %dma_wait3A_222] : memref<10016x64xf32, #tpu.memory_space<vmem_shared>> -> memref<10016x64xf32, #tpu.memory_space<vmem_shared>>
      tpu.wait_indirect_dma semaphore(%arg14 : memref<!tpu.dma_semaphore, #tpu.memory_space<semaphore_mem>>) src(%arg10 : memref<128x64xf32, #tpu.memory_space<vmem>>) dst(%dma_wait3A_223 : memref<10016x64xf32, #tpu.memory_space<vmem_shared>>)
      %add3A_224 = arith.constant 2 : i32
      %add3A_225 = arith.addi %add3A_216, %add3A_224 : i32
      %dma_start3A_226 = arith.constant 0 : i32
      %dma_start3A_227 = arith.constant 0 : i32
      %dma_start3A_228 = tpu.memref_slice %arg8[%add3A_225, %dma_start3A_226, %dma_start3A_227] : memref<80x2x128xi32, #tpu.memory_space<vmem>> -> memref<1x1x128xi32, #tpu.memory_space<vmem>>
      %dma_start3A_229 = tpu.memref_squeeze %dma_start3A_228 : memref<1x1x128xi32, #tpu.memory_space<vmem>> -> memref<128xi32, #tpu.memory_space<vmem>>
      %dma_start3A_230 = arith.constant 0 : i32
      %dma_start3A_231 = arith.constant 0 : i32
      %dma_start3A_232 = tpu.memref_slice %arg7[%dma_start3A_230, %dma_start3A_231] : memref<10000x64xf32, #tpu.memory_space<vmem_shared>> -> memref<10000x64xf32, #tpu.memory_space<vmem_shared>>
      tpu.enqueue_indirect_dma source(%dma_start3A_232 : memref<10000x64xf32, #tpu.memory_space<vmem_shared>>) target(%arg10 : memref<128x64xf32, #tpu.memory_space<vmem>>) offsets(%dma_start3A_229 : memref<128xi32, #tpu.memory_space<vmem>>) semaphore(%arg12 : memref<!tpu.dma_semaphore, #tpu.memory_space<semaphore_mem>>)
    }
    %scan3A_96 = arith.constant 39 : i32
    %dma_wait3A_97 = arith.constant 78 : i32
    %dma_wait3A_98 = arith.constant 0 : i32
    %dma_wait3A_99 = arith.constant 0 : i32
    %dma_wait3A_100 = tpu.memref_slice %arg8[%dma_wait3A_97, %dma_wait3A_98, %dma_wait3A_99] : memref<80x2x128xi32, #tpu.memory_space<vmem>> -> memref<1x1x128xi32, #tpu.memory_space<vmem>>
    %dma_wait3A_101 = tpu.memref_squeeze %dma_wait3A_100 : memref<1x1x128xi32, #tpu.memory_space<vmem>> -> memref<128xi32, #tpu.memory_space<vmem>>
    %dma_wait3A_102 = arith.constant 0 : i32
    %dma_wait3A_103 = arith.constant 0 : i32
    %dma_wait3A_104 = tpu.memref_slice %arg7[%dma_wait3A_102, %dma_wait3A_103] : memref<10000x64xf32, #tpu.memory_space<vmem_shared>> -> memref<10000x64xf32, #tpu.memory_space<vmem_shared>>
    tpu.wait_indirect_dma semaphore(%arg11 : memref<!tpu.dma_semaphore, #tpu.memory_space<semaphore_mem>>) src(%dma_wait3A_104 : memref<10000x64xf32, #tpu.memory_space<vmem_shared>>) dst(%arg9 : memref<128x64xf32, #tpu.memory_space<vmem>>)
    %dma_start3A_105 = arith.constant 78 : i32
    %dma_start3A_106 = arith.constant 1 : i32
    %dma_start3A_107 = arith.constant 0 : i32
    %dma_start3A_108 = tpu.memref_slice %arg8[%dma_start3A_105, %dma_start3A_106, %dma_start3A_107] : memref<80x2x128xi32, #tpu.memory_space<vmem>> -> memref<1x1x128xi32, #tpu.memory_space<vmem>>
    %dma_start3A_109 = tpu.memref_squeeze %dma_start3A_108 : memref<1x1x128xi32, #tpu.memory_space<vmem>> -> memref<128xi32, #tpu.memory_space<vmem>>
    %dma_start3A_110 = arith.constant 0 : i32
    %dma_start3A_111 = arith.constant 0 : i32
    %dma_start3A_112 = tpu.memref_slice %arg6[%dma_start3A_110, %dma_start3A_111] : memref<10016x64xf32, #tpu.memory_space<vmem_shared>> -> memref<10016x64xf32, #tpu.memory_space<vmem_shared>>
    tpu.enqueue_indirect_dma source(%arg9 : memref<128x64xf32, #tpu.memory_space<vmem>>) target(%dma_start3A_112 : memref<10016x64xf32, #tpu.memory_space<vmem_shared>>) offsets(%dma_start3A_109 : memref<128xi32, #tpu.memory_space<vmem>>) semaphore(%arg13 : memref<!tpu.dma_semaphore, #tpu.memory_space<semaphore_mem>>) {add = true}
    %dma_wait3A_113 = arith.constant 79 : i32
    %dma_wait3A_114 = arith.constant 0 : i32
    %dma_wait3A_115 = arith.constant 0 : i32
    %dma_wait3A_116 = tpu.memref_slice %arg8[%dma_wait3A_113, %dma_wait3A_114, %dma_wait3A_115] : memref<80x2x128xi32, #tpu.memory_space<vmem>> -> memref<1x1x128xi32, #tpu.memory_space<vmem>>
    %dma_wait3A_117 = tpu.memref_squeeze %dma_wait3A_116 : memref<1x1x128xi32, #tpu.memory_space<vmem>> -> memref<128xi32, #tpu.memory_space<vmem>>
    %dma_wait3A_118 = arith.constant 0 : i32
    %dma_wait3A_119 = arith.constant 0 : i32
    %dma_wait3A_120 = tpu.memref_slice %arg7[%dma_wait3A_118, %dma_wait3A_119] : memref<10000x64xf32, #tpu.memory_space<vmem_shared>> -> memref<10000x64xf32, #tpu.memory_space<vmem_shared>>
    tpu.wait_indirect_dma semaphore(%arg12 : memref<!tpu.dma_semaphore, #tpu.memory_space<semaphore_mem>>) src(%dma_wait3A_120 : memref<10000x64xf32, #tpu.memory_space<vmem_shared>>) dst(%arg10 : memref<128x64xf32, #tpu.memory_space<vmem>>)
    %dma_start3A_121 = arith.constant 79 : i32
    %dma_start3A_122 = arith.constant 1 : i32
    %dma_start3A_123 = arith.constant 0 : i32
    %dma_start3A_124 = tpu.memref_slice %arg8[%dma_start3A_121, %dma_start3A_122, %dma_start3A_123] : memref<80x2x128xi32, #tpu.memory_space<vmem>> -> memref<1x1x128xi32, #tpu.memory_space<vmem>>
    %dma_start3A_125 = tpu.memref_squeeze %dma_start3A_124 : memref<1x1x128xi32, #tpu.memory_space<vmem>> -> memref<128xi32, #tpu.memory_space<vmem>>
    %dma_start3A_126 = arith.constant 0 : i32
    %dma_start3A_127 = arith.constant 0 : i32
    %dma_start3A_128 = tpu.memref_slice %arg6[%dma_start3A_126, %dma_start3A_127] : memref<10016x64xf32, #tpu.memory_space<vmem_shared>> -> memref<10016x64xf32, #tpu.memory_space<vmem_shared>>
    tpu.enqueue_indirect_dma source(%arg10 : memref<128x64xf32, #tpu.memory_space<vmem>>) target(%dma_start3A_128 : memref<10016x64xf32, #tpu.memory_space<vmem_shared>>) offsets(%dma_start3A_125 : memref<128xi32, #tpu.memory_space<vmem>>) semaphore(%arg14 : memref<!tpu.dma_semaphore, #tpu.memory_space<semaphore_mem>>) {add = true}
    %dma_wait3A_129 = arith.constant 78 : i32
    %dma_wait3A_130 = arith.constant 1 : i32
    %dma_wait3A_131 = arith.constant 0 : i32
    %dma_wait3A_132 = tpu.memref_slice %arg8[%dma_wait3A_129, %dma_wait3A_130, %dma_wait3A_131] : memref<80x2x128xi32, #tpu.memory_space<vmem>> -> memref<1x1x128xi32, #tpu.memory_space<vmem>>
    %dma_wait3A_133 = tpu.memref_squeeze %dma_wait3A_132 : memref<1x1x128xi32, #tpu.memory_space<vmem>> -> memref<128xi32, #tpu.memory_space<vmem>>
    %dma_wait3A_134 = arith.constant 0 : i32
    %dma_wait3A_135 = arith.constant 0 : i32
    %dma_wait3A_136 = tpu.memref_slice %arg6[%dma_wait3A_134, %dma_wait3A_135] : memref<10016x64xf32, #tpu.memory_space<vmem_shared>> -> memref<10016x64xf32, #tpu.memory_space<vmem_shared>>
    tpu.wait_indirect_dma semaphore(%arg13 : memref<!tpu.dma_semaphore, #tpu.memory_space<semaphore_mem>>) src(%arg9 : memref<128x64xf32, #tpu.memory_space<vmem>>) dst(%dma_wait3A_136 : memref<10016x64xf32, #tpu.memory_space<vmem_shared>>)
    %dma_wait3A_137 = arith.constant 79 : i32
    %dma_wait3A_138 = arith.constant 1 : i32
    %dma_wait3A_139 = arith.constant 0 : i32
    %dma_wait3A_140 = tpu.memref_slice %arg8[%dma_wait3A_137, %dma_wait3A_138, %dma_wait3A_139] : memref<80x2x128xi32, #tpu.memory_space<vmem>> -> memref<1x1x128xi32, #tpu.memory_space<vmem>>
    %dma_wait3A_141 = tpu.memref_squeeze %dma_wait3A_140 : memref<1x1x128xi32, #tpu.memory_space<vmem>> -> memref<128xi32, #tpu.memory_space<vmem>>
    %dma_wait3A_142 = arith.constant 0 : i32
    %dma_wait3A_143 = arith.constant 0 : i32
    %dma_wait3A_144 = tpu.memref_slice %arg6[%dma_wait3A_142, %dma_wait3A_143] : memref<10016x64xf32, #tpu.memory_space<vmem_shared>> -> memref<10016x64xf32, #tpu.memory_space<vmem_shared>>
    tpu.wait_indirect_dma semaphore(%arg14 : memref<!tpu.dma_semaphore, #tpu.memory_space<semaphore_mem>>) src(%arg10 : memref<128x64xf32, #tpu.memory_space<vmem>>) dst(%dma_wait3A_144 : memref<10016x64xf32, #tpu.memory_space<vmem_shared>>)
    %barrier3A_145 = arith.constant 0 : index
    tpu.barrier barrier_id(%barrier3A_145)
    %lt3A_146 = arith.constant 15 : i32
    %lt3A_147 = arith.cmpi slt, %arg1, %lt3A_146 : i32
    %convert_element_type3A_148 = arith.extui %lt3A_147 : i1 to i32
    %cond3A_149 = arith.constant 0 : i32
    %cond3A_150 = arith.cmpi ne, %convert_element_type3A_148, %cond3A_149 : i32
    scf.if %cond3A_150 {
      %mul3A_156 = arith.constant 632 : i32
      %mul3A_157 = arith.muli %arg1, %mul3A_156 : i32
      %mul3A_158 = arith.constant 10016 : i32
      %mul3A_159 = arith.muli %arg0, %mul3A_158 : i32
      %mul3A_160 = arith.constant 632 : i32
      %mul3A_161 = arith.muli %arg1, %mul3A_160 : i32
      %add3A_162 = arith.addi %mul3A_159, %mul3A_161 : i32
      "tpu.region"() ({
        %run_scoped3A = tpu.sem_alloc : memref<!tpu.dma_semaphore, #tpu.memory_space<semaphore_mem>>
        %dma_start3A_163 = arith.constant 0 : i32
        %dma_start3A_164 = tpu.memref_slice %arg5[%add3A_162, %dma_start3A_163] : memref<20032x64xf32, #tpu.memory_space<hbm>> -> memref<632x64xf32, #tpu.memory_space<hbm>>
        %dma_start3A_165 = arith.constant 0 : i32
        %dma_start3A_166 = tpu.memref_slice %arg6[%mul3A_157, %dma_start3A_165] : memref<10016x64xf32, #tpu.memory_space<vmem_shared>> -> memref<632x64xf32, #tpu.memory_space<vmem_shared>>
        tpu.enqueue_dma source(%dma_start3A_166 : memref<632x64xf32, #tpu.memory_space<vmem_shared>>) target(%dma_start3A_164 : memref<632x64xf32, #tpu.memory_space<hbm>>) target_semaphore(%run_scoped3A : memref<!tpu.dma_semaphore, #tpu.memory_space<semaphore_mem>>)
        %dma_wait3A_167 = arith.constant 0 : i32
        %dma_wait3A_168 = tpu.memref_slice %arg5[%add3A_162, %dma_wait3A_167] : memref<20032x64xf32, #tpu.memory_space<hbm>> -> memref<632x64xf32, #tpu.memory_space<hbm>>
        %dma_wait3A_169 = arith.constant 0 : i32
        %dma_wait3A_170 = tpu.memref_slice %arg6[%mul3A_157, %dma_wait3A_169] : memref<10016x64xf32, #tpu.memory_space<vmem_shared>> -> memref<632x64xf32, #tpu.memory_space<vmem_shared>>
        tpu.wait_dma2 semaphore(%run_scoped3A : memref<!tpu.dma_semaphore, #tpu.memory_space<semaphore_mem>>) src(%dma_wait3A_170 : memref<632x64xf32, #tpu.memory_space<vmem_shared>>) dst(%dma_wait3A_168 : memref<632x64xf32, #tpu.memory_space<hbm>>)
        tpu.yield
      }) : () -> ()
    } else {
    }
    %eq3A_151 = arith.constant 15 : i32
    %eq3A_152 = arith.cmpi eq, %arg1, %eq3A_151 : i32
    %convert_element_type3A_153 = arith.extui %eq3A_152 : i1 to i32
    %cond3A_154 = arith.constant 0 : i32
    %cond3A_155 = arith.cmpi ne, %convert_element_type3A_153, %cond3A_154 : i32
    scf.if %cond3A_155 {
      %mul3A_156 = arith.constant 10016 : i32
      %mul3A_157 = arith.muli %arg0, %mul3A_156 : i32
      %add3A_158 = arith.constant 9480 : i32
      %add3A_159 = arith.addi %mul3A_157, %add3A_158 : i32
      "tpu.region"() ({
        %run_scoped3A = tpu.sem_alloc : memref<!tpu.dma_semaphore, #tpu.memory_space<semaphore_mem>>
        %dma_start3A_160 = arith.constant 0 : i32
        %dma_start3A_161 = tpu.memref_slice %arg5[%add3A_159, %dma_start3A_160] : memref<20032x64xf32, #tpu.memory_space<hbm>> -> memref<536x64xf32, #tpu.memory_space<hbm>>
        %dma_start3A_162 = arith.constant 9480 : i32
        %dma_start3A_163 = arith.constant 0 : i32
        %dma_start3A_164 = tpu.memref_slice %arg6[%dma_start3A_162, %dma_start3A_163] : memref<10016x64xf32, #tpu.memory_space<vmem_shared>> -> memref<536x64xf32, #tpu.memory_space<vmem_shared>>
        tpu.enqueue_dma source(%dma_start3A_164 : memref<536x64xf32, #tpu.memory_space<vmem_shared>>) target(%dma_start3A_161 : memref<536x64xf32, #tpu.memory_space<hbm>>) target_semaphore(%run_scoped3A : memref<!tpu.dma_semaphore, #tpu.memory_space<semaphore_mem>>)
        %dma_wait3A_165 = arith.constant 0 : i32
        %dma_wait3A_166 = tpu.memref_slice %arg5[%add3A_159, %dma_wait3A_165] : memref<20032x64xf32, #tpu.memory_space<hbm>> -> memref<536x64xf32, #tpu.memory_space<hbm>>
        %dma_wait3A_167 = arith.constant 9480 : i32
        %dma_wait3A_168 = arith.constant 0 : i32
        %dma_wait3A_169 = tpu.memref_slice %arg6[%dma_wait3A_167, %dma_wait3A_168] : memref<10016x64xf32, #tpu.memory_space<vmem_shared>> -> memref<536x64xf32, #tpu.memory_space<vmem_shared>>
        tpu.wait_dma2 semaphore(%run_scoped3A : memref<!tpu.dma_semaphore, #tpu.memory_space<semaphore_mem>>) src(%dma_wait3A_169 : memref<536x64xf32, #tpu.memory_space<vmem_shared>>) dst(%dma_wait3A_166 : memref<536x64xf32, #tpu.memory_space<hbm>>)
        tpu.yield
      }) : () -> ()
    } else {
    }
    return
  }
}

module attributes {stable_mosaic.version = 14 : i64} {
  func.func @_gin_dense_body(%arg0: i32, %arg1: memref<1xf32, #tpu.memory_space<smem>>, %arg2: memref<1xf32, #tpu.memory_space<smem>>, %arg3: memref<2x1000x64xf32, #tpu.memory_space<vmem>>, %arg4: memref<2x1000x64xf32, #tpu.memory_space<vmem>>, %arg5: memref<128x128xf32, #tpu.memory_space<vmem>>, %arg6: memref<1x128xf32, #tpu.memory_space<vmem>>, %arg7: memref<128x1xf32, #tpu.memory_space<vmem>>, %arg8: memref<2x1000x64xf32, #tpu.memory_space<vmem>>, %arg9: memref<1000x1xf32, #tpu.memory_space<vmem>>) attributes {dimension_semantics = [#tpu.dimension_semantics<arbitrary>], iteration_bounds = array<i64: 10>, scalar_prefetch = 0 : i64, scratch_operands = 0 : i64, tpu.core_type = #tpu.core_type<tc>, window_params = [{transform_indices = @transform_0, window_bounds = array<i64: 1>}, {transform_indices = @transform_1, window_bounds = array<i64: 1>}, {transform_indices = @transform_2, window_bounds = array<i64: 2, 1000, 64>}, {transform_indices = @transform_3, window_bounds = array<i64: 2, 1000, 64>}, {pipeline_mode = #tpu.pipeline_mode<synchronous>, transform_indices = @transform_4, window_bounds = array<i64: 128, 128>}, {pipeline_mode = #tpu.pipeline_mode<synchronous>, transform_indices = @transform_5, window_bounds = array<i64: 1, 128>}, {pipeline_mode = #tpu.pipeline_mode<synchronous>, transform_indices = @transform_6, window_bounds = array<i64: 128, 1>}, {transform_indices = @transform_7, window_bounds = array<i64: 2, 1000, 64>}, {transform_indices = @transform_8, window_bounds = array<i64: 1000, 1>}]} {
    %get3A = arith.constant 0 : index
    %get3A_0 = arith.constant 0 : index
    %get3A_1 = arith.constant 0 : index
    %get3A_2 = vector.load %arg3[%get3A, %get3A_0, %get3A_1] : memref<2x1000x64xf32, #tpu.memory_space<vmem>>, vector<1x1000x64xf32>
    %get3A_3 = vector.shape_cast %get3A_2 : vector<1x1000x64xf32> to vector<1000x64xf32>
    %get3A_4 = arith.constant 1 : index
    %get3A_5 = arith.constant 0 : index
    %get3A_6 = arith.constant 0 : index
    %get3A_7 = vector.load %arg3[%get3A_4, %get3A_5, %get3A_6] : memref<2x1000x64xf32, #tpu.memory_space<vmem>>, vector<1x1000x64xf32>
    %get3A_8 = vector.shape_cast %get3A_7 : vector<1x1000x64xf32> to vector<1000x64xf32>
    %concatenate3A = tpu.concatenate %get3A_3, %get3A_8 in 1 : vector<1000x64xf32>, vector<1000x64xf32> -> vector<1000x128xf32>
    %get3A_9 = arith.constant 0 : index
    %get3A_10 = memref.load %arg1[%get3A_9] : memref<1xf32, #tpu.memory_space<smem>>
    %mul3A = vector.broadcast %get3A_10 : f32 to vector<1000x128xf32>
    %mul3A_11 = arith.mulf %concatenate3A, %mul3A : vector<1000x128xf32>
    %get3A_12 = arith.constant 0 : index
    %get3A_13 = arith.constant 0 : index
    %get3A_14 = arith.constant 0 : index
    %get3A_15 = vector.load %arg4[%get3A_12, %get3A_13, %get3A_14] : memref<2x1000x64xf32, #tpu.memory_space<vmem>>, vector<1x1000x64xf32>
    %get3A_16 = vector.shape_cast %get3A_15 : vector<1x1000x64xf32> to vector<1000x64xf32>
    %get3A_17 = arith.constant 1 : index
    %get3A_18 = arith.constant 0 : index
    %get3A_19 = arith.constant 0 : index
    %get3A_20 = vector.load %arg4[%get3A_17, %get3A_18, %get3A_19] : memref<2x1000x64xf32, #tpu.memory_space<vmem>>, vector<1x1000x64xf32>
    %get3A_21 = vector.shape_cast %get3A_20 : vector<1x1000x64xf32> to vector<1000x64xf32>
    %concatenate3A_22 = tpu.concatenate %get3A_16, %get3A_21 in 1 : vector<1000x64xf32>, vector<1000x64xf32> -> vector<1000x128xf32>
    %add3A = arith.addf %mul3A_11, %concatenate3A_22 : vector<1000x128xf32>
    %get3A_23 = arith.constant 0 : index
    %get3A_24 = arith.constant 0 : index
    %get3A_25 = vector.load %arg5[%get3A_23, %get3A_24] : memref<128x128xf32, #tpu.memory_space<vmem>>, vector<128x128xf32>
    %dot_general3A = arith.constant dense<0.000000e+00> : vector<1000x128xf32>
    %dot_general3A_26 = tpu.matmul %add3A, %get3A_25, %dot_general3A {dimension_numbers = #tpu.dot_dimension_numbers<[1], [0], [0], [1], [0, 0, 1, 1], [], []>, transpose_lhs_hint = false} : vector<1000x128xf32>, vector<128x128xf32>, vector<1000x128xf32> -> vector<1000x128xf32>
    %get3A_27 = arith.constant 0 : index
    %get3A_28 = arith.constant 0 : index
    %get3A_29 = vector.load %arg6[%get3A_27, %get3A_28] : memref<1x128xf32, #tpu.memory_space<vmem>>, vector<1x128xf32>
    %add3A_30 = vector.broadcast %get3A_29 : vector<1x128xf32> to vector<1000x128xf32>
    %add3A_31 = arith.addf %dot_general3A_26, %add3A_30 : vector<1000x128xf32>
    %max3A = arith.constant 0.000000e+00 : f32
    %max3A_32 = vector.broadcast %max3A : f32 to vector<1000x128xf32>
    %max3A_33 = arith.maximumf %add3A_31, %max3A_32 : vector<1000x128xf32>
    %slice3A = vector.extract_strided_slice %max3A_33 {offsets = [0, 0], sizes = [1000, 64], strides = [1, 1]} : vector<1000x128xf32> to vector<1000x64xf32>
    %swap3A = arith.constant 0 : index
    %swap3A_34 = arith.constant 0 : index
    %swap3A_35 = arith.constant 0 : index
    %swap3A_36 = vector.load %arg8[%swap3A, %swap3A_34, %swap3A_35] : memref<2x1000x64xf32, #tpu.memory_space<vmem>>, vector<1x1000x64xf32>
    %swap3A_37 = vector.shape_cast %swap3A_36 : vector<1x1000x64xf32> to vector<1000x64xf32>
    %swap3A_38 = vector.shape_cast %slice3A : vector<1000x64xf32> to vector<1x1000x64xf32>
    tpu.vector_store %arg8[%swap3A, %swap3A_34, %swap3A_35], %swap3A_38 {strides = array<i32>} : memref<2x1000x64xf32, #tpu.memory_space<vmem>>, vector<1x1000x64xf32>,
    %slice3A_39 = vector.extract_strided_slice %max3A_33 {offsets = [0, 64], sizes = [1000, 64], strides = [1, 1]} : vector<1000x128xf32> to vector<1000x64xf32>
    %swap3A_40 = arith.constant 1 : index
    %swap3A_41 = arith.constant 0 : index
    %swap3A_42 = arith.constant 0 : index
    %swap3A_43 = vector.load %arg8[%swap3A_40, %swap3A_41, %swap3A_42] : memref<2x1000x64xf32, #tpu.memory_space<vmem>>, vector<1x1000x64xf32>
    %swap3A_44 = vector.shape_cast %swap3A_43 : vector<1x1000x64xf32> to vector<1000x64xf32>
    %swap3A_45 = vector.shape_cast %slice3A_39 : vector<1000x64xf32> to vector<1x1000x64xf32>
    tpu.vector_store %arg8[%swap3A_40, %swap3A_41, %swap3A_42], %swap3A_45 {strides = array<i32>} : memref<2x1000x64xf32, #tpu.memory_space<vmem>>, vector<1x1000x64xf32>,
    %get3A_46 = arith.constant 0 : index
    %get3A_47 = arith.constant 0 : index
    %get3A_48 = vector.load %arg7[%get3A_46, %get3A_47] : memref<128x1xf32, #tpu.memory_space<vmem>>, vector<128x1xf32>
    %dot_general3A_49 = arith.constant dense<0.000000e+00> : vector<1000x1xf32>
    %dot_general3A_50 = tpu.matmul %max3A_33, %get3A_48, %dot_general3A_49 {dimension_numbers = #tpu.dot_dimension_numbers<[1], [0], [0], [1], [0, 0, 1, 1], [], []>, transpose_lhs_hint = false} : vector<1000x128xf32>, vector<128x1xf32>, vector<1000x1xf32> -> vector<1000x1xf32>
    %get3A_51 = arith.constant 0 : index
    %get3A_52 = memref.load %arg2[%get3A_51] : memref<1xf32, #tpu.memory_space<smem>>
    %add3A_53 = vector.broadcast %get3A_52 : f32 to vector<1000x1xf32>
    %add3A_54 = arith.addf %dot_general3A_50, %add3A_53 : vector<1000x1xf32>
    %logistic3A = arith.negf %add3A_54 : vector<1000x1xf32>
    %logistic3A_55 = math.exp %logistic3A : vector<1000x1xf32>
    %logistic3A_56 = arith.constant 1.000000e+00 : f32
    %logistic3A_57 = vector.broadcast %logistic3A_56 : f32 to vector<1000x1xf32>
    %logistic3A_58 = arith.addf %logistic3A_57, %logistic3A_55 : vector<1000x1xf32>
    %logistic3A_59 = arith.divf %logistic3A_57, %logistic3A_58 : vector<1000x1xf32>
    %swap3A_60 = arith.constant 0 : index
    %swap3A_61 = arith.constant 0 : index
    %swap3A_62 = vector.load %arg9[%swap3A_60, %swap3A_61] : memref<1000x1xf32, #tpu.memory_space<vmem>>, vector<1000x1xf32>
    tpu.vector_store %arg9[%swap3A_60, %swap3A_61], %logistic3A_59 {strides = array<i32>} : memref<1000x1xf32, #tpu.memory_space<vmem>>, vector<1000x1xf32>,
    return
  }
  func.func @transform_0(%arg0: i32) -> i32 {
    %c0_i32 = arith.constant 0 : i32
    %c0_i32_0 = arith.constant 0 : i32
    return %c0_i32 : i32
  }
  func.func @transform_1(%arg0: i32) -> i32 {
    %c0_i32 = arith.constant 0 : i32
    %c0_i32_0 = arith.constant 0 : i32
    return %c0_i32 : i32
  }
  func.func @transform_2(%arg0: i32) -> (i32, i32, i32) {
    %c0_i32 = arith.constant 0 : i32
    %c0_i32_0 = arith.constant 0 : i32
    %c0_i32_1 = arith.constant 0 : i32
    return %c0_i32, %arg0, %c0_i32_0 : i32, i32, i32
  }
  func.func @transform_3(%arg0: i32) -> (i32, i32, i32) {
    %c0_i32 = arith.constant 0 : i32
    %c0_i32_0 = arith.constant 0 : i32
    %c0_i32_1 = arith.constant 0 : i32
    return %c0_i32, %arg0, %c0_i32_0 : i32, i32, i32
  }
  func.func @transform_4(%arg0: i32) -> (i32, i32) {
    %c0_i32 = arith.constant 0 : i32
    %c0_i32_0 = arith.constant 0 : i32
    %c0_i32_1 = arith.constant 0 : i32
    return %c0_i32, %c0_i32_0 : i32, i32
  }
  func.func @transform_5(%arg0: i32) -> (i32, i32) {
    %c0_i32 = arith.constant 0 : i32
    %c0_i32_0 = arith.constant 0 : i32
    %c0_i32_1 = arith.constant 0 : i32
    return %c0_i32, %c0_i32_0 : i32, i32
  }
  func.func @transform_6(%arg0: i32) -> (i32, i32) {
    %c0_i32 = arith.constant 0 : i32
    %c0_i32_0 = arith.constant 0 : i32
    %c0_i32_1 = arith.constant 0 : i32
    return %c0_i32, %c0_i32_0 : i32, i32
  }
  func.func @transform_7(%arg0: i32) -> (i32, i32, i32) {
    %c0_i32 = arith.constant 0 : i32
    %c0_i32_0 = arith.constant 0 : i32
    %c0_i32_1 = arith.constant 0 : i32
    return %c0_i32, %arg0, %c0_i32_0 : i32, i32, i32
  }
  func.func @transform_8(%arg0: i32) -> (i32, i32) {
    %c0_i32 = arith.constant 0 : i32
    %c0_i32_0 = arith.constant 0 : i32
    return %arg0, %c0_i32 : i32, i32
  }
}

module attributes {stable_mosaic.version = 14 : i64} {
  func.func @_pool_head_body(%arg0: memref<2x10000x64xf32, #tpu.memory_space<vmem>>, %arg1: memref<2x10000x64xf32, #tpu.memory_space<vmem>>, %arg2: memref<2x10000x64xf32, #tpu.memory_space<vmem>>, %arg3: memref<79x128xf32, #tpu.memory_space<vmem>>, %arg4: memref<79x128xf32, #tpu.memory_space<vmem>>, %arg5: memref<79x128xf32, #tpu.memory_space<vmem>>, %arg6: memref<16x384xf32, #tpu.memory_space<vmem>>, %arg7: memref<16x1xf32, #tpu.memory_space<vmem>>, %arg8: memref<16x64x128xf32, #tpu.memory_space<vmem>>, %arg9: memref<1x128xf32, #tpu.memory_space<vmem>>, %arg10: memref<128x128xf32, #tpu.memory_space<vmem>>, %arg11: memref<1x128xf32, #tpu.memory_space<vmem>>, %arg12: memref<1x128xf32, #tpu.memory_space<vmem>>, %arg13: memref<3x79x128xf32, #tpu.memory_space<vmem>>) attributes {dimension_semantics = [], scalar_prefetch = 0 : i64, scratch_operands = 1 : i64, tpu.core_type = #tpu.core_type<tc>} {
    %iota3A = tpu.iota {dimensions = array<i32: 0>} : vector<79x128xi32>
    %mul3A = arith.constant 128 : i32
    %mul3A_0 = vector.broadcast %mul3A : i32 to vector<79x128xi32>
    %mul3A_1 = arith.muli %iota3A, %mul3A_0 : vector<79x128xi32>
    %iota3A_2 = tpu.iota {dimensions = array<i32: 1>} : vector<79x128xi32>
    %add3A = arith.addi %mul3A_1, %iota3A_2 : vector<79x128xi32>
    %iota3A_3 = tpu.iota {dimensions = array<i32: 1>} : vector<64x10000xi32>
    %iota3A_4 = tpu.iota {dimensions = array<i32: 0>} : vector<64x1xi32>
    %get3A = arith.constant 0 : index
    %get3A_5 = arith.constant 0 : index
    %get3A_6 = vector.load %arg3[%get3A, %get3A_5] : memref<79x128xf32, #tpu.memory_space<vmem>>, vector<79x128xf32>
    %swap3A = arith.constant 0 : index
    %swap3A_7 = arith.constant 0 : index
    %swap3A_8 = arith.constant 0 : index
    %swap3A_9 = vector.load %arg13[%swap3A, %swap3A_7, %swap3A_8] : memref<3x79x128xf32, #tpu.memory_space<vmem>>, vector<1x79x128xf32>
    %swap3A_10 = vector.shape_cast %swap3A_9 : vector<1x79x128xf32> to vector<79x128xf32>
    %swap3A_11 = vector.shape_cast %get3A_6 : vector<79x128xf32> to vector<1x79x128xf32>
    tpu.vector_store %arg13[%swap3A, %swap3A_7, %swap3A_8], %swap3A_11 {strides = array<i32>} : memref<3x79x128xf32, #tpu.memory_space<vmem>>, vector<1x79x128xf32>,
    %get3A_12 = arith.constant 0 : index
    %get3A_13 = arith.constant 0 : index
    %get3A_14 = vector.load %arg4[%get3A_12, %get3A_13] : memref<79x128xf32, #tpu.memory_space<vmem>>, vector<79x128xf32>
    %swap3A_15 = arith.constant 1 : index
    %swap3A_16 = arith.constant 0 : index
    %swap3A_17 = arith.constant 0 : index
    %swap3A_18 = vector.load %arg13[%swap3A_15, %swap3A_16, %swap3A_17] : memref<3x79x128xf32, #tpu.memory_space<vmem>>, vector<1x79x128xf32>
    %swap3A_19 = vector.shape_cast %swap3A_18 : vector<1x79x128xf32> to vector<79x128xf32>
    %swap3A_20 = vector.shape_cast %get3A_14 : vector<79x128xf32> to vector<1x79x128xf32>
    tpu.vector_store %arg13[%swap3A_15, %swap3A_16, %swap3A_17], %swap3A_20 {strides = array<i32>} : memref<3x79x128xf32, #tpu.memory_space<vmem>>, vector<1x79x128xf32>,
    %get3A_21 = arith.constant 0 : index
    %get3A_22 = arith.constant 0 : index
    %get3A_23 = vector.load %arg5[%get3A_21, %get3A_22] : memref<79x128xf32, #tpu.memory_space<vmem>>, vector<79x128xf32>
    %swap3A_24 = arith.constant 2 : index
    %swap3A_25 = arith.constant 0 : index
    %swap3A_26 = arith.constant 0 : index
    %swap3A_27 = vector.load %arg13[%swap3A_24, %swap3A_25, %swap3A_26] : memref<3x79x128xf32, #tpu.memory_space<vmem>>, vector<1x79x128xf32>
    %swap3A_28 = vector.shape_cast %swap3A_27 : vector<1x79x128xf32> to vector<79x128xf32>
    %swap3A_29 = vector.shape_cast %get3A_23 : vector<79x128xf32> to vector<1x79x128xf32>
    tpu.vector_store %arg13[%swap3A_24, %swap3A_25, %swap3A_26], %swap3A_29 {strides = array<i32>} : memref<3x79x128xf32, #tpu.memory_space<vmem>>, vector<1x79x128xf32>,
    %broadcast_in_dim3A = arith.constant 0 : i32
    %broadcast_in_dim3A_30 = vector.broadcast %broadcast_in_dim3A : i32 to vector<64x1xi32>
    %broadcast_in_dim3A_31 = arith.constant 0.000000e+00 : f32
    %broadcast_in_dim3A_32 = vector.broadcast %broadcast_in_dim3A_31 : f32 to vector<64x1xf32>
    %broadcast_in_dim3A_33 = arith.constant 0 : i32
    %broadcast_in_dim3A_34 = vector.broadcast %broadcast_in_dim3A_33 : i32 to vector<64x1xi32>
    %broadcast_in_dim3A_35 = arith.constant 0.000000e+00 : f32
    %broadcast_in_dim3A_36 = vector.broadcast %broadcast_in_dim3A_35 : f32 to vector<64x1xf32>
    %broadcast_in_dim3A_37 = arith.constant 0 : i32
    %broadcast_in_dim3A_38 = vector.broadcast %broadcast_in_dim3A_37 : i32 to vector<64x1xi32>
    %broadcast_in_dim3A_39 = arith.constant 0.000000e+00 : f32
    %broadcast_in_dim3A_40 = vector.broadcast %broadcast_in_dim3A_39 : f32 to vector<64x1xf32>
    %scan3A = arith.constant 0 : i32
    %scan3A_41 = arith.constant 64 : i32
    %scan3A_42 = arith.addi %scan3A, %scan3A_41 : i32
    %scan3A_43 = arith.constant 1 : i32
    %scan3A_44:6 = scf.for %scan3A_309 = %scan3A to %scan3A_42 step %scan3A_43 iter_args(%scan3A_310 = %broadcast_in_dim3A_30, %scan3A_311 = %broadcast_in_dim3A_32, %scan3A_312 = %broadcast_in_dim3A_34, %scan3A_313 = %broadcast_in_dim3A_36, %scan3A_314 = %broadcast_in_dim3A_38, %scan3A_315 = %broadcast_in_dim3A_40) -> (vector<64x1xi32>, vector<64x1xf32>, vector<64x1xi32>, vector<64x1xf32>, vector<64x1xi32>, vector<64x1xf32>)  : i32 {
      %get3A_316 = arith.constant 0 : index
      %get3A_317 = arith.constant 0 : index
      %get3A_318 = arith.constant 0 : index
      %get3A_319 = vector.load %arg13[%get3A_316, %get3A_317, %get3A_318] : memref<3x79x128xf32, #tpu.memory_space<vmem>>, vector<1x79x128xf32>
      %get3A_320 = vector.shape_cast %get3A_319 : vector<1x79x128xf32> to vector<79x128xf32>
      %reduce_max3A = vector.shape_cast %get3A_320 : vector<79x128xf32> to vector<1x79x128xf32>
      %reduce_max3A_321 = arith.constant dense<0xFF800000> : vector<1xf32>
      %reduce_max3A_322 = vector.multi_reduction <maximumf>, %reduce_max3A, %reduce_max3A_321 [1, 2] : vector<1x79x128xf32> to vector<1xf32>
      %reduce_max3A_323 = vector.shape_cast %reduce_max3A_322 : vector<1xf32> to vector<1x1x1xf32>
      %reduce_max3A_324 = vector.extract %reduce_max3A_323[0, 0, 0] : f32 from vector<1x1x1xf32>
      %eq3A_325 = vector.broadcast %reduce_max3A_324 : f32 to vector<79x128xf32>
      %eq3A_326 = arith.cmpf oeq, %get3A_320, %eq3A_325 : vector<79x128xf32>
      %jit3A_327 = arith.constant 1073741824 : i32
      %broadcast_in_dim3A_328 = vector.broadcast %jit3A_327 : i32 to vector<79x128xi32>
      %select_n3A_329 = arith.select %eq3A_326, %add3A, %broadcast_in_dim3A_328 : vector<79x128xi1>, vector<79x128xi32>
      %reduce_min3A = vector.shape_cast %select_n3A_329 : vector<79x128xi32> to vector<1x79x128xi32>
      %reduce_min3A_330 = arith.constant dense<2147483647> : vector<1xi32>
      %reduce_min3A_331 = vector.multi_reduction <minsi>, %reduce_min3A, %reduce_min3A_330 [1, 2] : vector<1x79x128xi32> to vector<1xi32>
      %reduce_min3A_332 = vector.shape_cast %reduce_min3A_331 : vector<1xi32> to vector<1x1x1xi32>
      %reduce_min3A_333 = vector.extract %reduce_min3A_332[0, 0, 0] : i32 from vector<1x1x1xi32>
      %eq3A_334 = vector.broadcast %scan3A_309 : i32 to vector<64x1xi32>
      %eq3A_335 = arith.cmpi eq, %iota3A_4, %eq3A_334 : vector<64x1xi32>
      %broadcast_in_dim3A_336 = vector.broadcast %reduce_min3A_333 : i32 to vector<64x1xi32>
      %select_n3A_337 = arith.select %eq3A_335, %broadcast_in_dim3A_336, %scan3A_310 : vector<64x1xi1>, vector<64x1xi32>
      %eq3A_338 = vector.broadcast %scan3A_309 : i32 to vector<64x1xi32>
      %eq3A_339 = arith.cmpi eq, %iota3A_4, %eq3A_338 : vector<64x1xi32>
      %broadcast_in_dim3A_340 = vector.broadcast %reduce_max3A_324 : f32 to vector<64x1xf32>
      %select_n3A_341 = arith.select %eq3A_339, %broadcast_in_dim3A_340, %scan3A_311 : vector<64x1xi1>, vector<64x1xf32>
      %eq3A_342 = vector.broadcast %reduce_min3A_333 : i32 to vector<79x128xi32>
      %eq3A_343 = arith.cmpi eq, %add3A, %eq3A_342 : vector<79x128xi32>
      %jit3A_344 = arith.constant -1.000000e+00 : f32
      %broadcast_in_dim3A_345 = vector.broadcast %jit3A_344 : f32 to vector<79x128xf32>
      %select_n3A_346 = arith.select %eq3A_343, %broadcast_in_dim3A_345, %get3A_320 : vector<79x128xi1>, vector<79x128xf32>
      %swap3A_347 = arith.constant 0 : index
      %swap3A_348 = arith.constant 0 : index
      %swap3A_349 = arith.constant 0 : index
      %swap3A_350 = vector.load %arg13[%swap3A_347, %swap3A_348, %swap3A_349] : memref<3x79x128xf32, #tpu.memory_space<vmem>>, vector<1x79x128xf32>
      %swap3A_351 = vector.shape_cast %swap3A_350 : vector<1x79x128xf32> to vector<79x128xf32>
      %swap3A_352 = vector.shape_cast %select_n3A_346 : vector<79x128xf32> to vector<1x79x128xf32>
      tpu.vector_store %arg13[%swap3A_347, %swap3A_348, %swap3A_349], %swap3A_352 {strides = array<i32>} : memref<3x79x128xf32, #tpu.memory_space<vmem>>, vector<1x79x128xf32>,
      %get3A_353 = arith.constant 1 : index
      %get3A_354 = arith.constant 0 : index
      %get3A_355 = arith.constant 0 : index
      %get3A_356 = vector.load %arg13[%get3A_353, %get3A_354, %get3A_355] : memref<3x79x128xf32, #tpu.memory_space<vmem>>, vector<1x79x128xf32>
      %get3A_357 = vector.shape_cast %get3A_356 : vector<1x79x128xf32> to vector<79x128xf32>
      %reduce_max3A_358 = vector.shape_cast %get3A_357 : vector<79x128xf32> to vector<1x79x128xf32>
      %reduce_max3A_359 = arith.constant dense<0xFF800000> : vector<1xf32>
      %reduce_max3A_360 = vector.multi_reduction <maximumf>, %reduce_max3A_358, %reduce_max3A_359 [1, 2] : vector<1x79x128xf32> to vector<1xf32>
      %reduce_max3A_361 = vector.shape_cast %reduce_max3A_360 : vector<1xf32> to vector<1x1x1xf32>
      %reduce_max3A_362 = vector.extract %reduce_max3A_361[0, 0, 0] : f32 from vector<1x1x1xf32>
      %eq3A_363 = vector.broadcast %reduce_max3A_362 : f32 to vector<79x128xf32>
      %eq3A_364 = arith.cmpf oeq, %get3A_357, %eq3A_363 : vector<79x128xf32>
      %jit3A_365 = arith.constant 1073741824 : i32
      %broadcast_in_dim3A_366 = vector.broadcast %jit3A_365 : i32 to vector<79x128xi32>
      %select_n3A_367 = arith.select %eq3A_364, %add3A, %broadcast_in_dim3A_366 : vector<79x128xi1>, vector<79x128xi32>
      %reduce_min3A_368 = vector.shape_cast %select_n3A_367 : vector<79x128xi32> to vector<1x79x128xi32>
      %reduce_min3A_369 = arith.constant dense<2147483647> : vector<1xi32>
      %reduce_min3A_370 = vector.multi_reduction <minsi>, %reduce_min3A_368, %reduce_min3A_369 [1, 2] : vector<1x79x128xi32> to vector<1xi32>
      %reduce_min3A_371 = vector.shape_cast %reduce_min3A_370 : vector<1xi32> to vector<1x1x1xi32>
      %reduce_min3A_372 = vector.extract %reduce_min3A_371[0, 0, 0] : i32 from vector<1x1x1xi32>
      %eq3A_373 = vector.broadcast %scan3A_309 : i32 to vector<64x1xi32>
      %eq3A_374 = arith.cmpi eq, %iota3A_4, %eq3A_373 : vector<64x1xi32>
      %broadcast_in_dim3A_375 = vector.broadcast %reduce_min3A_372 : i32 to vector<64x1xi32>
      %select_n3A_376 = arith.select %eq3A_374, %broadcast_in_dim3A_375, %scan3A_312 : vector<64x1xi1>, vector<64x1xi32>
      %eq3A_377 = vector.broadcast %scan3A_309 : i32 to vector<64x1xi32>
      %eq3A_378 = arith.cmpi eq, %iota3A_4, %eq3A_377 : vector<64x1xi32>
      %broadcast_in_dim3A_379 = vector.broadcast %reduce_max3A_362 : f32 to vector<64x1xf32>
      %select_n3A_380 = arith.select %eq3A_378, %broadcast_in_dim3A_379, %scan3A_313 : vector<64x1xi1>, vector<64x1xf32>
      %eq3A_381 = vector.broadcast %reduce_min3A_372 : i32 to vector<79x128xi32>
      %eq3A_382 = arith.cmpi eq, %add3A, %eq3A_381 : vector<79x128xi32>
      %jit3A_383 = arith.constant -1.000000e+00 : f32
      %broadcast_in_dim3A_384 = vector.broadcast %jit3A_383 : f32 to vector<79x128xf32>
      %select_n3A_385 = arith.select %eq3A_382, %broadcast_in_dim3A_384, %get3A_357 : vector<79x128xi1>, vector<79x128xf32>
      %swap3A_386 = arith.constant 1 : index
      %swap3A_387 = arith.constant 0 : index
      %swap3A_388 = arith.constant 0 : index
      %swap3A_389 = vector.load %arg13[%swap3A_386, %swap3A_387, %swap3A_388] : memref<3x79x128xf32, #tpu.memory_space<vmem>>, vector<1x79x128xf32>
      %swap3A_390 = vector.shape_cast %swap3A_389 : vector<1x79x128xf32> to vector<79x128xf32>
      %swap3A_391 = vector.shape_cast %select_n3A_385 : vector<79x128xf32> to vector<1x79x128xf32>
      tpu.vector_store %arg13[%swap3A_386, %swap3A_387, %swap3A_388], %swap3A_391 {strides = array<i32>} : memref<3x79x128xf32, #tpu.memory_space<vmem>>, vector<1x79x128xf32>,
      %get3A_392 = arith.constant 2 : index
      %get3A_393 = arith.constant 0 : index
      %get3A_394 = arith.constant 0 : index
      %get3A_395 = vector.load %arg13[%get3A_392, %get3A_393, %get3A_394] : memref<3x79x128xf32, #tpu.memory_space<vmem>>, vector<1x79x128xf32>
      %get3A_396 = vector.shape_cast %get3A_395 : vector<1x79x128xf32> to vector<79x128xf32>
      %reduce_max3A_397 = vector.shape_cast %get3A_396 : vector<79x128xf32> to vector<1x79x128xf32>
      %reduce_max3A_398 = arith.constant dense<0xFF800000> : vector<1xf32>
      %reduce_max3A_399 = vector.multi_reduction <maximumf>, %reduce_max3A_397, %reduce_max3A_398 [1, 2] : vector<1x79x128xf32> to vector<1xf32>
      %reduce_max3A_400 = vector.shape_cast %reduce_max3A_399 : vector<1xf32> to vector<1x1x1xf32>
      %reduce_max3A_401 = vector.extract %reduce_max3A_400[0, 0, 0] : f32 from vector<1x1x1xf32>
      %eq3A_402 = vector.broadcast %reduce_max3A_401 : f32 to vector<79x128xf32>
      %eq3A_403 = arith.cmpf oeq, %get3A_396, %eq3A_402 : vector<79x128xf32>
      %jit3A_404 = arith.constant 1073741824 : i32
      %broadcast_in_dim3A_405 = vector.broadcast %jit3A_404 : i32 to vector<79x128xi32>
      %select_n3A_406 = arith.select %eq3A_403, %add3A, %broadcast_in_dim3A_405 : vector<79x128xi1>, vector<79x128xi32>
      %reduce_min3A_407 = vector.shape_cast %select_n3A_406 : vector<79x128xi32> to vector<1x79x128xi32>
      %reduce_min3A_408 = arith.constant dense<2147483647> : vector<1xi32>
      %reduce_min3A_409 = vector.multi_reduction <minsi>, %reduce_min3A_407, %reduce_min3A_408 [1, 2] : vector<1x79x128xi32> to vector<1xi32>
      %reduce_min3A_410 = vector.shape_cast %reduce_min3A_409 : vector<1xi32> to vector<1x1x1xi32>
      %reduce_min3A_411 = vector.extract %reduce_min3A_410[0, 0, 0] : i32 from vector<1x1x1xi32>
      %eq3A_412 = vector.broadcast %scan3A_309 : i32 to vector<64x1xi32>
      %eq3A_413 = arith.cmpi eq, %iota3A_4, %eq3A_412 : vector<64x1xi32>
      %broadcast_in_dim3A_414 = vector.broadcast %reduce_min3A_411 : i32 to vector<64x1xi32>
      %select_n3A_415 = arith.select %eq3A_413, %broadcast_in_dim3A_414, %scan3A_314 : vector<64x1xi1>, vector<64x1xi32>
      %eq3A_416 = vector.broadcast %scan3A_309 : i32 to vector<64x1xi32>
      %eq3A_417 = arith.cmpi eq, %iota3A_4, %eq3A_416 : vector<64x1xi32>
      %broadcast_in_dim3A_418 = vector.broadcast %reduce_max3A_401 : f32 to vector<64x1xf32>
      %select_n3A_419 = arith.select %eq3A_417, %broadcast_in_dim3A_418, %scan3A_315 : vector<64x1xi1>, vector<64x1xf32>
      %eq3A_420 = vector.broadcast %reduce_min3A_411 : i32 to vector<79x128xi32>
      %eq3A_421 = arith.cmpi eq, %add3A, %eq3A_420 : vector<79x128xi32>
      %jit3A_422 = arith.constant -1.000000e+00 : f32
      %broadcast_in_dim3A_423 = vector.broadcast %jit3A_422 : f32 to vector<79x128xf32>
      %select_n3A_424 = arith.select %eq3A_421, %broadcast_in_dim3A_423, %get3A_396 : vector<79x128xi1>, vector<79x128xf32>
      %swap3A_425 = arith.constant 2 : index
      %swap3A_426 = arith.constant 0 : index
      %swap3A_427 = arith.constant 0 : index
      %swap3A_428 = vector.load %arg13[%swap3A_425, %swap3A_426, %swap3A_427] : memref<3x79x128xf32, #tpu.memory_space<vmem>>, vector<1x79x128xf32>
      %swap3A_429 = vector.shape_cast %swap3A_428 : vector<1x79x128xf32> to vector<79x128xf32>
      %swap3A_430 = vector.shape_cast %select_n3A_424 : vector<79x128xf32> to vector<1x79x128xf32>
      tpu.vector_store %arg13[%swap3A_425, %swap3A_426, %swap3A_427], %swap3A_430 {strides = array<i32>} : memref<3x79x128xf32, #tpu.memory_space<vmem>>, vector<1x79x128xf32>,
      scf.yield %select_n3A_337, %select_n3A_341, %select_n3A_376, %select_n3A_380, %select_n3A_415, %select_n3A_419 : vector<64x1xi32>, vector<64x1xf32>, vector<64x1xi32>, vector<64x1xf32>, vector<64x1xi32>, vector<64x1xf32>
    }
    %scan3A_45 = arith.constant 64 : i32
    %get3A_46 = arith.constant 0 : index
    %get3A_47 = arith.constant 0 : index
    %get3A_48 = vector.load %arg7[%get3A_46, %get3A_47] : memref<16x1xf32, #tpu.memory_space<vmem>>, vector<16x1xf32>
    %eq3A = vector.broadcast %scan3A_44#0 : vector<64x1xi32> to vector<64x10000xi32>
    %eq3A_49 = arith.cmpi eq, %iota3A_3, %eq3A : vector<64x10000xi32>
    %jit3A = arith.constant 1.000000e+00 : f32
    %jit3A_50 = arith.constant 0.000000e+00 : f32
    %broadcast_in_dim3A_51 = vector.broadcast %jit3A : f32 to vector<64x10000xf32>
    %broadcast_in_dim3A_52 = vector.broadcast %jit3A_50 : f32 to vector<64x10000xf32>
    %select_n3A = arith.select %eq3A_49, %broadcast_in_dim3A_51, %broadcast_in_dim3A_52 : vector<64x10000xi1>, vector<64x10000xf32>
    %get3A_53 = arith.constant 0 : index
    %get3A_54 = arith.constant 0 : index
    %get3A_55 = arith.constant 0 : index
    %get3A_56 = vector.load %arg0[%get3A_53, %get3A_54, %get3A_55] : memref<2x10000x64xf32, #tpu.memory_space<vmem>>, vector<1x10000x64xf32>
    %get3A_57 = vector.shape_cast %get3A_56 : vector<1x10000x64xf32> to vector<10000x64xf32>
    %dot_general3A = arith.constant dense<0.000000e+00> : vector<64x64xf32>
    %dot_general3A_58 = tpu.matmul %select_n3A, %get3A_57, %dot_general3A {dimension_numbers = #tpu.dot_dimension_numbers<[1], [0], [0], [1], [0, 0, 1, 1], [], []>, transpose_lhs_hint = false} : vector<64x10000xf32>, vector<10000x64xf32>, vector<64x64xf32> -> vector<64x64xf32>
    %get3A_59 = arith.constant 1 : index
    %get3A_60 = arith.constant 0 : index
    %get3A_61 = arith.constant 0 : index
    %get3A_62 = vector.load %arg0[%get3A_59, %get3A_60, %get3A_61] : memref<2x10000x64xf32, #tpu.memory_space<vmem>>, vector<1x10000x64xf32>
    %get3A_63 = vector.shape_cast %get3A_62 : vector<1x10000x64xf32> to vector<10000x64xf32>
    %dot_general3A_64 = arith.constant dense<0.000000e+00> : vector<64x64xf32>
    %dot_general3A_65 = tpu.matmul %select_n3A, %get3A_63, %dot_general3A_64 {dimension_numbers = #tpu.dot_dimension_numbers<[1], [0], [0], [1], [0, 0, 1, 1], [], []>, transpose_lhs_hint = false} : vector<64x10000xf32>, vector<10000x64xf32>, vector<64x64xf32> -> vector<64x64xf32>
    %concatenate3A = tpu.concatenate %dot_general3A_58, %dot_general3A_65 in 1 : vector<64x64xf32>, vector<64x64xf32> -> vector<64x128xf32>
    %mul3A_66 = vector.broadcast %scan3A_44#1 : vector<64x1xf32> to vector<64x128xf32>
    %mul3A_67 = arith.mulf %concatenate3A, %mul3A_66 : vector<64x128xf32>
    %get3A_68 = arith.constant 0 : index
    %get3A_69 = arith.constant 0 : index
    %get3A_70 = vector.load %arg6[%get3A_68, %get3A_69] : memref<16x384xf32, #tpu.memory_space<vmem>>, vector<16x384xf32>
    %slice3A = vector.extract_strided_slice %get3A_70 {offsets = [0, 0], sizes = [16, 128], strides = [1, 1]} : vector<16x384xf32> to vector<16x128xf32>
    %dot_general3A_71 = arith.constant dense<0.000000e+00> : vector<16x64xf32>
    %dot_general3A_72 = tpu.matmul %slice3A, %mul3A_67, %dot_general3A_71 {dimension_numbers = #tpu.dot_dimension_numbers<[1], [1], [0], [0], [0, 0, 1, 0], [], []>, transpose_lhs_hint = false} : vector<16x128xf32>, vector<64x128xf32>, vector<16x64xf32> -> vector<16x64xf32>
    %add3A_73 = vector.broadcast %get3A_48 : vector<16x1xf32> to vector<16x64xf32>
    %add3A_74 = arith.addf %add3A_73, %dot_general3A_72 : vector<16x64xf32>
    %eq3A_75 = vector.broadcast %scan3A_44#2 : vector<64x1xi32> to vector<64x10000xi32>
    %eq3A_76 = arith.cmpi eq, %iota3A_3, %eq3A_75 : vector<64x10000xi32>
    %jit3A_77 = arith.constant 1.000000e+00 : f32
    %jit3A_78 = arith.constant 0.000000e+00 : f32
    %broadcast_in_dim3A_79 = vector.broadcast %jit3A_77 : f32 to vector<64x10000xf32>
    %broadcast_in_dim3A_80 = vector.broadcast %jit3A_78 : f32 to vector<64x10000xf32>
    %select_n3A_81 = arith.select %eq3A_76, %broadcast_in_dim3A_79, %broadcast_in_dim3A_80 : vector<64x10000xi1>, vector<64x10000xf32>
    %get3A_82 = arith.constant 0 : index
    %get3A_83 = arith.constant 0 : index
    %get3A_84 = arith.constant 0 : index
    %get3A_85 = vector.load %arg1[%get3A_82, %get3A_83, %get3A_84] : memref<2x10000x64xf32, #tpu.memory_space<vmem>>, vector<1x10000x64xf32>
    %get3A_86 = vector.shape_cast %get3A_85 : vector<1x10000x64xf32> to vector<10000x64xf32>
    %dot_general3A_87 = arith.constant dense<0.000000e+00> : vector<64x64xf32>
    %dot_general3A_88 = tpu.matmul %select_n3A_81, %get3A_86, %dot_general3A_87 {dimension_numbers = #tpu.dot_dimension_numbers<[1], [0], [0], [1], [0, 0, 1, 1], [], []>, transpose_lhs_hint = false} : vector<64x10000xf32>, vector<10000x64xf32>, vector<64x64xf32> -> vector<64x64xf32>
    %get3A_89 = arith.constant 1 : index
    %get3A_90 = arith.constant 0 : index
    %get3A_91 = arith.constant 0 : index
    %get3A_92 = vector.load %arg1[%get3A_89, %get3A_90, %get3A_91] : memref<2x10000x64xf32, #tpu.memory_space<vmem>>, vector<1x10000x64xf32>
    %get3A_93 = vector.shape_cast %get3A_92 : vector<1x10000x64xf32> to vector<10000x64xf32>
    %dot_general3A_94 = arith.constant dense<0.000000e+00> : vector<64x64xf32>
    %dot_general3A_95 = tpu.matmul %select_n3A_81, %get3A_93, %dot_general3A_94 {dimension_numbers = #tpu.dot_dimension_numbers<[1], [0], [0], [1], [0, 0, 1, 1], [], []>, transpose_lhs_hint = false} : vector<64x10000xf32>, vector<10000x64xf32>, vector<64x64xf32> -> vector<64x64xf32>
    %concatenate3A_96 = tpu.concatenate %dot_general3A_88, %dot_general3A_95 in 1 : vector<64x64xf32>, vector<64x64xf32> -> vector<64x128xf32>
    %mul3A_97 = vector.broadcast %scan3A_44#3 : vector<64x1xf32> to vector<64x128xf32>
    %mul3A_98 = arith.mulf %concatenate3A_96, %mul3A_97 : vector<64x128xf32>
    %get3A_99 = arith.constant 0 : index
    %get3A_100 = arith.constant 0 : index
    %get3A_101 = vector.load %arg6[%get3A_99, %get3A_100] : memref<16x384xf32, #tpu.memory_space<vmem>>, vector<16x384xf32>
    %slice3A_102 = vector.extract_strided_slice %get3A_101 {offsets = [0, 128], sizes = [16, 128], strides = [1, 1]} : vector<16x384xf32> to vector<16x128xf32>
    %dot_general3A_103 = arith.constant dense<0.000000e+00> : vector<16x64xf32>
    %dot_general3A_104 = tpu.matmul %slice3A_102, %mul3A_98, %dot_general3A_103 {dimension_numbers = #tpu.dot_dimension_numbers<[1], [1], [0], [0], [0, 0, 1, 0], [], []>, transpose_lhs_hint = false} : vector<16x128xf32>, vector<64x128xf32>, vector<16x64xf32> -> vector<16x64xf32>
    %add3A_105 = arith.addf %add3A_74, %dot_general3A_104 : vector<16x64xf32>
    %eq3A_106 = vector.broadcast %scan3A_44#4 : vector<64x1xi32> to vector<64x10000xi32>
    %eq3A_107 = arith.cmpi eq, %iota3A_3, %eq3A_106 : vector<64x10000xi32>
    %jit3A_108 = arith.constant 1.000000e+00 : f32
    %jit3A_109 = arith.constant 0.000000e+00 : f32
    %broadcast_in_dim3A_110 = vector.broadcast %jit3A_108 : f32 to vector<64x10000xf32>
    %broadcast_in_dim3A_111 = vector.broadcast %jit3A_109 : f32 to vector<64x10000xf32>
    %select_n3A_112 = arith.select %eq3A_107, %broadcast_in_dim3A_110, %broadcast_in_dim3A_111 : vector<64x10000xi1>, vector<64x10000xf32>
    %get3A_113 = arith.constant 0 : index
    %get3A_114 = arith.constant 0 : index
    %get3A_115 = arith.constant 0 : index
    %get3A_116 = vector.load %arg2[%get3A_113, %get3A_114, %get3A_115] : memref<2x10000x64xf32, #tpu.memory_space<vmem>>, vector<1x10000x64xf32>
    %get3A_117 = vector.shape_cast %get3A_116 : vector<1x10000x64xf32> to vector<10000x64xf32>
    %dot_general3A_118 = arith.constant dense<0.000000e+00> : vector<64x64xf32>
    %dot_general3A_119 = tpu.matmul %select_n3A_112, %get3A_117, %dot_general3A_118 {dimension_numbers = #tpu.dot_dimension_numbers<[1], [0], [0], [1], [0, 0, 1, 1], [], []>, transpose_lhs_hint = false} : vector<64x10000xf32>, vector<10000x64xf32>, vector<64x64xf32> -> vector<64x64xf32>
    %get3A_120 = arith.constant 1 : index
    %get3A_121 = arith.constant 0 : index
    %get3A_122 = arith.constant 0 : index
    %get3A_123 = vector.load %arg2[%get3A_120, %get3A_121, %get3A_122] : memref<2x10000x64xf32, #tpu.memory_space<vmem>>, vector<1x10000x64xf32>
    %get3A_124 = vector.shape_cast %get3A_123 : vector<1x10000x64xf32> to vector<10000x64xf32>
    %dot_general3A_125 = arith.constant dense<0.000000e+00> : vector<64x64xf32>
    %dot_general3A_126 = tpu.matmul %select_n3A_112, %get3A_124, %dot_general3A_125 {dimension_numbers = #tpu.dot_dimension_numbers<[1], [0], [0], [1], [0, 0, 1, 1], [], []>, transpose_lhs_hint = false} : vector<64x10000xf32>, vector<10000x64xf32>, vector<64x64xf32> -> vector<64x64xf32>
    %concatenate3A_127 = tpu.concatenate %dot_general3A_119, %dot_general3A_126 in 1 : vector<64x64xf32>, vector<64x64xf32> -> vector<64x128xf32>
    %mul3A_128 = vector.broadcast %scan3A_44#5 : vector<64x1xf32> to vector<64x128xf32>
    %mul3A_129 = arith.mulf %concatenate3A_127, %mul3A_128 : vector<64x128xf32>
    %get3A_130 = arith.constant 0 : index
    %get3A_131 = arith.constant 0 : index
    %get3A_132 = vector.load %arg6[%get3A_130, %get3A_131] : memref<16x384xf32, #tpu.memory_space<vmem>>, vector<16x384xf32>
    %slice3A_133 = vector.extract_strided_slice %get3A_132 {offsets = [0, 256], sizes = [16, 128], strides = [1, 1]} : vector<16x384xf32> to vector<16x128xf32>
    %dot_general3A_134 = arith.constant dense<0.000000e+00> : vector<16x64xf32>
    %dot_general3A_135 = tpu.matmul %slice3A_133, %mul3A_129, %dot_general3A_134 {dimension_numbers = #tpu.dot_dimension_numbers<[1], [1], [0], [0], [0, 0, 1, 0], [], []>, transpose_lhs_hint = false} : vector<16x128xf32>, vector<64x128xf32>, vector<16x64xf32> -> vector<16x64xf32>
    %add3A_136 = arith.addf %add3A_105, %dot_general3A_135 : vector<16x64xf32>
    %max3A = arith.constant 0.000000e+00 : f32
    %max3A_137 = vector.broadcast %max3A : f32 to vector<16x64xf32>
    %max3A_138 = arith.maximumf %add3A_136, %max3A_137 : vector<16x64xf32>
    %broadcast_in_dim3A_139 = arith.constant 0.000000e+00 : f32
    %broadcast_in_dim3A_140 = vector.broadcast %broadcast_in_dim3A_139 : f32 to vector<1x128xf32>
    %slice3A_141 = vector.extract_strided_slice %max3A_138 {offsets = [0, 0], sizes = [1, 64], strides = [1, 1]} : vector<16x64xf32> to vector<1x64xf32>
    %get3A_142 = arith.constant 0 : index
    %get3A_143 = arith.constant 0 : index
    %get3A_144 = arith.constant 0 : index
    %get3A_145 = vector.load %arg8[%get3A_142, %get3A_143, %get3A_144] : memref<16x64x128xf32, #tpu.memory_space<vmem>>, vector<1x64x128xf32>
    %get3A_146 = vector.shape_cast %get3A_145 : vector<1x64x128xf32> to vector<64x128xf32>
    %dot_general3A_147 = arith.constant dense<0.000000e+00> : vector<1x128xf32>
    %dot_general3A_148 = tpu.matmul %slice3A_141, %get3A_146, %dot_general3A_147 {dimension_numbers = #tpu.dot_dimension_numbers<[1], [0], [0], [1], [0, 0, 1, 1], [], []>, transpose_lhs_hint = false} : vector<1x64xf32>, vector<64x128xf32>, vector<1x128xf32> -> vector<1x128xf32>
    %add3A_149 = arith.addf %broadcast_in_dim3A_140, %dot_general3A_148 : vector<1x128xf32>
    %slice3A_150 = vector.extract_strided_slice %max3A_138 {offsets = [1, 0], sizes = [1, 64], strides = [1, 1]} : vector<16x64xf32> to vector<1x64xf32>
    %get3A_151 = arith.constant 1 : index
    %get3A_152 = arith.constant 0 : index
    %get3A_153 = arith.constant 0 : index
    %get3A_154 = vector.load %arg8[%get3A_151, %get3A_152, %get3A_153] : memref<16x64x128xf32, #tpu.memory_space<vmem>>, vector<1x64x128xf32>
    %get3A_155 = vector.shape_cast %get3A_154 : vector<1x64x128xf32> to vector<64x128xf32>
    %dot_general3A_156 = arith.constant dense<0.000000e+00> : vector<1x128xf32>
    %dot_general3A_157 = tpu.matmul %slice3A_150, %get3A_155, %dot_general3A_156 {dimension_numbers = #tpu.dot_dimension_numbers<[1], [0], [0], [1], [0, 0, 1, 1], [], []>, transpose_lhs_hint = false} : vector<1x64xf32>, vector<64x128xf32>, vector<1x128xf32> -> vector<1x128xf32>
    %add3A_158 = arith.addf %add3A_149, %dot_general3A_157 : vector<1x128xf32>
    %slice3A_159 = vector.extract_strided_slice %max3A_138 {offsets = [2, 0], sizes = [1, 64], strides = [1, 1]} : vector<16x64xf32> to vector<1x64xf32>
    %get3A_160 = arith.constant 2 : index
    %get3A_161 = arith.constant 0 : index
    %get3A_162 = arith.constant 0 : index
    %get3A_163 = vector.load %arg8[%get3A_160, %get3A_161, %get3A_162] : memref<16x64x128xf32, #tpu.memory_space<vmem>>, vector<1x64x128xf32>
    %get3A_164 = vector.shape_cast %get3A_163 : vector<1x64x128xf32> to vector<64x128xf32>
    %dot_general3A_165 = arith.constant dense<0.000000e+00> : vector<1x128xf32>
    %dot_general3A_166 = tpu.matmul %slice3A_159, %get3A_164, %dot_general3A_165 {dimension_numbers = #tpu.dot_dimension_numbers<[1], [0], [0], [1], [0, 0, 1, 1], [], []>, transpose_lhs_hint = false} : vector<1x64xf32>, vector<64x128xf32>, vector<1x128xf32> -> vector<1x128xf32>
    %add3A_167 = arith.addf %add3A_158, %dot_general3A_166 : vector<1x128xf32>
    %slice3A_168 = vector.extract_strided_slice %max3A_138 {offsets = [3, 0], sizes = [1, 64], strides = [1, 1]} : vector<16x64xf32> to vector<1x64xf32>
    %get3A_169 = arith.constant 3 : index
    %get3A_170 = arith.constant 0 : index
    %get3A_171 = arith.constant 0 : index
    %get3A_172 = vector.load %arg8[%get3A_169, %get3A_170, %get3A_171] : memref<16x64x128xf32, #tpu.memory_space<vmem>>, vector<1x64x128xf32>
    %get3A_173 = vector.shape_cast %get3A_172 : vector<1x64x128xf32> to vector<64x128xf32>
    %dot_general3A_174 = arith.constant dense<0.000000e+00> : vector<1x128xf32>
    %dot_general3A_175 = tpu.matmul %slice3A_168, %get3A_173, %dot_general3A_174 {dimension_numbers = #tpu.dot_dimension_numbers<[1], [0], [0], [1], [0, 0, 1, 1], [], []>, transpose_lhs_hint = false} : vector<1x64xf32>, vector<64x128xf32>, vector<1x128xf32> -> vector<1x128xf32>
    %add3A_176 = arith.addf %add3A_167, %dot_general3A_175 : vector<1x128xf32>
    %slice3A_177 = vector.extract_strided_slice %max3A_138 {offsets = [4, 0], sizes = [1, 64], strides = [1, 1]} : vector<16x64xf32> to vector<1x64xf32>
    %get3A_178 = arith.constant 4 : index
    %get3A_179 = arith.constant 0 : index
    %get3A_180 = arith.constant 0 : index
    %get3A_181 = vector.load %arg8[%get3A_178, %get3A_179, %get3A_180] : memref<16x64x128xf32, #tpu.memory_space<vmem>>, vector<1x64x128xf32>
    %get3A_182 = vector.shape_cast %get3A_181 : vector<1x64x128xf32> to vector<64x128xf32>
    %dot_general3A_183 = arith.constant dense<0.000000e+00> : vector<1x128xf32>
    %dot_general3A_184 = tpu.matmul %slice3A_177, %get3A_182, %dot_general3A_183 {dimension_numbers = #tpu.dot_dimension_numbers<[1], [0], [0], [1], [0, 0, 1, 1], [], []>, transpose_lhs_hint = false} : vector<1x64xf32>, vector<64x128xf32>, vector<1x128xf32> -> vector<1x128xf32>
    %add3A_185 = arith.addf %add3A_176, %dot_general3A_184 : vector<1x128xf32>
    %slice3A_186 = vector.extract_strided_slice %max3A_138 {offsets = [5, 0], sizes = [1, 64], strides = [1, 1]} : vector<16x64xf32> to vector<1x64xf32>
    %get3A_187 = arith.constant 5 : index
    %get3A_188 = arith.constant 0 : index
    %get3A_189 = arith.constant 0 : index
    %get3A_190 = vector.load %arg8[%get3A_187, %get3A_188, %get3A_189] : memref<16x64x128xf32, #tpu.memory_space<vmem>>, vector<1x64x128xf32>
    %get3A_191 = vector.shape_cast %get3A_190 : vector<1x64x128xf32> to vector<64x128xf32>
    %dot_general3A_192 = arith.constant dense<0.000000e+00> : vector<1x128xf32>
    %dot_general3A_193 = tpu.matmul %slice3A_186, %get3A_191, %dot_general3A_192 {dimension_numbers = #tpu.dot_dimension_numbers<[1], [0], [0], [1], [0, 0, 1, 1], [], []>, transpose_lhs_hint = false} : vector<1x64xf32>, vector<64x128xf32>, vector<1x128xf32> -> vector<1x128xf32>
    %add3A_194 = arith.addf %add3A_185, %dot_general3A_193 : vector<1x128xf32>
    %slice3A_195 = vector.extract_strided_slice %max3A_138 {offsets = [6, 0], sizes = [1, 64], strides = [1, 1]} : vector<16x64xf32> to vector<1x64xf32>
    %get3A_196 = arith.constant 6 : index
    %get3A_197 = arith.constant 0 : index
    %get3A_198 = arith.constant 0 : index
    %get3A_199 = vector.load %arg8[%get3A_196, %get3A_197, %get3A_198] : memref<16x64x128xf32, #tpu.memory_space<vmem>>, vector<1x64x128xf32>
    %get3A_200 = vector.shape_cast %get3A_199 : vector<1x64x128xf32> to vector<64x128xf32>
    %dot_general3A_201 = arith.constant dense<0.000000e+00> : vector<1x128xf32>
    %dot_general3A_202 = tpu.matmul %slice3A_195, %get3A_200, %dot_general3A_201 {dimension_numbers = #tpu.dot_dimension_numbers<[1], [0], [0], [1], [0, 0, 1, 1], [], []>, transpose_lhs_hint = false} : vector<1x64xf32>, vector<64x128xf32>, vector<1x128xf32> -> vector<1x128xf32>
    %add3A_203 = arith.addf %add3A_194, %dot_general3A_202 : vector<1x128xf32>
    %slice3A_204 = vector.extract_strided_slice %max3A_138 {offsets = [7, 0], sizes = [1, 64], strides = [1, 1]} : vector<16x64xf32> to vector<1x64xf32>
    %get3A_205 = arith.constant 7 : index
    %get3A_206 = arith.constant 0 : index
    %get3A_207 = arith.constant 0 : index
    %get3A_208 = vector.load %arg8[%get3A_205, %get3A_206, %get3A_207] : memref<16x64x128xf32, #tpu.memory_space<vmem>>, vector<1x64x128xf32>
    %get3A_209 = vector.shape_cast %get3A_208 : vector<1x64x128xf32> to vector<64x128xf32>
    %dot_general3A_210 = arith.constant dense<0.000000e+00> : vector<1x128xf32>
    %dot_general3A_211 = tpu.matmul %slice3A_204, %get3A_209, %dot_general3A_210 {dimension_numbers = #tpu.dot_dimension_numbers<[1], [0], [0], [1], [0, 0, 1, 1], [], []>, transpose_lhs_hint = false} : vector<1x64xf32>, vector<64x128xf32>, vector<1x128xf32> -> vector<1x128xf32>
    %add3A_212 = arith.addf %add3A_203, %dot_general3A_211 : vector<1x128xf32>
    %slice3A_213 = vector.extract_strided_slice %max3A_138 {offsets = [8, 0], sizes = [1, 64], strides = [1, 1]} : vector<16x64xf32> to vector<1x64xf32>
    %get3A_214 = arith.constant 8 : index
    %get3A_215 = arith.constant 0 : index
    %get3A_216 = arith.constant 0 : index
    %get3A_217 = vector.load %arg8[%get3A_214, %get3A_215, %get3A_216] : memref<16x64x128xf32, #tpu.memory_space<vmem>>, vector<1x64x128xf32>
    %get3A_218 = vector.shape_cast %get3A_217 : vector<1x64x128xf32> to vector<64x128xf32>
    %dot_general3A_219 = arith.constant dense<0.000000e+00> : vector<1x128xf32>
    %dot_general3A_220 = tpu.matmul %slice3A_213, %get3A_218, %dot_general3A_219 {dimension_numbers = #tpu.dot_dimension_numbers<[1], [0], [0], [1], [0, 0, 1, 1], [], []>, transpose_lhs_hint = false} : vector<1x64xf32>, vector<64x128xf32>, vector<1x128xf32> -> vector<1x128xf32>
    %add3A_221 = arith.addf %add3A_212, %dot_general3A_220 : vector<1x128xf32>
    %slice3A_222 = vector.extract_strided_slice %max3A_138 {offsets = [9, 0], sizes = [1, 64], strides = [1, 1]} : vector<16x64xf32> to vector<1x64xf32>
    %get3A_223 = arith.constant 9 : index
    %get3A_224 = arith.constant 0 : index
    %get3A_225 = arith.constant 0 : index
    %get3A_226 = vector.load %arg8[%get3A_223, %get3A_224, %get3A_225] : memref<16x64x128xf32, #tpu.memory_space<vmem>>, vector<1x64x128xf32>
    %get3A_227 = vector.shape_cast %get3A_226 : vector<1x64x128xf32> to vector<64x128xf32>
    %dot_general3A_228 = arith.constant dense<0.000000e+00> : vector<1x128xf32>
    %dot_general3A_229 = tpu.matmul %slice3A_222, %get3A_227, %dot_general3A_228 {dimension_numbers = #tpu.dot_dimension_numbers<[1], [0], [0], [1], [0, 0, 1, 1], [], []>, transpose_lhs_hint = false} : vector<1x64xf32>, vector<64x128xf32>, vector<1x128xf32> -> vector<1x128xf32>
    %add3A_230 = arith.addf %add3A_221, %dot_general3A_229 : vector<1x128xf32>
    %slice3A_231 = vector.extract_strided_slice %max3A_138 {offsets = [10, 0], sizes = [1, 64], strides = [1, 1]} : vector<16x64xf32> to vector<1x64xf32>
    %get3A_232 = arith.constant 10 : index
    %get3A_233 = arith.constant 0 : index
    %get3A_234 = arith.constant 0 : index
    %get3A_235 = vector.load %arg8[%get3A_232, %get3A_233, %get3A_234] : memref<16x64x128xf32, #tpu.memory_space<vmem>>, vector<1x64x128xf32>
    %get3A_236 = vector.shape_cast %get3A_235 : vector<1x64x128xf32> to vector<64x128xf32>
    %dot_general3A_237 = arith.constant dense<0.000000e+00> : vector<1x128xf32>
    %dot_general3A_238 = tpu.matmul %slice3A_231, %get3A_236, %dot_general3A_237 {dimension_numbers = #tpu.dot_dimension_numbers<[1], [0], [0], [1], [0, 0, 1, 1], [], []>, transpose_lhs_hint = false} : vector<1x64xf32>, vector<64x128xf32>, vector<1x128xf32> -> vector<1x128xf32>
    %add3A_239 = arith.addf %add3A_230, %dot_general3A_238 : vector<1x128xf32>
    %slice3A_240 = vector.extract_strided_slice %max3A_138 {offsets = [11, 0], sizes = [1, 64], strides = [1, 1]} : vector<16x64xf32> to vector<1x64xf32>
    %get3A_241 = arith.constant 11 : index
    %get3A_242 = arith.constant 0 : index
    %get3A_243 = arith.constant 0 : index
    %get3A_244 = vector.load %arg8[%get3A_241, %get3A_242, %get3A_243] : memref<16x64x128xf32, #tpu.memory_space<vmem>>, vector<1x64x128xf32>
    %get3A_245 = vector.shape_cast %get3A_244 : vector<1x64x128xf32> to vector<64x128xf32>
    %dot_general3A_246 = arith.constant dense<0.000000e+00> : vector<1x128xf32>
    %dot_general3A_247 = tpu.matmul %slice3A_240, %get3A_245, %dot_general3A_246 {dimension_numbers = #tpu.dot_dimension_numbers<[1], [0], [0], [1], [0, 0, 1, 1], [], []>, transpose_lhs_hint = false} : vector<1x64xf32>, vector<64x128xf32>, vector<1x128xf32> -> vector<1x128xf32>
    %add3A_248 = arith.addf %add3A_239, %dot_general3A_247 : vector<1x128xf32>
    %slice3A_249 = vector.extract_strided_slice %max3A_138 {offsets = [12, 0], sizes = [1, 64], strides = [1, 1]} : vector<16x64xf32> to vector<1x64xf32>
    %get3A_250 = arith.constant 12 : index
    %get3A_251 = arith.constant 0 : index
    %get3A_252 = arith.constant 0 : index
    %get3A_253 = vector.load %arg8[%get3A_250, %get3A_251, %get3A_252] : memref<16x64x128xf32, #tpu.memory_space<vmem>>, vector<1x64x128xf32>
    %get3A_254 = vector.shape_cast %get3A_253 : vector<1x64x128xf32> to vector<64x128xf32>
    %dot_general3A_255 = arith.constant dense<0.000000e+00> : vector<1x128xf32>
    %dot_general3A_256 = tpu.matmul %slice3A_249, %get3A_254, %dot_general3A_255 {dimension_numbers = #tpu.dot_dimension_numbers<[1], [0], [0], [1], [0, 0, 1, 1], [], []>, transpose_lhs_hint = false} : vector<1x64xf32>, vector<64x128xf32>, vector<1x128xf32> -> vector<1x128xf32>
    %add3A_257 = arith.addf %add3A_248, %dot_general3A_256 : vector<1x128xf32>
    %slice3A_258 = vector.extract_strided_slice %max3A_138 {offsets = [13, 0], sizes = [1, 64], strides = [1, 1]} : vector<16x64xf32> to vector<1x64xf32>
    %get3A_259 = arith.constant 13 : index
    %get3A_260 = arith.constant 0 : index
    %get3A_261 = arith.constant 0 : index
    %get3A_262 = vector.load %arg8[%get3A_259, %get3A_260, %get3A_261] : memref<16x64x128xf32, #tpu.memory_space<vmem>>, vector<1x64x128xf32>
    %get3A_263 = vector.shape_cast %get3A_262 : vector<1x64x128xf32> to vector<64x128xf32>
    %dot_general3A_264 = arith.constant dense<0.000000e+00> : vector<1x128xf32>
    %dot_general3A_265 = tpu.matmul %slice3A_258, %get3A_263, %dot_general3A_264 {dimension_numbers = #tpu.dot_dimension_numbers<[1], [0], [0], [1], [0, 0, 1, 1], [], []>, transpose_lhs_hint = false} : vector<1x64xf32>, vector<64x128xf32>, vector<1x128xf32> -> vector<1x128xf32>
    %add3A_266 = arith.addf %add3A_257, %dot_general3A_265 : vector<1x128xf32>
    %slice3A_267 = vector.extract_strided_slice %max3A_138 {offsets = [14, 0], sizes = [1, 64], strides = [1, 1]} : vector<16x64xf32> to vector<1x64xf32>
    %get3A_268 = arith.constant 14 : index
    %get3A_269 = arith.constant 0 : index
    %get3A_270 = arith.constant 0 : index
    %get3A_271 = vector.load %arg8[%get3A_268, %get3A_269, %get3A_270] : memref<16x64x128xf32, #tpu.memory_space<vmem>>, vector<1x64x128xf32>
    %get3A_272 = vector.shape_cast %get3A_271 : vector<1x64x128xf32> to vector<64x128xf32>
    %dot_general3A_273 = arith.constant dense<0.000000e+00> : vector<1x128xf32>
    %dot_general3A_274 = tpu.matmul %slice3A_267, %get3A_272, %dot_general3A_273 {dimension_numbers = #tpu.dot_dimension_numbers<[1], [0], [0], [1], [0, 0, 1, 1], [], []>, transpose_lhs_hint = false} : vector<1x64xf32>, vector<64x128xf32>, vector<1x128xf32> -> vector<1x128xf32>
    %add3A_275 = arith.addf %add3A_266, %dot_general3A_274 : vector<1x128xf32>
    %slice3A_276 = vector.extract_strided_slice %max3A_138 {offsets = [15, 0], sizes = [1, 64], strides = [1, 1]} : vector<16x64xf32> to vector<1x64xf32>
    %get3A_277 = arith.constant 15 : index
    %get3A_278 = arith.constant 0 : index
    %get3A_279 = arith.constant 0 : index
    %get3A_280 = vector.load %arg8[%get3A_277, %get3A_278, %get3A_279] : memref<16x64x128xf32, #tpu.memory_space<vmem>>, vector<1x64x128xf32>
    %get3A_281 = vector.shape_cast %get3A_280 : vector<1x64x128xf32> to vector<64x128xf32>
    %dot_general3A_282 = arith.constant dense<0.000000e+00> : vector<1x128xf32>
    %dot_general3A_283 = tpu.matmul %slice3A_276, %get3A_281, %dot_general3A_282 {dimension_numbers = #tpu.dot_dimension_numbers<[1], [0], [0], [1], [0, 0, 1, 1], [], []>, transpose_lhs_hint = false} : vector<1x64xf32>, vector<64x128xf32>, vector<1x128xf32> -> vector<1x128xf32>
    %add3A_284 = arith.addf %add3A_275, %dot_general3A_283 : vector<1x128xf32>
    %get3A_285 = arith.constant 0 : index
    %get3A_286 = arith.constant 0 : index
    %get3A_287 = vector.load %arg9[%get3A_285, %get3A_286] : memref<1x128xf32, #tpu.memory_space<vmem>>, vector<1x128xf32>
    %add3A_288 = arith.addf %add3A_284, %get3A_287 : vector<1x128xf32>
    %max3A_289 = arith.constant 0.000000e+00 : f32
    %max3A_290 = vector.broadcast %max3A_289 : f32 to vector<1x128xf32>
    %max3A_291 = arith.maximumf %add3A_288, %max3A_290 : vector<1x128xf32>
    %get3A_292 = arith.constant 0 : index
    %get3A_293 = arith.constant 0 : index
    %get3A_294 = vector.load %arg10[%get3A_292, %get3A_293] : memref<128x128xf32, #tpu.memory_space<vmem>>, vector<128x128xf32>
    %dot_general3A_295 = arith.constant dense<0.000000e+00> : vector<1x128xf32>
    %dot_general3A_296 = tpu.matmul %max3A_291, %get3A_294, %dot_general3A_295 {dimension_numbers = #tpu.dot_dimension_numbers<[1], [0], [0], [1], [0, 0, 1, 1], [], []>, transpose_lhs_hint = false} : vector<1x128xf32>, vector<128x128xf32>, vector<1x128xf32> -> vector<1x128xf32>
    %get3A_297 = arith.constant 0 : index
    %get3A_298 = arith.constant 0 : index
    %get3A_299 = vector.load %arg11[%get3A_297, %get3A_298] : memref<1x128xf32, #tpu.memory_space<vmem>>, vector<1x128xf32>
    %add3A_300 = arith.addf %dot_general3A_296, %get3A_299 : vector<1x128xf32>
    %logistic3A = arith.negf %add3A_300 : vector<1x128xf32>
    %logistic3A_301 = math.exp %logistic3A : vector<1x128xf32>
    %logistic3A_302 = arith.constant 1.000000e+00 : f32
    %logistic3A_303 = vector.broadcast %logistic3A_302 : f32 to vector<1x128xf32>
    %logistic3A_304 = arith.addf %logistic3A_303, %logistic3A_301 : vector<1x128xf32>
    %logistic3A_305 = arith.divf %logistic3A_303, %logistic3A_304 : vector<1x128xf32>
    %swap3A_306 = arith.constant 0 : index
    %swap3A_307 = arith.constant 0 : index
    %swap3A_308 = vector.load %arg12[%swap3A_306, %swap3A_307] : memref<1x128xf32, #tpu.memory_space<vmem>>, vector<1x128xf32>
    tpu.vector_store %arg12[%swap3A_306, %swap3A_307], %logistic3A_305 {strides = array<i32>} : memref<1x128xf32, #tpu.memory_space<vmem>>, vector<1x128xf32>,
    return
  }
}

</mosaic_0001>

<sc_bundles>
// kernel: kernel.12.cloned.1.call-start
scs
__scs_entry_jumppad:
0x0: {  	(pc) =	sbr.rel $0x88, $3  }
0x1: {  	(tag) =	ssettag $0x0;
	lr =	simm.s32 $0x1  }
0x2: {  	[smem:$0x3F8A] =	sst lr;
	_ =	strace $0xD0000000  }
0x3: {  	_ = 	snop  }
0x4: {  	_ = 	snop  }
0x5: {  	_ = 	snop  }
0x6: {  	_ = 	snop  }
0x7: {  	_ = 	snop  }
__scs_overlays_trampoline_lowered:
0x8: {  	[smem:$0x3F99] =	sst s0  }
0x9: {  	[smem:$0x3F9A] =	sst s1  }
0xa: {  	[smem:$0x3F9B] =	sst s2  }
0xb: {  	[smem:$0x3F9C] =	sst s3  }
0xc: {  	[smem:$0x3F9D] =	sst s4  }
0xd: {  	[smem:$0x3F9E] =	sst s5  }
0xe: {  	[smem:$0x3F9F] =	sst s6  }
0xf: {  	[smem:$0x3FA0] =	sst s7  }
0x10: {  	[smem:$0x3FA1] =	sst s8  }
0x11: {  	[smem:$0x3FA2] =	sst s9;
	s0 =	simm.s32 @!p0 $0x0  }
0x12: {  	s1 =	sld [smem:$0x3F88];
	s0 =	simm.s32 @p0 $0x1  }
0x13: {  	[smem:$0x3FA3] =	sst s0;
	s0 =	simm.s32 @!p1 $0x0  }
0x14: {  	s2 =	sld [smem:$0x3F87];
	s0 =	simm.s32 @p1 $0x1  }
0x15: {  	[smem:$0x3FA4] =	sst s0;
	s0 =	simm.s32 @!p2 $0x0  }
0x16: {  	s3 =	sld [smem:$0x3FDB];
	s0 =	simm.s32 @p2 $0x1  }
0x17: {  	s4 =	simm.s32 $0x1BF5;
	[smem:$0x3FA6] =	sst s0  }
0x18: {  	s0 =	sld [smem:$0x3F89];
	_ =	swait.ge [sflag:s4], $0x0  }
0x19: {  	s7 =	sld [smem:$0x3F8A]  }
0x1a: {  	s8 =	sadd.s32 $0xFFFFE003, lr  }
0x1b: {  	s9 =	sadd.s32 $0xFFFFFEF7, lr;
	s5 =	simm.s32 $0xFFFFFFFF;
	p2 =	slt.u32 s8, $0xFFFFF086  }
0x1c: {  	p1 =	slt.u32 s9, $0xF7A;
	s5 =	simm.s32 @!p2 $0x0  }
0x1d: {  	s5 =	simm.s32 @p1 $0x1;
	p0 =	seq.s32 s7, s2  }
0x1e: {  	s7 =	smul.u32 @!p0 $0xF7A, s2;
	p2 =	seq.s32 @!p0 s5, $0x0  }
0x1f: {  	s9 =	smul.u32 $0xF7A, s1;
	s8 =	simm.s32 @!p0 $0x1BF5;
	p2 =	por !p2, p0  }
0x20: {  	[sflag:s8] =	ssyncset.s32 @!p0 $0xFFFFF086;
	s6 =	sadd.s32 @!p0 s3, s7;
	s7 =	simm.s32 @!p0 $0x108  }
0x21: {  	s3 =	sadd.s32 s3, s9;
	s6 =	sadd.s32 @!p0 $0x88, s6;
	s7 =	simm.s32 @p2 $0x1082  }
0x22: {  	[simem:s7], [sflag:s8] =	dma.local @!p0 [hbm:s6], $0xF7A  }
0x23: {  	s9 =	sor.u32 $0xD0000000, s2;
	s6 =	simm.s32 $0x108;
	_ =	swait.ge @!p0 [sflag:s8], $0x0  }
0x24: {  	s3 =	sadd.s32 $0x88, s3;
	s6 =	simm.s32 @!p1 $0x1082;
	[sflag:s4] =	ssyncset.s32 $0xFFFFF086  }
0x25: {  	[simem:s6], [sflag:s4] =	dma.local [hbm:s3], $0xF7A  }
0x26: {  	[smem:$0x3F8A] =	sst s1;
	(tag) =	ssettag s2;
	_ =	strace s9  }
0x27: {  	s1 =	sld [smem:$0x3F9A]  }
0x28: {  	s2 =	sld [smem:$0x3F9B]  }
0x29: {  	s4 =	sld [smem:$0x3F9D]  }
0x2a: {  	p0 =	seq.s32 s5, $0x0;
	s5 =	sld [smem:$0x3F9E]  }
0x2b: {  	s6 =	sld [smem:$0x3F9F]  }
0x2c: {  	s7 =	sld [smem:$0x3FA0]  }
0x2d: {  	s3 =	simm.s32 $0x108;
	s8 =	sld [smem:$0x3FA1]  }
0x2e: {  	s3 =	simm.s32 @!p0 $0x1082;
	s9 =	sld [smem:$0x3FA2]  }
0x2f: {  	lr =	sadd.s32 s0, s3;
	s0 =	sld [smem:$0x3F99]  }
0x30: {  	s3 =	sld [smem:$0x3F9C]  }
0x31: {  	[smem:$0x3FA5] =	sst s10  }
0x32: {  	s10 =	sld [smem:$0x3FA3];
	_ =	sdelay $0x3  }
0x33: {  	p0 =	seq.s32 s10, $0x1;
	s10 =	sld [smem:$0x3FA5];
	_ =	sdelay $0x3  }
0x34: {  	[smem:$0x3FA5] =	sst s10  }
0x35: {  	s10 =	sld [smem:$0x3FA4];
	_ =	sdelay $0x3  }
0x36: {  	p1 =	seq.s32 s10, $0x1;
	s10 =	sld [smem:$0x3FA5];
	_ =	sdelay $0x3  }
0x37: {  	[smem:$0x3FA5] =	sst s10  }
0x38: {  	s10 =	sld [smem:$0x3FA6]  }
0x39: {  	_ = 	snop;
	(pc) =	sbr.ind lr, $3  }
0x3a: {  	_ = 	snop  }
0x3b: {  	_ = 	snop  }
0x3c: {  	p2 =	seq.s32 s10, $0x1;
	s10 =	sld [smem:$0x3FA5]  }
0x3d: {  	_ =	shalt  }
0x3e: {  	_ =	shalt  }
0x3f: {  	_ =	shalt  }
0x40: {  	_ =	shalt  }
0x41: {  	_ =	shalt  }
0x42: {  	_ =	shalt  }
0x43: {  	_ =	shalt  }
0x44: {  	_ =	shalt  }
0x45: {  	_ =	shalt  }
0x46: {  	_ =	shalt  }
0x47: {  	_ =	shalt  }
0x48: {  	_ =	shalt  }
0x49: {  	_ =	shalt  }
0x4a: {  	_ =	shalt  }
0x4b: {  	_ =	shalt  }
0x4c: {  	_ =	shalt  }
0x4d: {  	_ =	shalt  }
0x4e: {  	_ =	shalt  }
0x4f: {  	_ =	shalt  }
0x50: {  	_ =	shalt  }
0x51: {  	_ =	shalt  }
0x52: {  	_ =	shalt  }
0x53: {  	_ =	shalt  }
0x54: {  	_ =	shalt  }
0x55: {  	_ =	shalt  }
0x56: {  	_ =	shalt  }
0x57: {  	_ =	shalt  }
0x58: {  	_ =	shalt  }
0x59: {  	_ =	shalt  }
0x5a: {  	_ =	shalt  }
0x5b: {  	_ =	shalt  }
0x5c: {  	_ =	shalt  }
0x5d: {  	_ =	shalt  }
0x5e: {  	_ =	shalt  }
0x5f: {  	_ =	shalt  }
0x60: {  	_ =	shalt  }
0x61: {  	_ =	shalt  }
0x62: {  	_ =	shalt  }
0x63: {  	_ =	shalt  }
0x64: {  	_ =	shalt  }
0x65: {  	_ =	shalt  }
0x66: {  	_ =	shalt  }
0x67: {  	_ =	shalt  }
0x68: {  	_ =	shalt  }
0x69: {  	_ =	shalt  }
0x6a: {  	_ =	shalt  }
0x6b: {  	_ =	shalt  }
0x6c: {  	_ =	shalt  }
0x6d: {  	_ =	shalt  }
0x6e: {  	_ =	shalt  }
0x6f: {  	_ =	shalt  }
0x70: {  	_ =	shalt  }
0x71: {  	_ =	shalt  }
0x72: {  	_ =	shalt  }
0x73: {  	_ =	shalt  }
0x74: {  	_ =	shalt  }
0x75: {  	_ =	shalt  }
0x76: {  	_ =	shalt  }
0x77: {  	_ =	shalt  }
0x78: {  	_ =	shalt  }
0x79: {  	_ =	shalt  }
0x7a: {  	_ =	shalt  }
0x7b: {  	_ =	shalt  }
0x7c: {  	_ =	shalt  }
0x7d: {  	_ =	shalt  }
0x7e: {  	_ =	shalt  }
0x7f: {  	_ =	shalt  }
0x80: {  	_ =	shalt  }
0x81: {  	_ =	shalt  }
0x82: {  	_ =	shalt  }
0x83: {  	_ =	shalt  }
0x84: {  	_ =	shalt  }
0x85: {  	_ =	shalt  }
0x86: {  	_ =	shalt  }
0x87: {  	_ =	shalt  }
.Lfunc_end0:
.L_simem_size_0:
called_computation.1_lowered:
.L_overlay_start_0:
0x88: {  	s2 =	sld [smem:$0x3FD9]  }
0x89: {  	s3 =	sld [smem:$0x3FFE];
	_ =	sdelay $0x1  }
0x8a: {  	s1 =	srdreg.scid  }
0x8b: {  	s0 =	sand.u32 $0x1, s1  }
0x8c: {  	s16 =	sshll.u32 s0, $0xA;
	s2 =	sadd.s32 s3, s2  }
0x8d: {  	s2 =	sadd.s32 s2, s16  }
0x8e: {  	[smem:$0x3FB1] =	sst s2  }
0x8f: {  	_ = 	snop  }
0x90: {  	(tm) =	ssettm $0x1  }
0x91: {  	s17 =	sld [smem:$0x3FFB];
	_ =	sdelay $0x3  }
0x92: {  	_ =	strace s17  }
0x93: {  	s2 =	sld [smem:$0x3FFC];
	_ =	sdelay $0x3  }
0x94: {  	_ =	strace s2  }
0x95: {  	s2 =	sld [smem:$0x3FFD];
	_ =	sdelay $0x3  }
0x96: {  	_ =	strace s2  }
0x97: {  	_ =	strace $0x8FFFFFFF  }
0x98: {  	s18 =	sld [smem:$0x3FDB];
	_ =	sdelay $0x1  }
0x99: {  	s19 =	simm.s32 $_scs_section_size  }
0x9a: {  	s4 =	simm.s32 $_size__tile_overlayer_lowered;
	s5 =	simm.s32 $_tile_overlayer_lowered  }
0x9b: {  	s22 =	simm.s32 $0x1BFF;
	s21 =	sshll.u32 s5, $0x1;
	s2 =	sadd.s32 s19, s18  }
0x9c: {  	s6 =	simm.s32 $0x0;
	s20 =	sshll.u32 s4, $0x1;
	s4 =	sadd.s32 s21, s2  }
0x9d: {  	[timem:s6], [sflag:s22] =	dma.local [hbm:s4], s20  }
0x9e: {  	_ =	swait.ge [sflag:s22], s20  }
0x9f: {  	s3 =	ssub.s32 $0x0, s20;
	[sflag:s22] =	ssyncset.done $0x0  }
0xa0: {  	[sflag:s22] =	ssyncadd.s32 s3;
	_ =	sdelay $0x1  }
0xa1: {  	s23 =	simm.s32 $0x1B8B  }
0xa2: {  	_ =	swait.ge [sflag:s23], $0x1  }
0xa3: {  	[sflag:s23] =	ssyncset.done $0x0  }
0xa4: {  	s25 =	simm.s32 $0x1B8E;
	s24 =	sld [smem:$0x3FFE];
	[sflag:s23] =	ssyncadd.s32 $0xFFFFFFFF  }
0xa5: {  	s26 =	simm.s32 $execute0_lowered;
	[smem:$0x3FD2] =	sst s25  }
0xa6: {  	s4 =	sshll.u32 s26, $0x1;
	_ =	strace $0x80000049;
	[dreg:$0x1] =	wrdreg $0xFFFFFFFF  }
0xa7: {  	s28 =	simm.s32 $_size_execute0_lowered;
	s2 =	sadd.s32 s2, s4;
	[dreg:$0x0] =	wrdreg $0x0  }
0xa8: {  	s4 =	sshll.u32 s28, $0x1;
	[dreg:$0x2] =	wrdreg s2  }
0xa9: {  	[dreg:$0x3] =	wrdreg s4  }
0xaa: {  	[dreg:$0x4] =	wrdreg $0xC0  }
0xab: {  	_ =	task [dreg:s6], $0x5FFFF  }
0xac: {  	[dreg:$0x1] =	wrdreg $0xFFFFFFFF  }
0xad: {  	[dreg:$0x0] =	wrdreg $0x60  }
0xae: {  	[dreg:$0x2] =	wrdreg s24  }
0xaf: {  	[dreg:$0x3] =	wrdreg $0x9C800  }
0xb0: {  	[dreg:$0x4] =	wrdreg $0x0  }
0xb1: {  	[dreg:$0x5] =	wrdreg $0x9  }
0xb2: {  	_ =	task.clear_ibuf [dreg:s6], $0x6FFFF;
	_ =	strace $0x90000049  }
0xb3: {  	s29 =	simm.s32 $0x9;
	_ =	strace $0x8000004B  }
0xb4: {  	_ =	swait.ge [sflag:s29], $0x1  }
0xb5: {  	[sflag:s29] =	ssyncadd.s32 $0xFFFFFFFF  }
0xb6: {  	_ =	strace $0x9000004B  }
0xb7: {  	_ =	sfence  }
0xb8: {  	s30 =	sld [smem:$0x0];
	_ =	sdelay $0x2  }
0xb9: {  	s31 =	sshll.u32 s1, $0xD;
	s1 =	sshrl.u32 s1, $0x2  }
0xba: {  	s3 =	sand.u32 $0x4000, s31;
	s1 =	sadd.s32 s1, s30  }
0xbb: {  	s0 =	sor.u32 s3, s0;
	s1 =	sshll.u32 s1, $0x11  }
0xbc: {  	s0 =	sor.u32 s1, s0  }
0xbd: {  	s0 =	sadd.s32 $0x8F2B, s0  }
0xbe: {  	[sflag:s0] =	ssyncadd.remote.s32 $0x1  }
0xbf: {  	_ =	sfence.sel $0xFFFF  }
0xc0: {  	[dreg:$0x0] =	wrdreg $0xFFFFFFFF;
	(pc) =	sbr.abs _section_cstart, $3  }
0xc1: {  	[dreg:$0x1] =	wrdreg $0xFFFFFFFF  }
0xc2: {  	_ =	task.clear_ibuf [dreg:s6], $0x2FFFF;
	_ =	strace $0x9FFFFFFF  }
0xc3: {  	(tm) =	ssettm $0x7FFFFFFF  }
tec
execute0_lowered:
.L_overlay_start_1:
0x0: {  	(tag) =	ssettag $0x1  }
0x1: {  	s0 =	rddreg [dreg:$0x0]  }
0x2: {  	s1 =	rddreg [dreg:$0x1]  }
0x3: {  	s2 =	rddreg [dreg:$0x2];
	s3 =	simm.s32 $0x0;
	s17 =	stileid.u32  }
0x4: {  	s20 =	srdreg.scid;
	s14 =	simm.s32 $0x5;
	s4 =	smul.u32 $0x1400, s17  }
0x5: {  	s28 =	simm.s32 $0x3;
	s29 =	simm.s32 $0x4;
	s10 =	smul.u32 $0x13C0, s17  }
0x6: {  	s30 =	simm.s32 $0x18740;
	s31 =	simm.s32 $0x18840;
	s12 =	smul.u32 $0x9E00, s17  }
0x7: {  	[smem:$0x7FF] =	sst s3;
	s3 =	sand.u32 $0x1, s20;
	s23 =	smul.u32 $0xA000, s17  }
0x8: {  	s8 =	sadd.s32 $0x51400, s0;
	s9 =	sadd.s32 $0x78600, s0;
	s25 =	smul.u32 $0x27800, s17  }
0x9: {  	s5 =	sadd.s32 $0x8C600, s0;
	s0 =	sadd.s32 $0x8DA00, s0;
	s6 =	smul.u32 $0x13880, s3  }
0xa: {  	s15 =	sadd.s32 $0x94200, s1;
	s16 =	sadd.s32 $0x94200, s2;
	s22 =	smul.u32 $0x9C400, s3  }
0xb: {  	p0 =	seq.s32 s17, $0xF;
	s20 =	simm.s32 $0x80;
	s24 =	smul.u32 $0x13900, s3  }
0xc: {  	_ =	strace $0x8000004A;
	s7 =	ssub.s32 $0x2, s3;
	s3 =	smul.u32 $0x9C800, s3  }
0xd: {  	s15 =	sshrl.u32 @p0 s15, $0x3;
	s16 =	sshrl.u32 @p0 s16, $0x3;
	s11 =	sshrl.u32 s7, $0x1  }
0xe: {  	s4 =	sadd.s32 s9, s4;
	s19 =	sadd.s32 s12, s2;
	s26 =	sshrl.u32 s25, $0x2  }
0xf: {  	s13 =	ssub.s32 s7, s11;
	s21 =	sadd.s32 s10, s6;
	[dreg:$0x4] =	wrdreg s4  }
0x10: {  	s4 =	sadd.s32 s12, s1;
	s11 =	sshrl.u32 s22, $0x3;
	s12 =	sshrl.u32 s23, $0x3  }
0x11: {  	s10 =	sadd.s32 s10, s24;
	s3 =	sshrl.u32 s3, $0x3;
	s19 =	sshrl.u32 @!p0 s19, $0x3  }
0x12: {  	s22 =	simm.s32 $0x139C0;
	s23 =	simm.s32 $0x1A8C0;
	s24 =	simm.s32 $0x1  }
0x13: {  	s7 =	sadd.s32 s8, s21;
	s8 =	sadd.s32 s8, s11;
	s9 =	sadd.s32 s9, s12  }
0x14: {  	s10 =	sadd.s32 s0, s10;
	s0 =	sadd.s32 s0, s3;
	s3 =	sadd.s32 s26, s2  }
0x15: {  	s12 =	smax.u32 s13, $0x1;
	s13 =	simm.s32 $0x138C0;
	s18 =	sshrl.u32 @!p0 s4, $0x3  }
0x16: {  	s21 =	simm.s32 $0x188C0;
	s26 =	simm.s32 $0x2;
	s8 =	sadd.s32 $0x12840, s8  }
0x17: {  	s9 =	sadd.s32 $0xA00, s9;
	s11 =	sadd.s32 $0x12840, s0;
	s0 =	sshll.u32 @!p0 s17, $0x6  }
0x18: {  	s25 =	sshrl.u32 @!p0 s3, $0x3;
	s17 =	sor.u32 @!p0 $0x1C05, s0;
	s0 =	simm.s32 $0x0  }
.LBB2_1:
0x19: {  	s3 =	simm.s32 $0x0;
	s4 =	rddreg [dreg:$0x4]  }
0x1a: {  	[tilespmem:s13], [sflag:$0x5] =	stream.linear.gather [hbm4b:s4+s3], $0x5000, $0x38;
	[tilespmem:$0x1C8C0] =	vst v63  }
0x1b: {  	_ =	swait.ge [sflag:s14], $0x5000  }
0x1c: {  	[sflag:s14] =	ssyncset.done $0x0  }
0x1d: {  	s3 =	simm.s32 @p0 $0x1FC5;
	s4 =	simm.s32 @p0 $0x5;
	[sflag:s14] =	ssyncadd.s32 $0xFFFFB000  }
0x1e: {  	[spmem:s15], [sflag:s3] =	dma.local @p0 [hbm:s8], $0x1040  }
0x1f: {  	_ =	swait.ge @p0 [sflag:s4], $0x1040  }
0x20: {  	[sflag:s4] =	ssyncset.done @p0 $0x0  }
0x21: {  	[sflag:s4] =	ssyncadd.s32 @p0 $0xFFFFEFC0  }
0x22: {  	[spmem:s16], [sflag:s3] =	dma.local @p0 [hbm:s5], $0x10C0  }
0x23: {  	_ =	swait.ge @p0 [sflag:s4], $0x10C0  }
0x24: {  	[sflag:s4] =	ssyncset.done @p0 $0x0  }
0x25: {  	s3 =	simm.s32 @!p0 $0x5;
	[sflag:s4] =	ssyncadd.s32 @p0 $0xFFFFEF40  }
0x26: {  	[spmem:s18], [sflag:s17] =	dma.local @!p0 [hbm:s7], $0x13C0  }
0x27: {  	_ =	swait.ge @!p0 [sflag:s3], $0x13C0  }
0x28: {  	[sflag:s3] =	ssyncset.done @!p0 $0x0  }
0x29: {  	[sflag:s3] =	ssyncadd.s32 @!p0 $0xFFFFEC40  }
0x2a: {  	[spmem:s19], [sflag:s17] =	dma.local @!p0 [hbm:s5], $0x13C0  }
0x2b: {  	_ =	swait.ge @!p0 [sflag:s3], $0x13C0  }
0x2c: {  	[sflag:s3] =	ssyncset.done @!p0 $0x0  }
0x2d: {  	[sflag:s3] =	ssyncadd.s32 @!p0 $0xFFFFEC40  }
0x2e: {  	[bflag:$0x0] =	sbarrier.arrive $0xFFFF  }
0x2f: {  	[tilespmem:s21], [sflag:$0x1] =	stream.indirect.gather [spmem:s1], $0x40, s13, s20, $0xb8;
	[tilespmem:$0x1C8C0] =	vst v63  }
0x30: {  	_ = 	snop  }
0x31: {  	[tilespmem:s23], [sflag:$0x2] =	stream.indirect.gather [spmem:s1], $0x40, s22, s20, $0xb8;
	[tilespmem:$0x1C8C0] =	vst v63  }
0x32: {  	_ =	swait.ge [sflag:s24], $0x2000  }
0x33: {  	[sflag:s24] =	ssyncset.done $0x0  }
0x34: {  	s6 =	simm.s32 $0x13940;
	[sflag:s24] =	ssyncadd.s32 $0xFFFFE000  }
0x35: {  	[spmem:s2] =	stream.indirect.scatter.add.f32 [tilespmem:s21], [sflag:$0x3], $0x40, s6, s20, $0xb8;
	[tilespmem:$0x1C8C0] =	vst v63  }
0x36: {  	_ =	swait.ge [sflag:s26], $0x2000  }
0x37: {  	[sflag:s26] =	ssyncset.done $0x0  }
0x38: {  	s4 =	simm.s32 $0x13A40;
	[sflag:s26] =	ssyncadd.s32 $0xFFFFE000  }
0x39: {  	[spmem:s2] =	stream.indirect.scatter.add.f32 [tilespmem:s23], [sflag:$0x4], $0x40, s4, s20, $0xb8;
	[tilespmem:$0x1C8C0] =	vst v63  }
0x3a: {  	_ =	swait.ge [sflag:s28], $0x2000  }
0x3b: {  	[sflag:s28] =	ssyncset.done $0x0  }
0x3c: {  	s6 =	simm.s32 $0x13AC0;
	[sflag:s28] =	ssyncadd.s32 $0xFFFFE000  }
0x3d: {  	[tilespmem:s21], [sflag:$0x1] =	stream.indirect.gather [spmem:s1], $0x40, s6, s20, $0xb8;
	[tilespmem:$0x1C8C0] =	vst v63  }
0x3e: {  	_ =	swait.ge [sflag:s29], $0x2000  }
0x3f: {  	[sflag:s29] =	ssyncset.done $0x0  }
0x40: {  	s3 =	simm.s32 $0xFFFED000;
	s4 =	simm.s32 $0x13BC0;
	[sflag:s29] =	ssyncadd.s32 $0xFFFFE000  }
.LBB2_2:
0x41: {  	[tilespmem:s23], [sflag:$0x2] =	stream.indirect.gather [spmem:s1], $0x40, s4, s20, $0xb8;
	[tilespmem:$0x1C8C0] =	vst v63  }
0x42: {  	s4 =	smov.u32 s3  }
0x43: {  	p1 =	sne.s32 s3, $0xFFFFF800;
	s3 =	sadd.s32 $0x800, s3;
	_ =	swait.ge [sflag:s24], $0x2000  }
0x44: {  	s4 =	sshra.s32 s4, $0x2;
	[sflag:s24] =	ssyncset.done $0x0  }
0x45: {  	s6 =	sadd.s32 $0x18740, s4;
	[sflag:s24] =	ssyncadd.s32 $0xFFFFE000  }
0x46: {  	[spmem:s2] =	stream.indirect.scatter.add.f32 [tilespmem:s21], [sflag:$0x3], $0x40, s6, s20, $0xb8;
	[tilespmem:$0x1C8C0] =	vst v63  }
0x47: {  	_ =	swait.ge [sflag:s26], $0x2000  }
0x48: {  	[sflag:s26] =	ssyncset.done $0x0  }
0x49: {  	s6 =	sadd.s32 $0x18840, s4;
	[sflag:s26] =	ssyncadd.s32 $0xFFFFE000  }
0x4a: {  	[spmem:s2] =	stream.indirect.scatter.add.f32 [tilespmem:s23], [sflag:$0x4], $0x40, s6, s20, $0xb8;
	[tilespmem:$0x1C8C0] =	vst v63  }
0x4b: {  	_ =	swait.ge [sflag:s28], $0x2000  }
0x4c: {  	[sflag:s28] =	ssyncset.done $0x0  }
.Ltmp0:
0x4d: {  	s6 =	sadd.s32 $0x188C0, s4;
	[sflag:s28] =	ssyncadd.s32 $0xFFFFE000;
	(pc) =	sbr.rel @p1 .LBB2_2-.Ltmp0, $4  }
0x4e: {  	[tilespmem:s21], [sflag:$0x1] =	stream.indirect.gather [spmem:s1], $0x40, s6, s20, $0xb8;
	[tilespmem:$0x1C8C0] =	vst v63  }
0x4f: {  	_ =	swait.ge [sflag:s29], $0x2000  }
0x50: {  	[sflag:s29] =	ssyncset.done $0x0  }
0x51: {  	s4 =	sadd.s32 $0x189C0, s4;
	[sflag:s29] =	ssyncadd.s32 $0xFFFFE000  }
0x52: {  	[tilespmem:s23], [sflag:$0x2] =	stream.indirect.gather [spmem:s1], $0x40, s4, s20, $0xb8;
	[tilespmem:$0x1C8C0] =	vst v63  }
0x53: {  	_ =	swait.ge [sflag:s24], $0x2000  }
0x54: {  	[sflag:s24] =	ssyncset.done $0x0  }
0x55: {  	[sflag:s24] =	ssyncadd.s32 $0xFFFFE000  }
0x56: {  	[spmem:s2] =	stream.indirect.scatter.add.f32 [tilespmem:s21], [sflag:$0x3], $0x40, s30, s20, $0xb8;
	[tilespmem:$0x1C8C0] =	vst v63  }
0x57: {  	_ =	swait.ge [sflag:s26], $0x2000  }
0x58: {  	[sflag:s26] =	ssyncset.done $0x0  }
0x59: {  	[sflag:s26] =	ssyncadd.s32 $0xFFFFE000  }
0x5a: {  	[spmem:s2] =	stream.indirect.scatter.add.f32 [tilespmem:s23], [sflag:$0x4], $0x40, s31, s20, $0xb8;
	[tilespmem:$0x1C8C0] =	vst v63  }
0x5b: {  	_ =	swait.ge [sflag:s28], $0x2000  }
0x5c: {  	[sflag:s28] =	ssyncset.done $0x0  }
0x5d: {  	[sflag:s28] =	ssyncadd.s32 $0xFFFFE000  }
0x5e: {  	_ =	swait.ge [sflag:s29], $0x2000  }
0x5f: {  	[sflag:s29] =	ssyncset.done $0x0  }
0x60: {  	s3 =	simm.s32 $0x0;
	[sflag:s29] =	ssyncadd.s32 $0xFFFFE000  }
0x61: {  	[tilespmem:s13], [sflag:$0x5] =	stream.linear.gather [hbm4b:s9+s3], $0x5000, $0x38;
	[tilespmem:$0x1C8C0] =	vst v63  }
0x62: {  	_ =	swait.ge [sflag:s14], $0x5000  }
0x63: {  	[sflag:s14] =	ssyncset.done $0x0  }
0x64: {  	[sflag:s14] =	ssyncadd.s32 $0xFFFFB000  }
0x65: {  	[tilespmem:s21], [sflag:$0x1] =	stream.indirect.gather [spmem:s1], $0x40, s13, s20, $0xb8;
	[tilespmem:$0x1C8C0] =	vst v63  }
0x66: {  	_ = 	snop  }
0x67: {  	[tilespmem:s23], [sflag:$0x2] =	stream.indirect.gather [spmem:s1], $0x40, s22, s20, $0xb8;
	[tilespmem:$0x1C8C0] =	vst v63  }
0x68: {  	_ =	swait.ge [sflag:s24], $0x2000  }
0x69: {  	[sflag:s24] =	ssyncset.done $0x0  }
0x6a: {  	s6 =	simm.s32 $0x13940;
	[sflag:s24] =	ssyncadd.s32 $0xFFFFE000  }
0x6b: {  	[spmem:s2] =	stream.indirect.scatter.add.f32 [tilespmem:s21], [sflag:$0x3], $0x40, s6, s20, $0xb8;
	[tilespmem:$0x1C8C0] =	vst v63  }
0x6c: {  	_ =	swait.ge [sflag:s26], $0x2000  }
0x6d: {  	[sflag:s26] =	ssyncset.done $0x0  }
0x6e: {  	s4 =	simm.s32 $0x13A40;
	[sflag:s26] =	ssyncadd.s32 $0xFFFFE000  }
0x6f: {  	[spmem:s2] =	stream.indirect.scatter.add.f32 [tilespmem:s23], [sflag:$0x4], $0x40, s4, s20, $0xb8;
	[tilespmem:$0x1C8C0] =	vst v63  }
0x70: {  	_ =	swait.ge [sflag:s28], $0x2000  }
0x71: {  	[sflag:s28] =	ssyncset.done $0x0  }
0x72: {  	s6 =	simm.s32 $0x13AC0;
	[sflag:s28] =	ssyncadd.s32 $0xFFFFE000  }
0x73: {  	[tilespmem:s21], [sflag:$0x1] =	stream.indirect.gather [spmem:s1], $0x40, s6, s20, $0xb8;
	[tilespmem:$0x1C8C0] =	vst v63  }
0x74: {  	_ =	swait.ge [sflag:s29], $0x2000  }
0x75: {  	[sflag:s29] =	ssyncset.done $0x0  }
0x76: {  	s3 =	simm.s32 $0xFFFED000;
	s4 =	simm.s32 $0x13BC0;
	[sflag:s29] =	ssyncadd.s32 $0xFFFFE000  }
.LBB2_4:
0x77: {  	[tilespmem:s23], [sflag:$0x2] =	stream.indirect.gather [spmem:s1], $0x40, s4, s20, $0xb8;
	[tilespmem:$0x1C8C0] =	vst v63  }
0x78: {  	s4 =	smov.u32 s3  }
0x79: {  	p1 =	sne.s32 s3, $0xFFFFF800;
	s3 =	sadd.s32 $0x800, s3;
	_ =	swait.ge [sflag:s24], $0x2000  }
0x7a: {  	s4 =	sshra.s32 s4, $0x2;
	[sflag:s24] =	ssyncset.done $0x0  }
0x7b: {  	s6 =	sadd.s32 $0x18740, s4;
	[sflag:s24] =	ssyncadd.s32 $0xFFFFE000  }
0x7c: {  	[spmem:s2] =	stream.indirect.scatter.add.f32 [tilespmem:s21], [sflag:$0x3], $0x40, s6, s20, $0xb8;
	[tilespmem:$0x1C8C0] =	vst v63  }
0x7d: {  	_ =	swait.ge [sflag:s26], $0x2000  }
0x7e: {  	[sflag:s26] =	ssyncset.done $0x0  }
0x7f: {  	s6 =	sadd.s32 $0x18840, s4;
	[sflag:s26] =	ssyncadd.s32 $0xFFFFE000  }
0x80: {  	[spmem:s2] =	stream.indirect.scatter.add.f32 [tilespmem:s23], [sflag:$0x4], $0x40, s6, s20, $0xb8;
	[tilespmem:$0x1C8C0] =	vst v63  }
0x81: {  	_ =	swait.ge [sflag:s28], $0x2000  }
0x82: {  	[sflag:s28] =	ssyncset.done $0x0  }
.Ltmp1:
0x83: {  	s6 =	sadd.s32 $0x188C0, s4;
	[sflag:s28] =	ssyncadd.s32 $0xFFFFE000;
	(pc) =	sbr.rel @p1 .LBB2_4-.Ltmp1, $4  }
0x84: {  	[tilespmem:s21], [sflag:$0x1] =	stream.indirect.gather [spmem:s1], $0x40, s6, s20, $0xb8;
	[tilespmem:$0x1C8C0] =	vst v63  }
0x85: {  	_ =	swait.ge [sflag:s29], $0x2000  }
0x86: {  	[sflag:s29] =	ssyncset.done $0x0  }
0x87: {  	s4 =	sadd.s32 $0x189C0, s4;
	[sflag:s29] =	ssyncadd.s32 $0xFFFFE000  }
0x88: {  	[tilespmem:s23], [sflag:$0x2] =	stream.indirect.gather [spmem:s1], $0x40, s4, s20, $0xb8;
	[tilespmem:$0x1C8C0] =	vst v63  }
0x89: {  	_ =	swait.ge [sflag:s24], $0x2000  }
0x8a: {  	[sflag:s24] =	ssyncset.done $0x0  }
0x8b: {  	[sflag:s24] =	ssyncadd.s32 $0xFFFFE000  }
0x8c: {  	[spmem:s2] =	stream.indirect.scatter.add.f32 [tilespmem:s21], [sflag:$0x3], $0x40, s30, s20, $0xb8;
	[tilespmem:$0x1C8C0] =	vst v63  }
0x8d: {  	_ =	swait.ge [sflag:s26], $0x2000  }
0x8e: {  	[sflag:s26] =	ssyncset.done $0x0  }
0x8f: {  	[sflag:s26] =	ssyncadd.s32 $0xFFFFE000  }
0x90: {  	[spmem:s2] =	stream.indirect.scatter.add.f32 [tilespmem:s23], [sflag:$0x4], $0x40, s31, s20, $0xb8;
	[tilespmem:$0x1C8C0] =	vst v63  }
0x91: {  	_ =	swait.ge [sflag:s28], $0x2000  }
0x92: {  	[sflag:s28] =	ssyncset.done $0x0  }
0x93: {  	[sflag:s28] =	ssyncadd.s32 $0xFFFFE000  }
0x94: {  	_ =	swait.ge [sflag:s29], $0x2000  }
0x95: {  	[sflag:s29] =	ssyncset.done $0x0  }
0x96: {  	[sflag:s29] =	ssyncadd.s32 $0xFFFFE000  }
0x97: {  	s3 =	simm.s32 @p0 $0x1FC5;
	[bflag:$0x0] =	sbarrier.arrive $0xFFFF  }
0x98: {  	[hbm:s11], [sflag:s3] =	dma.local @p0 [spmem:s16], $0x10C0  }
0x99: {  	s3 =	simm.s32 @p0 $0x5  }
0x9a: {  	s0 =	sadd.s32 $0x1, s0;
	_ =	swait.ge @p0 [sflag:s3], $0x10C0  }
0x9b: {  	p1 =	sne.s32 s0, s12;
	[sflag:s3] =	ssyncset.done @p0 $0x0  }
.Ltmp2:
0x9c: {  	[sflag:s3] =	ssyncadd.s32 @p0 $0xFFFFEF40;
	s3 =	simm.s32 @!p0 $0x5;
	(pc) =	sbr.rel @p1 .LBB2_1-.Ltmp2, $4  }
0x9d: {  	[hbm:s10], [sflag:s17] =	dma.local @!p0 [spmem:s25], $0x13C0  }
0x9e: {  	_ =	swait.ge @!p0 [sflag:s3], $0x13C0  }
0x9f: {  	[sflag:s3] =	ssyncset.done @!p0 $0x0  }
0xa0: {  	[sflag:s3] =	ssyncadd.s32 @!p0 $0xFFFFEC40  }
0xa1: {  	_ =	sfence.sel $0x180000  }
0xa2: {  	[bflag:$0x0] =	sbarrier.arrive $0xFFFF  }
0xa3: {  	_ =	strace $0x9000004A  }
0xa4: {  	s0 =	stileid.u32;
	[bflag:$0x2] =	sbarrier.arrive $0xFFFF  }
0xa5: {  	p0 =	sne.s32 s0, $0x0;
	s0 =	rddreg [dreg:$0x3]  }
0xa6: {  	s0 =	sadd.s32 @!p0 $0x100000, s0  }
0xa7: {  	[sflag:s0] =	ssyncadd.tile.s32 @!p0 $0x1;
	_ =	shalt  }
.Lfunc_end2:
_tile_overlayer_lowered:
.L_overlay_start_2:
0xa8: {  	(tag) =	ssettag $0x2  }
0xa9: {  	s0 =	rddreg [dreg:$0x0];
	s2 =	stileid.u32  }
0xaa: {  	s1 =	rddreg [dreg:$0x1];
	p0 =	sne.s32 s2, $0x0  }
0xab: {  	s3 =	rddreg [dreg:$0x2];
	[bflag:$0x3] =	sbarrier.arrive $0xFFFF;
	s2 =	simm.s32 @!p0 $0x1C05  }
0xac: {  	[timem:s3], [sflag:s2] =	dma.local @!p0 [hbm:s0], s1  }
0xad: {  	s0 =	simm.s32 @!p0 $0x5  }
0xae: {  	_ =	swait.ge @!p0 [sflag:s0], s1  }
0xaf: {  	s1 =	ssub.s32 @!p0 $0x0, s1;
	[sflag:s0] =	ssyncset.done @!p0 $0x0  }
0xb0: {  	[sflag:s0] =	ssyncadd.s32 @!p0 s1  }
0xb1: {  	[bflag:$0x3] =	sbarrier.arrive $0xFFFF  }
0xb2: {  	_ =	shalt  }

// kernel: kernel.15.cloned.1.call-start
scs
__scs_entry_jumppad:
0x0: {  	(pc) =	sbr.rel $0x88, $3  }
0x1: {  	(tag) =	ssettag $0x0;
	lr =	simm.s32 $0x1  }
0x2: {  	[smem:$0x3F8A] =	sst lr;
	_ =	strace $0xD0000000  }
0x3: {  	_ = 	snop  }
0x4: {  	_ = 	snop  }
0x5: {  	_ = 	snop  }
0x6: {  	_ = 	snop  }
0x7: {  	_ = 	snop  }
__scs_overlays_trampoline_lowered:
0x8: {  	[smem:$0x3F99] =	sst s0  }
0x9: {  	[smem:$0x3F9A] =	sst s1  }
0xa: {  	[smem:$0x3F9B] =	sst s2  }
0xb: {  	[smem:$0x3F9C] =	sst s3  }
0xc: {  	[smem:$0x3F9D] =	sst s4  }
0xd: {  	[smem:$0x3F9E] =	sst s5  }
0xe: {  	[smem:$0x3F9F] =	sst s6  }
0xf: {  	[smem:$0x3FA0] =	sst s7  }
0x10: {  	[smem:$0x3FA1] =	sst s8  }
0x11: {  	[smem:$0x3FA2] =	sst s9;
	s0 =	simm.s32 @!p0 $0x0  }
0x12: {  	s1 =	sld [smem:$0x3F88];
	s0 =	simm.s32 @p0 $0x1  }
0x13: {  	[smem:$0x3FA3] =	sst s0;
	s0 =	simm.s32 @!p1 $0x0  }
0x14: {  	s2 =	sld [smem:$0x3F87];
	s0 =	simm.s32 @p1 $0x1  }
0x15: {  	[smem:$0x3FA4] =	sst s0;
	s0 =	simm.s32 @!p2 $0x0  }
0x16: {  	s3 =	sld [smem:$0x3FDB];
	s0 =	simm.s32 @p2 $0x1  }
0x17: {  	s4 =	simm.s32 $0x1BF5;
	[smem:$0x3FA6] =	sst s0  }
0x18: {  	s0 =	sld [smem:$0x3F89];
	_ =	swait.ge [sflag:s4], $0x0  }
0x19: {  	s7 =	sld [smem:$0x3F8A]  }
0x1a: {  	s8 =	sadd.s32 $0xFFFFE003, lr  }
0x1b: {  	s9 =	sadd.s32 $0xFFFFFEF7, lr;
	s5 =	simm.s32 $0xFFFFFFFF;
	p2 =	slt.u32 s8, $0xFFFFF086  }
0x1c: {  	p1 =	slt.u32 s9, $0xF7A;
	s5 =	simm.s32 @!p2 $0x0  }
0x1d: {  	s5 =	simm.s32 @p1 $0x1;
	p0 =	seq.s32 s7, s2  }
0x1e: {  	s7 =	smul.u32 @!p0 $0xF7A, s2;
	p2 =	seq.s32 @!p0 s5, $0x0  }
0x1f: {  	s9 =	smul.u32 $0xF7A, s1;
	s8 =	simm.s32 @!p0 $0x1BF5;
	p2 =	por !p2, p0  }
0x20: {  	[sflag:s8] =	ssyncset.s32 @!p0 $0xFFFFF086;
	s6 =	sadd.s32 @!p0 s3, s7;
	s7 =	simm.s32 @!p0 $0x108  }
0x21: {  	s3 =	sadd.s32 s3, s9;
	s6 =	sadd.s32 @!p0 $0x88, s6;
	s7 =	simm.s32 @p2 $0x1082  }
0x22: {  	[simem:s7], [sflag:s8] =	dma.local @!p0 [hbm:s6], $0xF7A  }
0x23: {  	s9 =	sor.u32 $0xD0000000, s2;
	s6 =	simm.s32 $0x108;
	_ =	swait.ge @!p0 [sflag:s8], $0x0  }
0x24: {  	s3 =	sadd.s32 $0x88, s3;
	s6 =	simm.s32 @!p1 $0x1082;
	[sflag:s4] =	ssyncset.s32 $0xFFFFF086  }
0x25: {  	[simem:s6], [sflag:s4] =	dma.local [hbm:s3], $0xF7A  }
0x26: {  	[smem:$0x3F8A] =	sst s1;
	(tag) =	ssettag s2;
	_ =	strace s9  }
0x27: {  	s1 =	sld [smem:$0x3F9A]  }
0x28: {  	s2 =	sld [smem:$0x3F9B]  }
0x29: {  	s4 =	sld [smem:$0x3F9D]  }
0x2a: {  	p0 =	seq.s32 s5, $0x0;
	s5 =	sld [smem:$0x3F9E]  }
0x2b: {  	s6 =	sld [smem:$0x3F9F]  }
0x2c: {  	s7 =	sld [smem:$0x3FA0]  }
0x2d: {  	s3 =	simm.s32 $0x108;
	s8 =	sld [smem:$0x3FA1]  }
0x2e: {  	s3 =	simm.s32 @!p0 $0x1082;
	s9 =	sld [smem:$0x3FA2]  }
0x2f: {  	lr =	sadd.s32 s0, s3;
	s0 =	sld [smem:$0x3F99]  }
0x30: {  	s3 =	sld [smem:$0x3F9C]  }
0x31: {  	[smem:$0x3FA5] =	sst s10  }
0x32: {  	s10 =	sld [smem:$0x3FA3];
	_ =	sdelay $0x3  }
0x33: {  	p0 =	seq.s32 s10, $0x1;
	s10 =	sld [smem:$0x3FA5];
	_ =	sdelay $0x3  }
0x34: {  	[smem:$0x3FA5] =	sst s10  }
0x35: {  	s10 =	sld [smem:$0x3FA4];
	_ =	sdelay $0x3  }
0x36: {  	p1 =	seq.s32 s10, $0x1;
	s10 =	sld [smem:$0x3FA5];
	_ =	sdelay $0x3  }
0x37: {  	[smem:$0x3FA5] =	sst s10  }
0x38: {  	s10 =	sld [smem:$0x3FA6]  }
0x39: {  	_ = 	snop;
	(pc) =	sbr.ind lr, $3  }
0x3a: {  	_ = 	snop  }
0x3b: {  	_ = 	snop  }
0x3c: {  	p2 =	seq.s32 s10, $0x1;
	s10 =	sld [smem:$0x3FA5]  }
0x3d: {  	_ =	shalt  }
0x3e: {  	_ =	shalt  }
0x3f: {  	_ =	shalt  }
0x40: {  	_ =	shalt  }
0x41: {  	_ =	shalt  }
0x42: {  	_ =	shalt  }
0x43: {  	_ =	shalt  }
0x44: {  	_ =	shalt  }
0x45: {  	_ =	shalt  }
0x46: {  	_ =	shalt  }
0x47: {  	_ =	shalt  }
0x48: {  	_ =	shalt  }
0x49: {  	_ =	shalt  }
0x4a: {  	_ =	shalt  }
0x4b: {  	_ =	shalt  }
0x4c: {  	_ =	shalt  }
0x4d: {  	_ =	shalt  }
0x4e: {  	_ =	shalt  }
0x4f: {  	_ =	shalt  }
0x50: {  	_ =	shalt  }
0x51: {  	_ =	shalt  }
0x52: {  	_ =	shalt  }
0x53: {  	_ =	shalt  }
0x54: {  	_ =	shalt  }
0x55: {  	_ =	shalt  }
0x56: {  	_ =	shalt  }
0x57: {  	_ =	shalt  }
0x58: {  	_ =	shalt  }
0x59: {  	_ =	shalt  }
0x5a: {  	_ =	shalt  }
0x5b: {  	_ =	shalt  }
0x5c: {  	_ =	shalt  }
0x5d: {  	_ =	shalt  }
0x5e: {  	_ =	shalt  }
0x5f: {  	_ =	shalt  }
0x60: {  	_ =	shalt  }
0x61: {  	_ =	shalt  }
0x62: {  	_ =	shalt  }
0x63: {  	_ =	shalt  }
0x64: {  	_ =	shalt  }
0x65: {  	_ =	shalt  }
0x66: {  	_ =	shalt  }
0x67: {  	_ =	shalt  }
0x68: {  	_ =	shalt  }
0x69: {  	_ =	shalt  }
0x6a: {  	_ =	shalt  }
0x6b: {  	_ =	shalt  }
0x6c: {  	_ =	shalt  }
0x6d: {  	_ =	shalt  }
0x6e: {  	_ =	shalt  }
0x6f: {  	_ =	shalt  }
0x70: {  	_ =	shalt  }
0x71: {  	_ =	shalt  }
0x72: {  	_ =	shalt  }
0x73: {  	_ =	shalt  }
0x74: {  	_ =	shalt  }
0x75: {  	_ =	shalt  }
0x76: {  	_ =	shalt  }
0x77: {  	_ =	shalt  }
0x78: {  	_ =	shalt  }
0x79: {  	_ =	shalt  }
0x7a: {  	_ =	shalt  }
0x7b: {  	_ =	shalt  }
0x7c: {  	_ =	shalt  }
0x7d: {  	_ =	shalt  }
0x7e: {  	_ =	shalt  }
0x7f: {  	_ =	shalt  }
0x80: {  	_ =	shalt  }
0x81: {  	_ =	shalt  }
0x82: {  	_ =	shalt  }
0x83: {  	_ =	shalt  }
0x84: {  	_ =	shalt  }
0x85: {  	_ =	shalt  }
0x86: {  	_ =	shalt  }
0x87: {  	_ =	shalt  }
.Lfunc_end0:
.L_simem_size_0:
called_computation.2_lowered:
.L_overlay_start_0:
0x88: {  	s2 =	sld [smem:$0x3FD9]  }
0x89: {  	s3 =	sld [smem:$0x3FFE];
	_ =	sdelay $0x1  }
0x8a: {  	s1 =	srdreg.scid  }
0x8b: {  	s0 =	sand.u32 $0x1, s1  }
0x8c: {  	s16 =	sshll.u32 s0, $0xA;
	s2 =	sadd.s32 s3, s2  }
0x8d: {  	s2 =	sadd.s32 s2, s16  }
0x8e: {  	[smem:$0x3FB1] =	sst s2  }
0x8f: {  	_ = 	snop  }
0x90: {  	(tm) =	ssettm $0x1  }
0x91: {  	s17 =	sld [smem:$0x3FFB];
	_ =	sdelay $0x3  }
0x92: {  	_ =	strace s17  }
0x93: {  	s2 =	sld [smem:$0x3FFC];
	_ =	sdelay $0x3  }
0x94: {  	_ =	strace s2  }
0x95: {  	s2 =	sld [smem:$0x3FFD];
	_ =	sdelay $0x3  }
0x96: {  	_ =	strace s2  }
0x97: {  	_ =	strace $0x8FFFFFFF  }
0x98: {  	s18 =	sld [smem:$0x3FDB];
	_ =	sdelay $0x1  }
0x99: {  	s19 =	simm.s32 $_scs_section_size  }
0x9a: {  	s4 =	simm.s32 $_size__tile_overlayer_lowered;
	s5 =	simm.s32 $_tile_overlayer_lowered  }
0x9b: {  	s22 =	simm.s32 $0x1BFF;
	s21 =	sshll.u32 s5, $0x1;
	s2 =	sadd.s32 s19, s18  }
0x9c: {  	s6 =	simm.s32 $0x0;
	s20 =	sshll.u32 s4, $0x1;
	s4 =	sadd.s32 s21, s2  }
0x9d: {  	[timem:s6], [sflag:s22] =	dma.local [hbm:s4], s20  }
0x9e: {  	_ =	swait.ge [sflag:s22], s20  }
0x9f: {  	s3 =	ssub.s32 $0x0, s20;
	[sflag:s22] =	ssyncset.done $0x0  }
0xa0: {  	[sflag:s22] =	ssyncadd.s32 s3;
	_ =	sdelay $0x1  }
0xa1: {  	s23 =	simm.s32 $0x1B8B  }
0xa2: {  	_ =	swait.ge [sflag:s23], $0x1  }
0xa3: {  	[sflag:s23] =	ssyncset.done $0x0  }
0xa4: {  	s25 =	simm.s32 $0x1B8E;
	s24 =	sld [smem:$0x3FFE];
	[sflag:s23] =	ssyncadd.s32 $0xFFFFFFFF  }
0xa5: {  	s26 =	simm.s32 $execute0_lowered;
	[smem:$0x3FD2] =	sst s25  }
0xa6: {  	s4 =	sshll.u32 s26, $0x1;
	_ =	strace $0x8000004C;
	[dreg:$0x1] =	wrdreg $0xFFFFFFFF  }
0xa7: {  	s28 =	simm.s32 $_size_execute0_lowered;
	s2 =	sadd.s32 s2, s4;
	[dreg:$0x0] =	wrdreg $0x0  }
0xa8: {  	s4 =	sshll.u32 s28, $0x1;
	[dreg:$0x2] =	wrdreg s2  }
0xa9: {  	[dreg:$0x3] =	wrdreg s4  }
0xaa: {  	[dreg:$0x4] =	wrdreg $0xC0  }
0xab: {  	_ =	task [dreg:s6], $0x5FFFF  }
0xac: {  	[dreg:$0x1] =	wrdreg $0xFFFFFFFF  }
0xad: {  	[dreg:$0x0] =	wrdreg $0x60  }
0xae: {  	[dreg:$0x2] =	wrdreg s24  }
0xaf: {  	[dreg:$0x3] =	wrdreg $0x9C800  }
0xb0: {  	[dreg:$0x4] =	wrdreg $0x0  }
0xb1: {  	[dreg:$0x5] =	wrdreg $0x9  }
0xb2: {  	_ =	task.clear_ibuf [dreg:s6], $0x6FFFF;
	_ =	strace $0x9000004C  }
0xb3: {  	s29 =	simm.s32 $0x9;
	_ =	strace $0x8000004E  }
0xb4: {  	_ =	swait.ge [sflag:s29], $0x1  }
0xb5: {  	[sflag:s29] =	ssyncadd.s32 $0xFFFFFFFF  }
0xb6: {  	_ =	strace $0x9000004E  }
0xb7: {  	_ =	sfence  }
0xb8: {  	s30 =	sld [smem:$0x0];
	_ =	sdelay $0x2  }
0xb9: {  	s31 =	sshll.u32 s1, $0xD;
	s1 =	sshrl.u32 s1, $0x2  }
0xba: {  	s3 =	sand.u32 $0x4000, s31;
	s1 =	sadd.s32 s1, s30  }
0xbb: {  	s0 =	sor.u32 s3, s0;
	s1 =	sshll.u32 s1, $0x11  }
0xbc: {  	s0 =	sor.u32 s1, s0  }
0xbd: {  	s0 =	sadd.s32 $0x8F2B, s0  }
0xbe: {  	[sflag:s0] =	ssyncadd.remote.s32 $0x1  }
0xbf: {  	_ =	sfence.sel $0xFFFF  }
0xc0: {  	[dreg:$0x0] =	wrdreg $0xFFFFFFFF;
	(pc) =	sbr.abs _section_cstart, $3  }
0xc1: {  	[dreg:$0x1] =	wrdreg $0xFFFFFFFF  }
0xc2: {  	_ =	task.clear_ibuf [dreg:s6], $0x2FFFF;
	_ =	strace $0x9FFFFFFF  }
0xc3: {  	(tm) =	ssettm $0x7FFFFFFF  }
tec
execute0_lowered:
.L_overlay_start_1:
0x0: {  	(tag) =	ssettag $0x1  }
0x1: {  	s0 =	rddreg [dreg:$0x0]  }
0x2: {  	s1 =	rddreg [dreg:$0x1]  }
0x3: {  	s2 =	rddreg [dreg:$0x2];
	s3 =	simm.s32 $0x0;
	s17 =	stileid.u32  }
0x4: {  	s20 =	srdreg.scid;
	s14 =	simm.s32 $0x5;
	s4 =	smul.u32 $0x1400, s17  }
0x5: {  	s28 =	simm.s32 $0x3;
	s29 =	simm.s32 $0x4;
	s10 =	smul.u32 $0x13C0, s17  }
0x6: {  	s30 =	simm.s32 $0x18740;
	s31 =	simm.s32 $0x18840;
	s12 =	smul.u32 $0x9E00, s17  }
0x7: {  	[smem:$0x7FF] =	sst s3;
	s3 =	sand.u32 $0x1, s20;
	s23 =	smul.u32 $0xA000, s17  }
0x8: {  	s8 =	sadd.s32 $0x51400, s0;
	s9 =	sadd.s32 $0x78600, s0;
	s25 =	smul.u32 $0x27800, s17  }
0x9: {  	s5 =	sadd.s32 $0x8C600, s0;
	s0 =	sadd.s32 $0xDBC00, s0;
	s6 =	smul.u32 $0x13880, s3  }
0xa: {  	s15 =	sadd.s32 $0x94200, s1;
	s16 =	sadd.s32 $0x94200, s2;
	s22 =	smul.u32 $0x9C400, s3  }
0xb: {  	p0 =	seq.s32 s17, $0xF;
	s20 =	simm.s32 $0x80;
	s24 =	smul.u32 $0x13900, s3  }
0xc: {  	_ =	strace $0x8000004D;
	s7 =	ssub.s32 $0x2, s3;
	s3 =	smul.u32 $0x9C800, s3  }
0xd: {  	s15 =	sshrl.u32 @p0 s15, $0x3;
	s16 =	sshrl.u32 @p0 s16, $0x3;
	s11 =	sshrl.u32 s7, $0x1  }
0xe: {  	s4 =	sadd.s32 s9, s4;
	s19 =	sadd.s32 s12, s2;
	s26 =	sshrl.u32 s25, $0x2  }
0xf: {  	s13 =	ssub.s32 s7, s11;
	s21 =	sadd.s32 s10, s6;
	[dreg:$0x4] =	wrdreg s4  }
0x10: {  	s4 =	sadd.s32 s12, s1;
	s11 =	sshrl.u32 s22, $0x3;
	s12 =	sshrl.u32 s23, $0x3  }
0x11: {  	s10 =	sadd.s32 s10, s24;
	s3 =	sshrl.u32 s3, $0x3;
	s19 =	sshrl.u32 @!p0 s19, $0x3  }
0x12: {  	s22 =	simm.s32 $0x139C0;
	s23 =	simm.s32 $0x1A8C0;
	s24 =	simm.s32 $0x1  }
0x13: {  	s7 =	sadd.s32 s8, s21;
	s8 =	sadd.s32 s8, s11;
	s9 =	sadd.s32 s9, s12  }
0x14: {  	s10 =	sadd.s32 s0, s10;
	s0 =	sadd.s32 s0, s3;
	s3 =	sadd.s32 s26, s2  }
0x15: {  	s12 =	smax.u32 s13, $0x1;
	s13 =	simm.s32 $0x138C0;
	s18 =	sshrl.u32 @!p0 s4, $0x3  }
0x16: {  	s21 =	simm.s32 $0x188C0;
	s26 =	simm.s32 $0x2;
	s8 =	sadd.s32 $0x12840, s8  }
0x17: {  	s9 =	sadd.s32 $0xA00, s9;
	s11 =	sadd.s32 $0x12840, s0;
	s0 =	sshll.u32 @!p0 s17, $0x6  }
0x18: {  	s25 =	sshrl.u32 @!p0 s3, $0x3;
	s17 =	sor.u32 @!p0 $0x1C05, s0;
	s0 =	simm.s32 $0x0  }
.LBB2_1:
0x19: {  	s3 =	simm.s32 $0x0;
	s4 =	rddreg [dreg:$0x4]  }
0x1a: {  	[tilespmem:s13], [sflag:$0x5] =	stream.linear.gather [hbm4b:s4+s3], $0x5000, $0x38;
	[tilespmem:$0x1C8C0] =	vst v63  }
0x1b: {  	_ =	swait.ge [sflag:s14], $0x5000  }
0x1c: {  	[sflag:s14] =	ssyncset.done $0x0  }
0x1d: {  	s3 =	simm.s32 @p0 $0x1FC5;
	s4 =	simm.s32 @p0 $0x5;
	[sflag:s14] =	ssyncadd.s32 $0xFFFFB000  }
0x1e: {  	[spmem:s15], [sflag:s3] =	dma.local @p0 [hbm:s8], $0x1040  }
0x1f: {  	_ =	swait.ge @p0 [sflag:s4], $0x1040  }
0x20: {  	[sflag:s4] =	ssyncset.done @p0 $0x0  }
0x21: {  	[sflag:s4] =	ssyncadd.s32 @p0 $0xFFFFEFC0  }
0x22: {  	[spmem:s16], [sflag:s3] =	dma.local @p0 [hbm:s5], $0x10C0  }
0x23: {  	_ =	swait.ge @p0 [sflag:s4], $0x10C0  }
0x24: {  	[sflag:s4] =	ssyncset.done @p0 $0x0  }
0x25: {  	s3 =	simm.s32 @!p0 $0x5;
	[sflag:s4] =	ssyncadd.s32 @p0 $0xFFFFEF40  }
0x26: {  	[spmem:s18], [sflag:s17] =	dma.local @!p0 [hbm:s7], $0x13C0  }
0x27: {  	_ =	swait.ge @!p0 [sflag:s3], $0x13C0  }
0x28: {  	[sflag:s3] =	ssyncset.done @!p0 $0x0  }
0x29: {  	[sflag:s3] =	ssyncadd.s32 @!p0 $0xFFFFEC40  }
0x2a: {  	[spmem:s19], [sflag:s17] =	dma.local @!p0 [hbm:s5], $0x13C0  }
0x2b: {  	_ =	swait.ge @!p0 [sflag:s3], $0x13C0  }
0x2c: {  	[sflag:s3] =	ssyncset.done @!p0 $0x0  }
0x2d: {  	[sflag:s3] =	ssyncadd.s32 @!p0 $0xFFFFEC40  }
0x2e: {  	[bflag:$0x0] =	sbarrier.arrive $0xFFFF  }
0x2f: {  	[tilespmem:s21], [sflag:$0x1] =	stream.indirect.gather [spmem:s1], $0x40, s13, s20, $0xb8;
	[tilespmem:$0x1C8C0] =	vst v63  }
0x30: {  	_ = 	snop  }
0x31: {  	[tilespmem:s23], [sflag:$0x2] =	stream.indirect.gather [spmem:s1], $0x40, s22, s20, $0xb8;
	[tilespmem:$0x1C8C0] =	vst v63  }
0x32: {  	_ =	swait.ge [sflag:s24], $0x2000  }
0x33: {  	[sflag:s24] =	ssyncset.done $0x0  }
0x34: {  	s6 =	simm.s32 $0x13940;
	[sflag:s24] =	ssyncadd.s32 $0xFFFFE000  }
0x35: {  	[spmem:s2] =	stream.indirect.scatter.add.f32 [tilespmem:s21], [sflag:$0x3], $0x40, s6, s20, $0xb8;
	[tilespmem:$0x1C8C0] =	vst v63  }
0x36: {  	_ =	swait.ge [sflag:s26], $0x2000  }
0x37: {  	[sflag:s26] =	ssyncset.done $0x0  }
0x38: {  	s4 =	simm.s32 $0x13A40;
	[sflag:s26] =	ssyncadd.s32 $0xFFFFE000  }
0x39: {  	[spmem:s2] =	stream.indirect.scatter.add.f32 [tilespmem:s23], [sflag:$0x4], $0x40, s4, s20, $0xb8;
	[tilespmem:$0x1C8C0] =	vst v63  }
0x3a: {  	_ =	swait.ge [sflag:s28], $0x2000  }
0x3b: {  	[sflag:s28] =	ssyncset.done $0x0  }
0x3c: {  	s6 =	simm.s32 $0x13AC0;
	[sflag:s28] =	ssyncadd.s32 $0xFFFFE000  }
0x3d: {  	[tilespmem:s21], [sflag:$0x1] =	stream.indirect.gather [spmem:s1], $0x40, s6, s20, $0xb8;
	[tilespmem:$0x1C8C0] =	vst v63  }
0x3e: {  	_ =	swait.ge [sflag:s29], $0x2000  }
0x3f: {  	[sflag:s29] =	ssyncset.done $0x0  }
0x40: {  	s3 =	simm.s32 $0xFFFED000;
	s4 =	simm.s32 $0x13BC0;
	[sflag:s29] =	ssyncadd.s32 $0xFFFFE000  }
.LBB2_2:
0x41: {  	[tilespmem:s23], [sflag:$0x2] =	stream.indirect.gather [spmem:s1], $0x40, s4, s20, $0xb8;
	[tilespmem:$0x1C8C0] =	vst v63  }
0x42: {  	s4 =	smov.u32 s3  }
0x43: {  	p1 =	sne.s32 s3, $0xFFFFF800;
	s3 =	sadd.s32 $0x800, s3;
	_ =	swait.ge [sflag:s24], $0x2000  }
0x44: {  	s4 =	sshra.s32 s4, $0x2;
	[sflag:s24] =	ssyncset.done $0x0  }
0x45: {  	s6 =	sadd.s32 $0x18740, s4;
	[sflag:s24] =	ssyncadd.s32 $0xFFFFE000  }
0x46: {  	[spmem:s2] =	stream.indirect.scatter.add.f32 [tilespmem:s21], [sflag:$0x3], $0x40, s6, s20, $0xb8;
	[tilespmem:$0x1C8C0] =	vst v63  }
0x47: {  	_ =	swait.ge [sflag:s26], $0x2000  }
0x48: {  	[sflag:s26] =	ssyncset.done $0x0  }
0x49: {  	s6 =	sadd.s32 $0x18840, s4;
	[sflag:s26] =	ssyncadd.s32 $0xFFFFE000  }
0x4a: {  	[spmem:s2] =	stream.indirect.scatter.add.f32 [tilespmem:s23], [sflag:$0x4], $0x40, s6, s20, $0xb8;
	[tilespmem:$0x1C8C0] =	vst v63  }
0x4b: {  	_ =	swait.ge [sflag:s28], $0x2000  }
0x4c: {  	[sflag:s28] =	ssyncset.done $0x0  }
.Ltmp0:
0x4d: {  	s6 =	sadd.s32 $0x188C0, s4;
	[sflag:s28] =	ssyncadd.s32 $0xFFFFE000;
	(pc) =	sbr.rel @p1 .LBB2_2-.Ltmp0, $4  }
0x4e: {  	[tilespmem:s21], [sflag:$0x1] =	stream.indirect.gather [spmem:s1], $0x40, s6, s20, $0xb8;
	[tilespmem:$0x1C8C0] =	vst v63  }
0x4f: {  	_ =	swait.ge [sflag:s29], $0x2000  }
0x50: {  	[sflag:s29] =	ssyncset.done $0x0  }
0x51: {  	s4 =	sadd.s32 $0x189C0, s4;
	[sflag:s29] =	ssyncadd.s32 $0xFFFFE000  }
0x52: {  	[tilespmem:s23], [sflag:$0x2] =	stream.indirect.gather [spmem:s1], $0x40, s4, s20, $0xb8;
	[tilespmem:$0x1C8C0] =	vst v63  }
0x53: {  	_ =	swait.ge [sflag:s24], $0x2000  }
0x54: {  	[sflag:s24] =	ssyncset.done $0x0  }
0x55: {  	[sflag:s24] =	ssyncadd.s32 $0xFFFFE000  }
0x56: {  	[spmem:s2] =	stream.indirect.scatter.add.f32 [tilespmem:s21], [sflag:$0x3], $0x40, s30, s20, $0xb8;
	[tilespmem:$0x1C8C0] =	vst v63  }
0x57: {  	_ =	swait.ge [sflag:s26], $0x2000  }
0x58: {  	[sflag:s26] =	ssyncset.done $0x0  }
0x59: {  	[sflag:s26] =	ssyncadd.s32 $0xFFFFE000  }
0x5a: {  	[spmem:s2] =	stream.indirect.scatter.add.f32 [tilespmem:s23], [sflag:$0x4], $0x40, s31, s20, $0xb8;
	[tilespmem:$0x1C8C0] =	vst v63  }
0x5b: {  	_ =	swait.ge [sflag:s28], $0x2000  }
0x5c: {  	[sflag:s28] =	ssyncset.done $0x0  }
0x5d: {  	[sflag:s28] =	ssyncadd.s32 $0xFFFFE000  }
0x5e: {  	_ =	swait.ge [sflag:s29], $0x2000  }
0x5f: {  	[sflag:s29] =	ssyncset.done $0x0  }
0x60: {  	s3 =	simm.s32 $0x0;
	[sflag:s29] =	ssyncadd.s32 $0xFFFFE000  }
0x61: {  	[tilespmem:s13], [sflag:$0x5] =	stream.linear.gather [hbm4b:s9+s3], $0x5000, $0x38;
	[tilespmem:$0x1C8C0] =	vst v63  }
0x62: {  	_ =	swait.ge [sflag:s14], $0x5000  }
0x63: {  	[sflag:s14] =	ssyncset.done $0x0  }
0x64: {  	[sflag:s14] =	ssyncadd.s32 $0xFFFFB000  }
0x65: {  	[tilespmem:s21], [sflag:$0x1] =	stream.indirect.gather [spmem:s1], $0x40, s13, s20, $0xb8;
	[tilespmem:$0x1C8C0] =	vst v63  }
0x66: {  	_ = 	snop  }
0x67: {  	[tilespmem:s23], [sflag:$0x2] =	stream.indirect.gather [spmem:s1], $0x40, s22, s20, $0xb8;
	[tilespmem:$0x1C8C0] =	vst v63  }
0x68: {  	_ =	swait.ge [sflag:s24], $0x2000  }
0x69: {  	[sflag:s24] =	ssyncset.done $0x0  }
0x6a: {  	s6 =	simm.s32 $0x13940;
	[sflag:s24] =	ssyncadd.s32 $0xFFFFE000  }
0x6b: {  	[spmem:s2] =	stream.indirect.scatter.add.f32 [tilespmem:s21], [sflag:$0x3], $0x40, s6, s20, $0xb8;
	[tilespmem:$0x1C8C0] =	vst v63  }
0x6c: {  	_ =	swait.ge [sflag:s26], $0x2000  }
0x6d: {  	[sflag:s26] =	ssyncset.done $0x0  }
0x6e: {  	s4 =	simm.s32 $0x13A40;
	[sflag:s26] =	ssyncadd.s32 $0xFFFFE000  }
0x6f: {  	[spmem:s2] =	stream.indirect.scatter.add.f32 [tilespmem:s23], [sflag:$0x4], $0x40, s4, s20, $0xb8;
	[tilespmem:$0x1C8C0] =	vst v63  }
0x70: {  	_ =	swait.ge [sflag:s28], $0x2000  }
0x71: {  	[sflag:s28] =	ssyncset.done $0x0  }
0x72: {  	s6 =	simm.s32 $0x13AC0;
	[sflag:s28] =	ssyncadd.s32 $0xFFFFE000  }
0x73: {  	[tilespmem:s21], [sflag:$0x1] =	stream.indirect.gather [spmem:s1], $0x40, s6, s20, $0xb8;
	[tilespmem:$0x1C8C0] =	vst v63  }
0x74: {  	_ =	swait.ge [sflag:s29], $0x2000  }
0x75: {  	[sflag:s29] =	ssyncset.done $0x0  }
0x76: {  	s3 =	simm.s32 $0xFFFED000;
	s4 =	simm.s32 $0x13BC0;
	[sflag:s29] =	ssyncadd.s32 $0xFFFFE000  }
.LBB2_4:
0x77: {  	[tilespmem:s23], [sflag:$0x2] =	stream.indirect.gather [spmem:s1], $0x40, s4, s20, $0xb8;
	[tilespmem:$0x1C8C0] =	vst v63  }
0x78: {  	s4 =	smov.u32 s3  }
0x79: {  	p1 =	sne.s32 s3, $0xFFFFF800;
	s3 =	sadd.s32 $0x800, s3;
	_ =	swait.ge [sflag:s24], $0x2000  }
0x7a: {  	s4 =	sshra.s32 s4, $0x2;
	[sflag:s24] =	ssyncset.done $0x0  }
0x7b: {  	s6 =	sadd.s32 $0x18740, s4;
	[sflag:s24] =	ssyncadd.s32 $0xFFFFE000  }
0x7c: {  	[spmem:s2] =	stream.indirect.scatter.add.f32 [tilespmem:s21], [sflag:$0x3], $0x40, s6, s20, $0xb8;
	[tilespmem:$0x1C8C0] =	vst v63  }
0x7d: {  	_ =	swait.ge [sflag:s26], $0x2000  }
0x7e: {  	[sflag:s26] =	ssyncset.done $0x0  }
0x7f: {  	s6 =	sadd.s32 $0x18840, s4;
	[sflag:s26] =	ssyncadd.s32 $0xFFFFE000  }
0x80: {  	[spmem:s2] =	stream.indirect.scatter.add.f32 [tilespmem:s23], [sflag:$0x4], $0x40, s6, s20, $0xb8;
	[tilespmem:$0x1C8C0] =	vst v63  }
0x81: {  	_ =	swait.ge [sflag:s28], $0x2000  }
0x82: {  	[sflag:s28] =	ssyncset.done $0x0  }
.Ltmp1:
0x83: {  	s6 =	sadd.s32 $0x188C0, s4;
	[sflag:s28] =	ssyncadd.s32 $0xFFFFE000;
	(pc) =	sbr.rel @p1 .LBB2_4-.Ltmp1, $4  }
0x84: {  	[tilespmem:s21], [sflag:$0x1] =	stream.indirect.gather [spmem:s1], $0x40, s6, s20, $0xb8;
	[tilespmem:$0x1C8C0] =	vst v63  }
0x85: {  	_ =	swait.ge [sflag:s29], $0x2000  }
0x86: {  	[sflag:s29] =	ssyncset.done $0x0  }
0x87: {  	s4 =	sadd.s32 $0x189C0, s4;
	[sflag:s29] =	ssyncadd.s32 $0xFFFFE000  }
0x88: {  	[tilespmem:s23], [sflag:$0x2] =	stream.indirect.gather [spmem:s1], $0x40, s4, s20, $0xb8;
	[tilespmem:$0x1C8C0] =	vst v63  }
0x89: {  	_ =	swait.ge [sflag:s24], $0x2000  }
0x8a: {  	[sflag:s24] =	ssyncset.done $0x0  }
0x8b: {  	[sflag:s24] =	ssyncadd.s32 $0xFFFFE000  }
0x8c: {  	[spmem:s2] =	stream.indirect.scatter.add.f32 [tilespmem:s21], [sflag:$0x3], $0x40, s30, s20, $0xb8;
	[tilespmem:$0x1C8C0] =	vst v63  }
0x8d: {  	_ =	swait.ge [sflag:s26], $0x2000  }
0x8e: {  	[sflag:s26] =	ssyncset.done $0x0  }
0x8f: {  	[sflag:s26] =	ssyncadd.s32 $0xFFFFE000  }
0x90: {  	[spmem:s2] =	stream.indirect.scatter.add.f32 [tilespmem:s23], [sflag:$0x4], $0x40, s31, s20, $0xb8;
	[tilespmem:$0x1C8C0] =	vst v63  }
0x91: {  	_ =	swait.ge [sflag:s28], $0x2000  }
0x92: {  	[sflag:s28] =	ssyncset.done $0x0  }
0x93: {  	[sflag:s28] =	ssyncadd.s32 $0xFFFFE000  }
0x94: {  	_ =	swait.ge [sflag:s29], $0x2000  }
0x95: {  	[sflag:s29] =	ssyncset.done $0x0  }
0x96: {  	[sflag:s29] =	ssyncadd.s32 $0xFFFFE000  }
0x97: {  	s3 =	simm.s32 @p0 $0x1FC5;
	[bflag:$0x0] =	sbarrier.arrive $0xFFFF  }
0x98: {  	[hbm:s11], [sflag:s3] =	dma.local @p0 [spmem:s16], $0x10C0  }
0x99: {  	s3 =	simm.s32 @p0 $0x5  }
0x9a: {  	s0 =	sadd.s32 $0x1, s0;
	_ =	swait.ge @p0 [sflag:s3], $0x10C0  }
0x9b: {  	p1 =	sne.s32 s0, s12;
	[sflag:s3] =	ssyncset.done @p0 $0x0  }
.Ltmp2:
0x9c: {  	[sflag:s3] =	ssyncadd.s32 @p0 $0xFFFFEF40;
	s3 =	simm.s32 @!p0 $0x5;
	(pc) =	sbr.rel @p1 .LBB2_1-.Ltmp2, $4  }
0x9d: {  	[hbm:s10], [sflag:s17] =	dma.local @!p0 [spmem:s25], $0x13C0  }
0x9e: {  	_ =	swait.ge @!p0 [sflag:s3], $0x13C0  }
0x9f: {  	[sflag:s3] =	ssyncset.done @!p0 $0x0  }
0xa0: {  	[sflag:s3] =	ssyncadd.s32 @!p0 $0xFFFFEC40  }
0xa1: {  	_ =	sfence.sel $0x180000  }
0xa2: {  	[bflag:$0x0] =	sbarrier.arrive $0xFFFF  }
0xa3: {  	_ =	strace $0x9000004D  }
0xa4: {  	s0 =	stileid.u32;
	[bflag:$0x2] =	sbarrier.arrive $0xFFFF  }
0xa5: {  	p0 =	sne.s32 s0, $0x0;
	s0 =	rddreg [dreg:$0x3]  }
0xa6: {  	s0 =	sadd.s32 @!p0 $0x100000, s0  }
0xa7: {  	[sflag:s0] =	ssyncadd.tile.s32 @!p0 $0x1;
	_ =	shalt  }
.Lfunc_end2:
_tile_overlayer_lowered:
.L_overlay_start_2:
0xa8: {  	(tag) =	ssettag $0x2  }
0xa9: {  	s0 =	rddreg [dreg:$0x0];
	s2 =	stileid.u32  }
0xaa: {  	s1 =	rddreg [dreg:$0x1];
	p0 =	sne.s32 s2, $0x0  }
0xab: {  	s3 =	rddreg [dreg:$0x2];
	[bflag:$0x3] =	sbarrier.arrive $0xFFFF;
	s2 =	simm.s32 @!p0 $0x1C05  }
0xac: {  	[timem:s3], [sflag:s2] =	dma.local @!p0 [hbm:s0], s1  }
0xad: {  	s0 =	simm.s32 @!p0 $0x5  }
0xae: {  	_ =	swait.ge @!p0 [sflag:s0], s1  }
0xaf: {  	s1 =	ssub.s32 @!p0 $0x0, s1;
	[sflag:s0] =	ssyncset.done @!p0 $0x0  }
0xb0: {  	[sflag:s0] =	ssyncadd.s32 @!p0 s1  }
0xb1: {  	[bflag:$0x3] =	sbarrier.arrive $0xFFFF  }
0xb2: {  	_ =	shalt  }

// kernel: kernel.9.cloned.1.call-start
scs
__scs_entry_jumppad:
0x0: {  	(pc) =	sbr.rel $0x88, $3  }
0x1: {  	(tag) =	ssettag $0x0;
	lr =	simm.s32 $0x1  }
0x2: {  	[smem:$0x3F8A] =	sst lr;
	_ =	strace $0xD0000000  }
0x3: {  	_ = 	snop  }
0x4: {  	_ = 	snop  }
0x5: {  	_ = 	snop  }
0x6: {  	_ = 	snop  }
0x7: {  	_ = 	snop  }
__scs_overlays_trampoline_lowered:
0x8: {  	[smem:$0x3F99] =	sst s0  }
0x9: {  	[smem:$0x3F9A] =	sst s1  }
0xa: {  	[smem:$0x3F9B] =	sst s2  }
0xb: {  	[smem:$0x3F9C] =	sst s3  }
0xc: {  	[smem:$0x3F9D] =	sst s4  }
0xd: {  	[smem:$0x3F9E] =	sst s5  }
0xe: {  	[smem:$0x3F9F] =	sst s6  }
0xf: {  	[smem:$0x3FA0] =	sst s7  }
0x10: {  	[smem:$0x3FA1] =	sst s8  }
0x11: {  	[smem:$0x3FA2] =	sst s9;
	s0 =	simm.s32 @!p0 $0x0  }
0x12: {  	s1 =	sld [smem:$0x3F88];
	s0 =	simm.s32 @p0 $0x1  }
0x13: {  	[smem:$0x3FA3] =	sst s0;
	s0 =	simm.s32 @!p1 $0x0  }
0x14: {  	s2 =	sld [smem:$0x3F87];
	s0 =	simm.s32 @p1 $0x1  }
0x15: {  	[smem:$0x3FA4] =	sst s0;
	s0 =	simm.s32 @!p2 $0x0  }
0x16: {  	s3 =	sld [smem:$0x3FDB];
	s0 =	simm.s32 @p2 $0x1  }
0x17: {  	s4 =	simm.s32 $0x1BF5;
	[smem:$0x3FA6] =	sst s0  }
0x18: {  	s0 =	sld [smem:$0x3F89];
	_ =	swait.ge [sflag:s4], $0x0  }
0x19: {  	s7 =	sld [smem:$0x3F8A]  }
0x1a: {  	s8 =	sadd.s32 $0xFFFFE003, lr  }
0x1b: {  	s9 =	sadd.s32 $0xFFFFFEF7, lr;
	s5 =	simm.s32 $0xFFFFFFFF;
	p2 =	slt.u32 s8, $0xFFFFF086  }
0x1c: {  	p1 =	slt.u32 s9, $0xF7A;
	s5 =	simm.s32 @!p2 $0x0  }
0x1d: {  	s5 =	simm.s32 @p1 $0x1;
	p0 =	seq.s32 s7, s2  }
0x1e: {  	s7 =	smul.u32 @!p0 $0xF7A, s2;
	p2 =	seq.s32 @!p0 s5, $0x0  }
0x1f: {  	s9 =	smul.u32 $0xF7A, s1;
	s8 =	simm.s32 @!p0 $0x1BF5;
	p2 =	por !p2, p0  }
0x20: {  	[sflag:s8] =	ssyncset.s32 @!p0 $0xFFFFF086;
	s6 =	sadd.s32 @!p0 s3, s7;
	s7 =	simm.s32 @!p0 $0x108  }
0x21: {  	s3 =	sadd.s32 s3, s9;
	s6 =	sadd.s32 @!p0 $0x88, s6;
	s7 =	simm.s32 @p2 $0x1082  }
0x22: {  	[simem:s7], [sflag:s8] =	dma.local @!p0 [hbm:s6], $0xF7A  }
0x23: {  	s9 =	sor.u32 $0xD0000000, s2;
	s6 =	simm.s32 $0x108;
	_ =	swait.ge @!p0 [sflag:s8], $0x0  }
0x24: {  	s3 =	sadd.s32 $0x88, s3;
	s6 =	simm.s32 @!p1 $0x1082;
	[sflag:s4] =	ssyncset.s32 $0xFFFFF086  }
0x25: {  	[simem:s6], [sflag:s4] =	dma.local [hbm:s3], $0xF7A  }
0x26: {  	[smem:$0x3F8A] =	sst s1;
	(tag) =	ssettag s2;
	_ =	strace s9  }
0x27: {  	s1 =	sld [smem:$0x3F9A]  }
0x28: {  	s2 =	sld [smem:$0x3F9B]  }
0x29: {  	s4 =	sld [smem:$0x3F9D]  }
0x2a: {  	p0 =	seq.s32 s5, $0x0;
	s5 =	sld [smem:$0x3F9E]  }
0x2b: {  	s6 =	sld [smem:$0x3F9F]  }
0x2c: {  	s7 =	sld [smem:$0x3FA0]  }
0x2d: {  	s3 =	simm.s32 $0x108;
	s8 =	sld [smem:$0x3FA1]  }
0x2e: {  	s3 =	simm.s32 @!p0 $0x1082;
	s9 =	sld [smem:$0x3FA2]  }
0x2f: {  	lr =	sadd.s32 s0, s3;
	s0 =	sld [smem:$0x3F99]  }
0x30: {  	s3 =	sld [smem:$0x3F9C]  }
0x31: {  	[smem:$0x3FA5] =	sst s10  }
0x32: {  	s10 =	sld [smem:$0x3FA3];
	_ =	sdelay $0x3  }
0x33: {  	p0 =	seq.s32 s10, $0x1;
	s10 =	sld [smem:$0x3FA5];
	_ =	sdelay $0x3  }
0x34: {  	[smem:$0x3FA5] =	sst s10  }
0x35: {  	s10 =	sld [smem:$0x3FA4];
	_ =	sdelay $0x3  }
0x36: {  	p1 =	seq.s32 s10, $0x1;
	s10 =	sld [smem:$0x3FA5];
	_ =	sdelay $0x3  }
0x37: {  	[smem:$0x3FA5] =	sst s10  }
0x38: {  	s10 =	sld [smem:$0x3FA6]  }
0x39: {  	_ = 	snop;
	(pc) =	sbr.ind lr, $3  }
0x3a: {  	_ = 	snop  }
0x3b: {  	_ = 	snop  }
0x3c: {  	p2 =	seq.s32 s10, $0x1;
	s10 =	sld [smem:$0x3FA5]  }
0x3d: {  	_ =	shalt  }
0x3e: {  	_ =	shalt  }
0x3f: {  	_ =	shalt  }
0x40: {  	_ =	shalt  }
0x41: {  	_ =	shalt  }
0x42: {  	_ =	shalt  }
0x43: {  	_ =	shalt  }
0x44: {  	_ =	shalt  }
0x45: {  	_ =	shalt  }
0x46: {  	_ =	shalt  }
0x47: {  	_ =	shalt  }
0x48: {  	_ =	shalt  }
0x49: {  	_ =	shalt  }
0x4a: {  	_ =	shalt  }
0x4b: {  	_ =	shalt  }
0x4c: {  	_ =	shalt  }
0x4d: {  	_ =	shalt  }
0x4e: {  	_ =	shalt  }
0x4f: {  	_ =	shalt  }
0x50: {  	_ =	shalt  }
0x51: {  	_ =	shalt  }
0x52: {  	_ =	shalt  }
0x53: {  	_ =	shalt  }
0x54: {  	_ =	shalt  }
0x55: {  	_ =	shalt  }
0x56: {  	_ =	shalt  }
0x57: {  	_ =	shalt  }
0x58: {  	_ =	shalt  }
0x59: {  	_ =	shalt  }
0x5a: {  	_ =	shalt  }
0x5b: {  	_ =	shalt  }
0x5c: {  	_ =	shalt  }
0x5d: {  	_ =	shalt  }
0x5e: {  	_ =	shalt  }
0x5f: {  	_ =	shalt  }
0x60: {  	_ =	shalt  }
0x61: {  	_ =	shalt  }
0x62: {  	_ =	shalt  }
0x63: {  	_ =	shalt  }
0x64: {  	_ =	shalt  }
0x65: {  	_ =	shalt  }
0x66: {  	_ =	shalt  }
0x67: {  	_ =	shalt  }
0x68: {  	_ =	shalt  }
0x69: {  	_ =	shalt  }
0x6a: {  	_ =	shalt  }
0x6b: {  	_ =	shalt  }
0x6c: {  	_ =	shalt  }
0x6d: {  	_ =	shalt  }
0x6e: {  	_ =	shalt  }
0x6f: {  	_ =	shalt  }
0x70: {  	_ =	shalt  }
0x71: {  	_ =	shalt  }
0x72: {  	_ =	shalt  }
0x73: {  	_ =	shalt  }
0x74: {  	_ =	shalt  }
0x75: {  	_ =	shalt  }
0x76: {  	_ =	shalt  }
0x77: {  	_ =	shalt  }
0x78: {  	_ =	shalt  }
0x79: {  	_ =	shalt  }
0x7a: {  	_ =	shalt  }
0x7b: {  	_ =	shalt  }
0x7c: {  	_ =	shalt  }
0x7d: {  	_ =	shalt  }
0x7e: {  	_ =	shalt  }
0x7f: {  	_ =	shalt  }
0x80: {  	_ =	shalt  }
0x81: {  	_ =	shalt  }
0x82: {  	_ =	shalt  }
0x83: {  	_ =	shalt  }
0x84: {  	_ =	shalt  }
0x85: {  	_ =	shalt  }
0x86: {  	_ =	shalt  }
0x87: {  	_ =	shalt  }
.Lfunc_end0:
.L_simem_size_0:
called_computation_lowered:
.L_overlay_start_0:
0x88: {  	s2 =	sld [smem:$0x3FD9]  }
0x89: {  	s3 =	sld [smem:$0x3FFE];
	_ =	sdelay $0x1  }
0x8a: {  	s1 =	srdreg.scid  }
0x8b: {  	s0 =	sand.u32 $0x1, s1  }
0x8c: {  	s16 =	sshll.u32 s0, $0xA;
	s2 =	sadd.s32 s3, s2  }
0x8d: {  	s2 =	sadd.s32 s2, s16  }
0x8e: {  	[smem:$0x3FB1] =	sst s2  }
0x8f: {  	_ = 	snop  }
0x90: {  	(tm) =	ssettm $0x1  }
0x91: {  	s17 =	sld [smem:$0x3FFB];
	_ =	sdelay $0x3  }
0x92: {  	_ =	strace s17  }
0x93: {  	s2 =	sld [smem:$0x3FFC];
	_ =	sdelay $0x3  }
0x94: {  	_ =	strace s2  }
0x95: {  	s2 =	sld [smem:$0x3FFD];
	_ =	sdelay $0x3  }
0x96: {  	_ =	strace s2  }
0x97: {  	_ =	strace $0x8FFFFFFF  }
0x98: {  	s18 =	sld [smem:$0x3FDB];
	_ =	sdelay $0x1  }
0x99: {  	s19 =	simm.s32 $_scs_section_size  }
0x9a: {  	s4 =	simm.s32 $_size__tile_overlayer_lowered;
	s5 =	simm.s32 $_tile_overlayer_lowered  }
0x9b: {  	s22 =	simm.s32 $0x1BFF;
	s21 =	sshll.u32 s5, $0x1;
	s2 =	sadd.s32 s19, s18  }
0x9c: {  	s6 =	simm.s32 $0x0;
	s20 =	sshll.u32 s4, $0x1;
	s4 =	sadd.s32 s21, s2  }
0x9d: {  	[timem:s6], [sflag:s22] =	dma.local [hbm:s4], s20  }
0x9e: {  	_ =	swait.ge [sflag:s22], s20  }
0x9f: {  	s3 =	ssub.s32 $0x0, s20;
	[sflag:s22] =	ssyncset.done $0x0  }
0xa0: {  	[sflag:s22] =	ssyncadd.s32 s3;
	_ =	sdelay $0x1  }
0xa1: {  	s23 =	simm.s32 $0x1B8B  }
0xa2: {  	_ =	swait.ge [sflag:s23], $0x1  }
0xa3: {  	[sflag:s23] =	ssyncset.done $0x0  }
0xa4: {  	s25 =	simm.s32 $0x1B8E;
	s24 =	sld [smem:$0x3FFE];
	[sflag:s23] =	ssyncadd.s32 $0xFFFFFFFF  }
0xa5: {  	s26 =	simm.s32 $execute0_lowered;
	[smem:$0x3FD2] =	sst s25  }
0xa6: {  	s4 =	sshll.u32 s26, $0x1;
	_ =	strace $0x80000046;
	[dreg:$0x1] =	wrdreg $0xFFFFFFFF  }
0xa7: {  	s28 =	simm.s32 $_size_execute0_lowered;
	s2 =	sadd.s32 s2, s4;
	[dreg:$0x0] =	wrdreg $0x0  }
0xa8: {  	s4 =	sshll.u32 s28, $0x1;
	[dreg:$0x2] =	wrdreg s2  }
0xa9: {  	[dreg:$0x3] =	wrdreg s4  }
0xaa: {  	[dreg:$0x4] =	wrdreg $0xC0  }
0xab: {  	_ =	task [dreg:s6], $0x5FFFF  }
0xac: {  	[dreg:$0x1] =	wrdreg $0xFFFFFFFF  }
0xad: {  	[dreg:$0x0] =	wrdreg $0x60  }
0xae: {  	[dreg:$0x2] =	wrdreg s24  }
0xaf: {  	[dreg:$0x3] =	wrdreg $0x9C800  }
0xb0: {  	[dreg:$0x4] =	wrdreg $0x0  }
0xb1: {  	[dreg:$0x5] =	wrdreg $0x9  }
0xb2: {  	_ =	task.clear_ibuf [dreg:s6], $0x6FFFF;
	_ =	strace $0x90000046  }
0xb3: {  	s29 =	simm.s32 $0x9;
	_ =	strace $0x80000048  }
0xb4: {  	_ =	swait.ge [sflag:s29], $0x1  }
0xb5: {  	[sflag:s29] =	ssyncadd.s32 $0xFFFFFFFF  }
0xb6: {  	_ =	strace $0x90000048  }
0xb7: {  	_ =	sfence  }
0xb8: {  	s30 =	sld [smem:$0x0];
	_ =	sdelay $0x2  }
0xb9: {  	s31 =	sshll.u32 s1, $0xD;
	s1 =	sshrl.u32 s1, $0x2  }
0xba: {  	s3 =	sand.u32 $0x4000, s31;
	s1 =	sadd.s32 s1, s30  }
0xbb: {  	s0 =	sor.u32 s3, s0;
	s1 =	sshll.u32 s1, $0x11  }
0xbc: {  	s0 =	sor.u32 s1, s0  }
0xbd: {  	s0 =	sadd.s32 $0x8F2B, s0  }
0xbe: {  	[sflag:s0] =	ssyncadd.remote.s32 $0x1  }
0xbf: {  	_ =	sfence.sel $0xFFFF  }
0xc0: {  	[dreg:$0x0] =	wrdreg $0xFFFFFFFF;
	(pc) =	sbr.abs _section_cstart, $3  }
0xc1: {  	[dreg:$0x1] =	wrdreg $0xFFFFFFFF  }
0xc2: {  	_ =	task.clear_ibuf [dreg:s6], $0x2FFFF;
	_ =	strace $0x9FFFFFFF  }
0xc3: {  	(tm) =	ssettm $0x7FFFFFFF  }
tec
execute0_lowered:
.L_overlay_start_1:
0x0: {  	(tag) =	ssettag $0x1  }
0x1: {  	s0 =	rddreg [dreg:$0x0]  }
0x2: {  	s1 =	rddreg [dreg:$0x1]  }
0x3: {  	s2 =	rddreg [dreg:$0x2];
	s3 =	simm.s32 $0x0;
	s17 =	stileid.u32  }
0x4: {  	s20 =	srdreg.scid;
	s14 =	simm.s32 $0x5;
	s4 =	smul.u32 $0x1400, s17  }
0x5: {  	s28 =	simm.s32 $0x3;
	s29 =	simm.s32 $0x4;
	s10 =	smul.u32 $0x13C0, s17  }
0x6: {  	s30 =	simm.s32 $0x18740;
	s31 =	simm.s32 $0x18840;
	s12 =	smul.u32 $0x9E00, s17  }
0x7: {  	[smem:$0x7FF] =	sst s3;
	s3 =	sand.u32 $0x1, s20;
	s23 =	smul.u32 $0xA000, s17  }
0x8: {  	s8 =	sadd.s32 $0x51400, s0;
	s9 =	sadd.s32 $0x78600, s0;
	s25 =	smul.u32 $0x27800, s17  }
0x9: {  	s5 =	sadd.s32 $0x8C600, s0;
	s0 =	sadd.s32 $0x8DA00, s0;
	s6 =	smul.u32 $0x13880, s3  }
0xa: {  	s15 =	sadd.s32 $0x94200, s1;
	s16 =	sadd.s32 $0x94200, s2;
	s22 =	smul.u32 $0x9C400, s3  }
0xb: {  	p0 =	seq.s32 s17, $0xF;
	s20 =	simm.s32 $0x80;
	s24 =	smul.u32 $0x13900, s3  }
0xc: {  	_ =	strace $0x80000047;
	s7 =	ssub.s32 $0x2, s3;
	s3 =	smul.u32 $0x9C800, s3  }
0xd: {  	s15 =	sshrl.u32 @p0 s15, $0x3;
	s16 =	sshrl.u32 @p0 s16, $0x3;
	s11 =	sshrl.u32 s7, $0x1  }
0xe: {  	s4 =	sadd.s32 s9, s4;
	s19 =	sadd.s32 s12, s2;
	s26 =	sshrl.u32 s25, $0x2  }
0xf: {  	s13 =	ssub.s32 s7, s11;
	s21 =	sadd.s32 s10, s6;
	[dreg:$0x4] =	wrdreg s4  }
0x10: {  	s4 =	sadd.s32 s12, s1;
	s11 =	sshrl.u32 s22, $0x3;
	s12 =	sshrl.u32 s23, $0x3  }
0x11: {  	s10 =	sadd.s32 s10, s24;
	s3 =	sshrl.u32 s3, $0x3;
	s19 =	sshrl.u32 @!p0 s19, $0x3  }
0x12: {  	s22 =	simm.s32 $0x139C0;
	s23 =	simm.s32 $0x1A8C0;
	s24 =	simm.s32 $0x1  }
0x13: {  	s7 =	sadd.s32 s8, s21;
	s8 =	sadd.s32 s8, s11;
	s9 =	sadd.s32 s9, s12  }
0x14: {  	s10 =	sadd.s32 s0, s10;
	s0 =	sadd.s32 s0, s3;
	s3 =	sadd.s32 s26, s2  }
0x15: {  	s12 =	smax.u32 s13, $0x1;
	s13 =	simm.s32 $0x138C0;
	s18 =	sshrl.u32 @!p0 s4, $0x3  }
0x16: {  	s21 =	simm.s32 $0x188C0;
	s26 =	simm.s32 $0x2;
	s8 =	sadd.s32 $0x12840, s8  }
0x17: {  	s9 =	sadd.s32 $0xA00, s9;
	s11 =	sadd.s32 $0x12840, s0;
	s0 =	sshll.u32 @!p0 s17, $0x6  }
0x18: {  	s25 =	sshrl.u32 @!p0 s3, $0x3;
	s17 =	sor.u32 @!p0 $0x1C05, s0;
	s0 =	simm.s32 $0x0  }
.LBB2_1:
0x19: {  	s3 =	simm.s32 $0x0;
	s4 =	rddreg [dreg:$0x4]  }
0x1a: {  	[tilespmem:s13], [sflag:$0x5] =	stream.linear.gather [hbm4b:s4+s3], $0x5000, $0x38;
	[tilespmem:$0x1C8C0] =	vst v63  }
0x1b: {  	_ =	swait.ge [sflag:s14], $0x5000  }
0x1c: {  	[sflag:s14] =	ssyncset.done $0x0  }
0x1d: {  	s3 =	simm.s32 @p0 $0x1FC5;
	s4 =	simm.s32 @p0 $0x5;
	[sflag:s14] =	ssyncadd.s32 $0xFFFFB000  }
0x1e: {  	[spmem:s15], [sflag:s3] =	dma.local @p0 [hbm:s8], $0x1040  }
0x1f: {  	_ =	swait.ge @p0 [sflag:s4], $0x1040  }
0x20: {  	[sflag:s4] =	ssyncset.done @p0 $0x0  }
0x21: {  	[sflag:s4] =	ssyncadd.s32 @p0 $0xFFFFEFC0  }
0x22: {  	[spmem:s16], [sflag:s3] =	dma.local @p0 [hbm:s5], $0x10C0  }
0x23: {  	_ =	swait.ge @p0 [sflag:s4], $0x10C0  }
0x24: {  	[sflag:s4] =	ssyncset.done @p0 $0x0  }
0x25: {  	s3 =	simm.s32 @!p0 $0x5;
	[sflag:s4] =	ssyncadd.s32 @p0 $0xFFFFEF40  }
0x26: {  	[spmem:s18], [sflag:s17] =	dma.local @!p0 [hbm:s7], $0x13C0  }
0x27: {  	_ =	swait.ge @!p0 [sflag:s3], $0x13C0  }
0x28: {  	[sflag:s3] =	ssyncset.done @!p0 $0x0  }
0x29: {  	[sflag:s3] =	ssyncadd.s32 @!p0 $0xFFFFEC40  }
0x2a: {  	[spmem:s19], [sflag:s17] =	dma.local @!p0 [hbm:s5], $0x13C0  }
0x2b: {  	_ =	swait.ge @!p0 [sflag:s3], $0x13C0  }
0x2c: {  	[sflag:s3] =	ssyncset.done @!p0 $0x0  }
0x2d: {  	[sflag:s3] =	ssyncadd.s32 @!p0 $0xFFFFEC40  }
0x2e: {  	[bflag:$0x0] =	sbarrier.arrive $0xFFFF  }
0x2f: {  	[tilespmem:s21], [sflag:$0x1] =	stream.indirect.gather [spmem:s1], $0x40, s13, s20, $0xb8;
	[tilespmem:$0x1C8C0] =	vst v63  }
0x30: {  	_ = 	snop  }
0x31: {  	[tilespmem:s23], [sflag:$0x2] =	stream.indirect.gather [spmem:s1], $0x40, s22, s20, $0xb8;
	[tilespmem:$0x1C8C0] =	vst v63  }
0x32: {  	_ =	swait.ge [sflag:s24], $0x2000  }
0x33: {  	[sflag:s24] =	ssyncset.done $0x0  }
0x34: {  	s6 =	simm.s32 $0x13940;
	[sflag:s24] =	ssyncadd.s32 $0xFFFFE000  }
0x35: {  	[spmem:s2] =	stream.indirect.scatter.add.f32 [tilespmem:s21], [sflag:$0x3], $0x40, s6, s20, $0xb8;
	[tilespmem:$0x1C8C0] =	vst v63  }
0x36: {  	_ =	swait.ge [sflag:s26], $0x2000  }
0x37: {  	[sflag:s26] =	ssyncset.done $0x0  }
0x38: {  	s4 =	simm.s32 $0x13A40;
	[sflag:s26] =	ssyncadd.s32 $0xFFFFE000  }
0x39: {  	[spmem:s2] =	stream.indirect.scatter.add.f32 [tilespmem:s23], [sflag:$0x4], $0x40, s4, s20, $0xb8;
	[tilespmem:$0x1C8C0] =	vst v63  }
0x3a: {  	_ =	swait.ge [sflag:s28], $0x2000  }
0x3b: {  	[sflag:s28] =	ssyncset.done $0x0  }
0x3c: {  	s6 =	simm.s32 $0x13AC0;
	[sflag:s28] =	ssyncadd.s32 $0xFFFFE000  }
0x3d: {  	[tilespmem:s21], [sflag:$0x1] =	stream.indirect.gather [spmem:s1], $0x40, s6, s20, $0xb8;
	[tilespmem:$0x1C8C0] =	vst v63  }
0x3e: {  	_ =	swait.ge [sflag:s29], $0x2000  }
0x3f: {  	[sflag:s29] =	ssyncset.done $0x0  }
0x40: {  	s3 =	simm.s32 $0xFFFED000;
	s4 =	simm.s32 $0x13BC0;
	[sflag:s29] =	ssyncadd.s32 $0xFFFFE000  }
.LBB2_2:
0x41: {  	[tilespmem:s23], [sflag:$0x2] =	stream.indirect.gather [spmem:s1], $0x40, s4, s20, $0xb8;
	[tilespmem:$0x1C8C0] =	vst v63  }
0x42: {  	s4 =	smov.u32 s3  }
0x43: {  	p1 =	sne.s32 s3, $0xFFFFF800;
	s3 =	sadd.s32 $0x800, s3;
	_ =	swait.ge [sflag:s24], $0x2000  }
0x44: {  	s4 =	sshra.s32 s4, $0x2;
	[sflag:s24] =	ssyncset.done $0x0  }
0x45: {  	s6 =	sadd.s32 $0x18740, s4;
	[sflag:s24] =	ssyncadd.s32 $0xFFFFE000  }
0x46: {  	[spmem:s2] =	stream.indirect.scatter.add.f32 [tilespmem:s21], [sflag:$0x3], $0x40, s6, s20, $0xb8;
	[tilespmem:$0x1C8C0] =	vst v63  }
0x47: {  	_ =	swait.ge [sflag:s26], $0x2000  }
0x48: {  	[sflag:s26] =	ssyncset.done $0x0  }
0x49: {  	s6 =	sadd.s32 $0x18840, s4;
	[sflag:s26] =	ssyncadd.s32 $0xFFFFE000  }
0x4a: {  	[spmem:s2] =	stream.indirect.scatter.add.f32 [tilespmem:s23], [sflag:$0x4], $0x40, s6, s20, $0xb8;
	[tilespmem:$0x1C8C0] =	vst v63  }
0x4b: {  	_ =	swait.ge [sflag:s28], $0x2000  }
0x4c: {  	[sflag:s28] =	ssyncset.done $0x0  }
.Ltmp0:
0x4d: {  	s6 =	sadd.s32 $0x188C0, s4;
	[sflag:s28] =	ssyncadd.s32 $0xFFFFE000;
	(pc) =	sbr.rel @p1 .LBB2_2-.Ltmp0, $4  }
0x4e: {  	[tilespmem:s21], [sflag:$0x1] =	stream.indirect.gather [spmem:s1], $0x40, s6, s20, $0xb8;
	[tilespmem:$0x1C8C0] =	vst v63  }
0x4f: {  	_ =	swait.ge [sflag:s29], $0x2000  }
0x50: {  	[sflag:s29] =	ssyncset.done $0x0  }
0x51: {  	s4 =	sadd.s32 $0x189C0, s4;
	[sflag:s29] =	ssyncadd.s32 $0xFFFFE000  }
0x52: {  	[tilespmem:s23], [sflag:$0x2] =	stream.indirect.gather [spmem:s1], $0x40, s4, s20, $0xb8;
	[tilespmem:$0x1C8C0] =	vst v63  }
0x53: {  	_ =	swait.ge [sflag:s24], $0x2000  }
0x54: {  	[sflag:s24] =	ssyncset.done $0x0  }
0x55: {  	[sflag:s24] =	ssyncadd.s32 $0xFFFFE000  }
0x56: {  	[spmem:s2] =	stream.indirect.scatter.add.f32 [tilespmem:s21], [sflag:$0x3], $0x40, s30, s20, $0xb8;
	[tilespmem:$0x1C8C0] =	vst v63  }
0x57: {  	_ =	swait.ge [sflag:s26], $0x2000  }
0x58: {  	[sflag:s26] =	ssyncset.done $0x0  }
0x59: {  	[sflag:s26] =	ssyncadd.s32 $0xFFFFE000  }
0x5a: {  	[spmem:s2] =	stream.indirect.scatter.add.f32 [tilespmem:s23], [sflag:$0x4], $0x40, s31, s20, $0xb8;
	[tilespmem:$0x1C8C0] =	vst v63  }
0x5b: {  	_ =	swait.ge [sflag:s28], $0x2000  }
0x5c: {  	[sflag:s28] =	ssyncset.done $0x0  }
0x5d: {  	[sflag:s28] =	ssyncadd.s32 $0xFFFFE000  }
0x5e: {  	_ =	swait.ge [sflag:s29], $0x2000  }
0x5f: {  	[sflag:s29] =	ssyncset.done $0x0  }
0x60: {  	s3 =	simm.s32 $0x0;
	[sflag:s29] =	ssyncadd.s32 $0xFFFFE000  }
0x61: {  	[tilespmem:s13], [sflag:$0x5] =	stream.linear.gather [hbm4b:s9+s3], $0x5000, $0x38;
	[tilespmem:$0x1C8C0] =	vst v63  }
0x62: {  	_ =	swait.ge [sflag:s14], $0x5000  }
0x63: {  	[sflag:s14] =	ssyncset.done $0x0  }
0x64: {  	[sflag:s14] =	ssyncadd.s32 $0xFFFFB000  }
0x65: {  	[tilespmem:s21], [sflag:$0x1] =	stream.indirect.gather [spmem:s1], $0x40, s13, s20, $0xb8;
	[tilespmem:$0x1C8C0] =	vst v63  }
0x66: {  	_ = 	snop  }
0x67: {  	[tilespmem:s23], [sflag:$0x2] =	stream.indirect.gather [spmem:s1], $0x40, s22, s20, $0xb8;
	[tilespmem:$0x1C8C0] =	vst v63  }
0x68: {  	_ =	swait.ge [sflag:s24], $0x2000  }
0x69: {  	[sflag:s24] =	ssyncset.done $0x0  }
0x6a: {  	s6 =	simm.s32 $0x13940;
	[sflag:s24] =	ssyncadd.s32 $0xFFFFE000  }
0x6b: {  	[spmem:s2] =	stream.indirect.scatter.add.f32 [tilespmem:s21], [sflag:$0x3], $0x40, s6, s20, $0xb8;
	[tilespmem:$0x1C8C0] =	vst v63  }
0x6c: {  	_ =	swait.ge [sflag:s26], $0x2000  }
0x6d: {  	[sflag:s26] =	ssyncset.done $0x0  }
0x6e: {  	s4 =	simm.s32 $0x13A40;
	[sflag:s26] =	ssyncadd.s32 $0xFFFFE000  }
0x6f: {  	[spmem:s2] =	stream.indirect.scatter.add.f32 [tilespmem:s23], [sflag:$0x4], $0x40, s4, s20, $0xb8;
	[tilespmem:$0x1C8C0] =	vst v63  }
0x70: {  	_ =	swait.ge [sflag:s28], $0x2000  }
0x71: {  	[sflag:s28] =	ssyncset.done $0x0  }
0x72: {  	s6 =	simm.s32 $0x13AC0;
	[sflag:s28] =	ssyncadd.s32 $0xFFFFE000  }
0x73: {  	[tilespmem:s21], [sflag:$0x1] =	stream.indirect.gather [spmem:s1], $0x40, s6, s20, $0xb8;
	[tilespmem:$0x1C8C0] =	vst v63  }
0x74: {  	_ =	swait.ge [sflag:s29], $0x2000  }
0x75: {  	[sflag:s29] =	ssyncset.done $0x0  }
0x76: {  	s3 =	simm.s32 $0xFFFED000;
	s4 =	simm.s32 $0x13BC0;
	[sflag:s29] =	ssyncadd.s32 $0xFFFFE000  }
.LBB2_4:
0x77: {  	[tilespmem:s23], [sflag:$0x2] =	stream.indirect.gather [spmem:s1], $0x40, s4, s20, $0xb8;
	[tilespmem:$0x1C8C0] =	vst v63  }
0x78: {  	s4 =	smov.u32 s3  }
0x79: {  	p1 =	sne.s32 s3, $0xFFFFF800;
	s3 =	sadd.s32 $0x800, s3;
	_ =	swait.ge [sflag:s24], $0x2000  }
0x7a: {  	s4 =	sshra.s32 s4, $0x2;
	[sflag:s24] =	ssyncset.done $0x0  }
0x7b: {  	s6 =	sadd.s32 $0x18740, s4;
	[sflag:s24] =	ssyncadd.s32 $0xFFFFE000  }
0x7c: {  	[spmem:s2] =	stream.indirect.scatter.add.f32 [tilespmem:s21], [sflag:$0x3], $0x40, s6, s20, $0xb8;
	[tilespmem:$0x1C8C0] =	vst v63  }
0x7d: {  	_ =	swait.ge [sflag:s26], $0x2000  }
0x7e: {  	[sflag:s26] =	ssyncset.done $0x0  }
0x7f: {  	s6 =	sadd.s32 $0x18840, s4;
	[sflag:s26] =	ssyncadd.s32 $0xFFFFE000  }
0x80: {  	[spmem:s2] =	stream.indirect.scatter.add.f32 [tilespmem:s23], [sflag:$0x4], $0x40, s6, s20, $0xb8;
	[tilespmem:$0x1C8C0] =	vst v63  }
0x81: {  	_ =	swait.ge [sflag:s28], $0x2000  }
0x82: {  	[sflag:s28] =	ssyncset.done $0x0  }
.Ltmp1:
0x83: {  	s6 =	sadd.s32 $0x188C0, s4;
	[sflag:s28] =	ssyncadd.s32 $0xFFFFE000;
	(pc) =	sbr.rel @p1 .LBB2_4-.Ltmp1, $4  }
0x84: {  	[tilespmem:s21], [sflag:$0x1] =	stream.indirect.gather [spmem:s1], $0x40, s6, s20, $0xb8;
	[tilespmem:$0x1C8C0] =	vst v63  }
0x85: {  	_ =	swait.ge [sflag:s29], $0x2000  }
0x86: {  	[sflag:s29] =	ssyncset.done $0x0  }
0x87: {  	s4 =	sadd.s32 $0x189C0, s4;
	[sflag:s29] =	ssyncadd.s32 $0xFFFFE000  }
0x88: {  	[tilespmem:s23], [sflag:$0x2] =	stream.indirect.gather [spmem:s1], $0x40, s4, s20, $0xb8;
	[tilespmem:$0x1C8C0] =	vst v63  }
0x89: {  	_ =	swait.ge [sflag:s24], $0x2000  }
0x8a: {  	[sflag:s24] =	ssyncset.done $0x0  }
0x8b: {  	[sflag:s24] =	ssyncadd.s32 $0xFFFFE000  }
0x8c: {  	[spmem:s2] =	stream.indirect.scatter.add.f32 [tilespmem:s21], [sflag:$0x3], $0x40, s30, s20, $0xb8;
	[tilespmem:$0x1C8C0] =	vst v63  }
0x8d: {  	_ =	swait.ge [sflag:s26], $0x2000  }
0x8e: {  	[sflag:s26] =	ssyncset.done $0x0  }
0x8f: {  	[sflag:s26] =	ssyncadd.s32 $0xFFFFE000  }
0x90: {  	[spmem:s2] =	stream.indirect.scatter.add.f32 [tilespmem:s23], [sflag:$0x4], $0x40, s31, s20, $0xb8;
	[tilespmem:$0x1C8C0] =	vst v63  }
0x91: {  	_ =	swait.ge [sflag:s28], $0x2000  }
0x92: {  	[sflag:s28] =	ssyncset.done $0x0  }
0x93: {  	[sflag:s28] =	ssyncadd.s32 $0xFFFFE000  }
0x94: {  	_ =	swait.ge [sflag:s29], $0x2000  }
0x95: {  	[sflag:s29] =	ssyncset.done $0x0  }
0x96: {  	[sflag:s29] =	ssyncadd.s32 $0xFFFFE000  }
0x97: {  	s3 =	simm.s32 @p0 $0x1FC5;
	[bflag:$0x0] =	sbarrier.arrive $0xFFFF  }
0x98: {  	[hbm:s11], [sflag:s3] =	dma.local @p0 [spmem:s16], $0x10C0  }
0x99: {  	s3 =	simm.s32 @p0 $0x5  }
0x9a: {  	s0 =	sadd.s32 $0x1, s0;
	_ =	swait.ge @p0 [sflag:s3], $0x10C0  }
0x9b: {  	p1 =	sne.s32 s0, s12;
	[sflag:s3] =	ssyncset.done @p0 $0x0  }
.Ltmp2:
0x9c: {  	[sflag:s3] =	ssyncadd.s32 @p0 $0xFFFFEF40;
	s3 =	simm.s32 @!p0 $0x5;
	(pc) =	sbr.rel @p1 .LBB2_1-.Ltmp2, $4  }
0x9d: {  	[hbm:s10], [sflag:s17] =	dma.local @!p0 [spmem:s25], $0x13C0  }
0x9e: {  	_ =	swait.ge @!p0 [sflag:s3], $0x13C0  }
0x9f: {  	[sflag:s3] =	ssyncset.done @!p0 $0x0  }
0xa0: {  	[sflag:s3] =	ssyncadd.s32 @!p0 $0xFFFFEC40  }
0xa1: {  	_ =	sfence.sel $0x180000  }
0xa2: {  	[bflag:$0x0] =	sbarrier.arrive $0xFFFF  }
0xa3: {  	_ =	strace $0x90000047  }
0xa4: {  	s0 =	stileid.u32;
	[bflag:$0x2] =	sbarrier.arrive $0xFFFF  }
0xa5: {  	p0 =	sne.s32 s0, $0x0;
	s0 =	rddreg [dreg:$0x3]  }
0xa6: {  	s0 =	sadd.s32 @!p0 $0x100000, s0  }
0xa7: {  	[sflag:s0] =	ssyncadd.tile.s32 @!p0 $0x1;
	_ =	shalt  }
.Lfunc_end2:
_tile_overlayer_lowered:
.L_overlay_start_2:
0xa8: {  	(tag) =	ssettag $0x2  }
0xa9: {  	s0 =	rddreg [dreg:$0x0];
	s2 =	stileid.u32  }
0xaa: {  	s1 =	rddreg [dreg:$0x1];
	p0 =	sne.s32 s2, $0x0  }
0xab: {  	s3 =	rddreg [dreg:$0x2];
	[bflag:$0x3] =	sbarrier.arrive $0xFFFF;
	s2 =	simm.s32 @!p0 $0x1C05  }
0xac: {  	[timem:s3], [sflag:s2] =	dma.local @!p0 [hbm:s0], s1  }
0xad: {  	s0 =	simm.s32 @!p0 $0x5  }
0xae: {  	_ =	swait.ge @!p0 [sflag:s0], s1  }
0xaf: {  	s1 =	ssub.s32 @!p0 $0x0, s1;
	[sflag:s0] =	ssyncset.done @!p0 $0x0  }
0xb0: {  	[sflag:s0] =	ssyncadd.s32 @!p0 s1  }
0xb1: {  	[bflag:$0x3] =	sbarrier.arrive $0xFFFF  }
0xb2: {  	_ =	shalt  }

</sc_bundles>
